<compile_context>
chip_gen: v7x
topology: tpu7x:2x2x1
jax: 0.10.2.dev20260603
libtpu: 0.0.44.dev20260713+nightly
codegen_flags: <defaults>
</compile_context>

<pallas_src>
import functools

import numpy as np
import jax
import jax.numpy as jnp
from jax import lax
from jax.experimental import pallas as pl
from jax.experimental.pallas import tpu as pltpu
from jax.experimental.pallas import tpu_sc as plsc

OUT_SIZE = 1048576
_ROT = ((13, 15, 26, 6), (17, 29, 16, 24))


def _np_threefry(k0, k1, x0, x1):
    k0 = np.uint32(k0)
    k1 = np.uint32(k1)
    x0 = np.asarray(x0, np.uint32).copy()
    x1 = np.asarray(x1, np.uint32).copy()
    ks = (k0, k1, np.uint32(k0 ^ k1 ^ np.uint32(0x1BD11BDA)))
    x0 = (x0 + ks[0]).astype(np.uint32)
    x1 = (x1 + ks[1]).astype(np.uint32)
    for g in range(5):
        for r in _ROT[g % 2]:
            x0 = (x0 + x1).astype(np.uint32)
            x1 = ((x1 << np.uint32(r)) | (x1 >> np.uint32(32 - r))).astype(np.uint32)
            x1 = x1 ^ x0
        x0 = (x0 + ks[(g + 1) % 3]).astype(np.uint32)
        x1 = (x1 + ks[(g + 2) % 3] + np.uint32(g + 1)).astype(np.uint32)
    return x0, x1


def _np_split2(k0, k1):
    h0, h1 = _np_threefry(k0, k1, np.zeros(2, np.uint32), np.arange(2, dtype=np.uint32))
    return (int(h0[0]), int(h1[0])), (int(h0[1]), int(h1[1]))


def _derive_keys():
    k1o, k2o = _np_split2(0, 1)
    _ka, kb = _np_split2(*k1o)
    return kb, k2o


_KB, _K2 = _derive_keys()


def _i32c(v):
    v = int(v) & 0xFFFFFFFF
    if v >= 1 << 31:
        v -= 1 << 32
    return jnp.int32(v)


_R, _C = 8192, 128
_BR = 2048


def _hash_i32(n, key):
    k0, k1 = key
    ks = (k0, k1, k0 ^ k1 ^ 0x1BD11BDA)
    x0 = jnp.full(n.shape, _i32c(ks[0]), jnp.int32)
    x1 = n + _i32c(ks[1])
    for g in range(5):
        for r in _ROT[g % 2]:
            x0 = x0 + x1
            x1 = lax.shift_left(x1, jnp.int32(r)) | lax.shift_right_logical(
                x1, jnp.int32(32 - r)
            )
            x1 = x1 ^ x0
        x0 = x0 + _i32c(ks[(g + 1) % 3])
        x1 = x1 + _i32c(ks[(g + 2) % 3] + g + 1)
    return x0 ^ x1


def _hash_body(sz_ref, i_ref, u_ref, *, span, row0):
    pid = pl.program_id(0)
    row = lax.broadcasted_iota(jnp.int32, (_BR, _C), 0) + (pid * _BR + row0)
    col = lax.broadcasted_iota(jnp.int32, (_BR, _C), 1)
    n = row * _C + col

    bits_i = _hash_i32(n, _KB)
    xf = bits_i.astype(jnp.float32)
    xf = jnp.where(bits_i < 0, xf + jnp.float32(2.0**32), xf)
    q = jnp.floor(xf * jnp.float32(1.0 / span)).astype(jnp.int32)
    r = bits_i - q * jnp.int32(span)
    r = jnp.where(r < 0, r + jnp.int32(span), r)
    r = jnp.where(r >= jnp.int32(span), r - jnp.int32(span), r)
    i_ref[...] = r + sz_ref[0]

    bits_u = _hash_i32(n, _K2)
    m = lax.shift_right_logical(bits_u, jnp.int32(9))
    u = m.astype(jnp.float32) * jnp.float32(2.0**-23)
    u_ref[...] = lax.bitcast_convert_type(u, jnp.int32)


def _hash_call(size_zero, span, row0, rows):
    return pl.pallas_call(
        functools.partial(_hash_body, span=span, row0=row0),
        grid=(rows // _BR,),
        in_specs=[pl.BlockSpec(memory_space=pltpu.SMEM)],
        out_specs=[
            pl.BlockSpec((_BR, _C), lambda g: (g, 0)),
            pl.BlockSpec((_BR, _C), lambda g: (g, 0)),
        ],
        out_shape=[
            jax.ShapeDtypeStruct((rows, _C), jnp.int32),
            jax.ShapeDtypeStruct((rows, _C), jnp.int32),
        ],
    )(size_zero)


_NW = 32
_CH = 4096
_FLAG = 1 << 20


def _sc_call(probs_bits, alias, i_arr, ub_arr, n_table, nsamp):
    pw = nsamp // _NW
    nch = pw // _CH
    mesh = plsc.VectorSubcoreMesh(core_axis_name="c", subcore_axis_name="s")

    @functools.partial(
        pl.kernel,
        mesh=mesh,
        out_type=jax.ShapeDtypeStruct((nsamp,), jnp.int32),
        compiler_params=pltpu.CompilerParams(needs_layout_passes=False),
        scratch_types=[
            pltpu.VMEM((n_table,), jnp.int32),
            pltpu.VMEM((_CH,), jnp.int32),
            pltpu.VMEM((_CH,), jnp.int32),
            pltpu.VMEM((_CH,), jnp.int32),
            pltpu.VMEM((_CH,), jnp.int32),
            pltpu.VMEM_SHARED((n_table,), jnp.int32),
            pltpu.VMEM_SHARED((n_table,), jnp.int32),
            pltpu.SemaphoreType.DMA,
            pltpu.SemaphoreType.DMA,
            pltpu.SemaphoreType.DMA,
            pltpu.SemaphoreType.DMA,
            pltpu.SemaphoreType.DMA,
            pltpu.SemaphoreType.DMA,
        ],
    )
    def k(probs_hbm, alias_hbm, i_hbm, ub_hbm, out_hbm,
          tbl, bi0, bi1, bu0, bu1, ps, als,
          si0, si1, su0, su1, so0, so1):
        bi = (bi0, bi1)
        bu = (bu0, bu1)
        s_i = (si0, si1)
        s_u = (su0, su1)
        s_o = (so0, so1)
        sid = lax.axis_index("s")
        wid = sid * 2 + lax.axis_index("c")
        base = wid * pw
        nmax = jnp.int32(n_table - 1)

        def i_src(ci):
            return i_hbm.at[pl.ds(base + ci * _CH, _CH)]

        def u_src(ci):
            return ub_hbm.at[pl.ds(base + ci * _CH, _CH)]

        def o_dst(ci):
            return out_hbm.at[pl.ds(base + ci * _CH, _CH)]

        pltpu.async_copy(i_src(0), bi[0], s_i[0])
        pltpu.async_copy(u_src(0), bu[0], s_u[0])

        @pl.when(sid == 0)
        def _fill():
            pltpu.sync_copy(probs_hbm, ps)
            pltpu.sync_copy(alias_hbm, als)

        plsc.subcore_barrier()

        pltpu.sync_copy(ps, tbl)

        for ci in range(nch):
            b = ci & 1
            nb = 1 - b
            if ci + 1 < nch:
                if ci >= 1:
                    pltpu.make_async_copy(bi[nb], o_dst(ci - 1), s_o[nb]).wait()
                pltpu.async_copy(i_src(ci + 1), bi[nb], s_i[nb])
                pltpu.async_copy(u_src(ci + 1), bu[nb], s_u[nb])
            pltpu.make_async_copy(i_src(ci), bi[b], s_i[b]).wait()
            pltpu.make_async_copy(u_src(ci), bu[b], s_u[b]).wait()

            @plsc.parallel_loop(0, _CH, step=16, unroll=8)
            def _step_a(s):
                iv = bi[b][pl.ds(s, 16)]
                uv = bu[b][pl.ds(s, 16)]
                t = plsc.load_gather(tbl, [iv])
                bi[b][pl.ds(s, 16)] = jnp.where(uv < t, iv + _FLAG, iv)

            pltpu.async_copy(bi[b], o_dst(ci), s_o[b])

        pltpu.sync_copy(als, tbl)
        pltpu.make_async_copy(bi[(nch - 1) & 1], o_dst(nch - 1), s_o[(nch - 1) & 1]).wait()
        pltpu.make_async_copy(bi[nch & 1], o_dst(nch - 2), s_o[nch & 1]).wait()

        pltpu.async_copy(o_dst(0), bi[0], s_i[0])
        for ci in range(nch):
            b = ci & 1
            nb = 1 - b
            if ci + 1 < nch:
                if ci >= 1:
                    pltpu.make_async_copy(bi[nb], o_dst(ci - 1), s_o[nb]).wait()
                pltpu.async_copy(o_dst(ci + 1), bi[nb], s_i[nb])
            pltpu.make_async_copy(o_dst(ci), bi[b], s_i[b]).wait()

            @plsc.parallel_loop(0, _CH, step=16, unroll=8)
            def _step_b(s):
                tv = bi[b][pl.ds(s, 16)]
                take = tv >= _FLAG
                gi = jnp.minimum(tv, nmax)
                a = plsc.load_gather(tbl, [gi])
                bi[b][pl.ds(s, 16)] = jnp.where(take, tv - _FLAG, a)

            pltpu.async_copy(bi[b], o_dst(ci), s_o[b])

        pltpu.make_async_copy(bi[(nch - 1) & 1], o_dst(nch - 1), s_o[(nch - 1) & 1]).wait()
        pltpu.make_async_copy(bi[nch & 1], o_dst(nch - 2), s_o[nch & 1]).wait()

    return k(probs_bits, alias, i_arr, ub_arr)


_NSPLIT = 1


def kernel(probs, alias, size):
    n_table = probs.shape[0]
    size_zero = (jnp.asarray(size, jnp.int32) - jnp.int32(OUT_SIZE)).reshape((1,))
    pb = lax.bitcast_convert_type(probs, jnp.int32)
    rows = _R // _NSPLIT
    nsamp = OUT_SIZE // _NSPLIT
    outs = []
    for j in range(_NSPLIT):
        i_arr, u_arr = _hash_call(size_zero, n_table, j * rows, rows)
        iv = i_arr.reshape(nsamp)
        ub = u_arr.reshape(nsamp)
        outs.append(_sc_call(pb, alias, iv, ub, n_table, nsamp))
    return outs[0] if len(outs) == 1 else jnp.concatenate(outs)

# --- scband reference (transcript-rebuilt; emitter-appended) ---
"""Pipeline reference for scband-alias-table-25907242729811 (READ-ONLY COPY).

The authoritative reference and input builder live on the scoring server;
editing this copy changes nothing except your own understanding.
"""

import jax, jax.numpy as jnp
import numpy as np

N = 100000
SIZE = 1048576


def _build_alias(weights):
    w = weights.astype(np.float64)
    w = w / w.sum()
    n = w.shape[0]
    avg = 1.0 / n
    probs = np.zeros(n, dtype=np.float64)
    alias = np.zeros(n, dtype=np.int64)
    small = []
    large = []
    for i in range(n):
        (small if w[i] < avg else large).append(i)
    while small and large:
        si = small.pop()
        li = large.pop()
        probs[si] = w[si] * n
        alias[si] = li
        w[li] += w[si] - avg
        (small if w[li] < avg else large).append(li)
    while small:
        probs[small.pop()] = 1.0
    while large:
        probs[large.pop()] = 1.0
    return probs, alias


def setup_inputs() -> dict:
    # Zipf-like unigram weights, typical for negative-sampling alias tables.
    weights = 1.0 / (np.arange(1, N + 1, dtype=np.float64) ** 0.75)
    probs, alias = _build_alias(weights)
    return {
        "probs": jnp.asarray(probs, dtype=jnp.float32),
        "alias": jnp.asarray(alias, dtype=jnp.int32),
        "size": SIZE,
    }


def reference(probs, alias, size):
    # Faithful jax translation of _AliasTable.forward(size):
    #   i ~ Uniform{0..n-1};  u ~ Uniform[0,1)
    #   sample = i if u < probs[i] else alias[i]
    key = jax.random.key(1)
    k1, k2 = jax.random.split(key)
    size_zero = (jnp.asarray(size, dtype=jnp.int32) - jnp.int32(SIZE))
    i = jax.random.randint(k1, (SIZE,), 0, probs.shape[0], dtype=jnp.int32)
    i = i + size_zero
    u = jax.random.uniform(k2, (SIZE,), dtype=probs.dtype)
    p_i = jnp.take(probs, i, axis=0)
    a_i = jnp.take(alias, i, axis=0)
    return jnp.where(u < p_i, i, a_i)

if __name__ == "__main__":
    import jax
    _d = setup_inputs()
    print(jax.jit(kernel)(*tuple(_d.values())))

</pallas_src>

<mosaic_0001>
#map = affine_map<(d0, d1) -> (0)>
module attributes {stable_mosaic.version = 14 : i64} {
  func.func @k(%arg0: i32, %arg1: i32, %arg2: memref<100000xi32, #tpu.memory_space<hbm>>, %arg3: memref<100000xi32, #tpu.memory_space<hbm>>, %arg4: memref<1048576xi32, #tpu.memory_space<hbm>>, %arg5: memref<1048576xi32, #tpu.memory_space<hbm>>, %arg6: memref<1048576xi32, #tpu.memory_space<hbm>>, %arg7: memref<100000xi32, #tpu.memory_space<vmem>>, %arg8: memref<4096xi32, #tpu.memory_space<vmem>>, %arg9: memref<4096xi32, #tpu.memory_space<vmem>>, %arg10: memref<4096xi32, #tpu.memory_space<vmem>>, %arg11: memref<4096xi32, #tpu.memory_space<vmem>>, %arg12: memref<100000xi32, #tpu.memory_space<vmem_shared>>, %arg13: memref<100000xi32, #tpu.memory_space<vmem_shared>>, %arg14: memref<!tpu.dma_semaphore, #tpu.memory_space<semaphore_mem>>, %arg15: memref<!tpu.dma_semaphore, #tpu.memory_space<semaphore_mem>>, %arg16: memref<!tpu.dma_semaphore, #tpu.memory_space<semaphore_mem>>, %arg17: memref<!tpu.dma_semaphore, #tpu.memory_space<semaphore_mem>>, %arg18: memref<!tpu.dma_semaphore, #tpu.memory_space<semaphore_mem>>, %arg19: memref<!tpu.dma_semaphore, #tpu.memory_space<semaphore_mem>>) attributes {dimension_semantics = [#tpu.dimension_semantics<core_parallel>, #tpu.dimension_semantics<subcore_parallel>], iteration_bounds = array<i64: 2, 16>, scalar_prefetch = 0 : i64, scratch_operands = 13 : i64, tpu.core_type = #tpu.core_type<sc_vector_subcore>, window_params = [{transform_indices = #map}, {transform_indices = #map}, {transform_indices = #map}, {transform_indices = #map}, {transform_indices = #map}]} {
    %mul3A = arith.constant 2 : i32
    %mul3A_0 = arith.muli %arg1, %mul3A : i32
    %add3A = arith.addi %mul3A_0, %arg0 : i32
    %mul3A_1 = arith.constant 32768 : i32
    %mul3A_2 = arith.muli %add3A, %mul3A_1 : i32
    %add3A_3 = arith.constant 0 : i32
    %add3A_4 = arith.addi %mul3A_2, %add3A_3 : i32
    %dma_start3A = tpu.memref_slice %arg4[%add3A_4] : memref<1048576xi32, #tpu.memory_space<hbm>> -> memref<4096xi32, #tpu.memory_space<hbm>>
    %dma_start3A_5 = tpu.memref_slice %arg4[%add3A_4] : memref<1048576xi32, #tpu.memory_space<hbm>> -> memref<4096xi32, #tpu.memory_space<hbm>>
    tpu.enqueue_dma source(%dma_start3A_5 : memref<4096xi32, #tpu.memory_space<hbm>>) target(%arg8 : memref<4096xi32, #tpu.memory_space<vmem>>) target_semaphore(%arg14 : memref<!tpu.dma_semaphore, #tpu.memory_space<semaphore_mem>>)
    %add3A_6 = arith.constant 0 : i32
    %add3A_7 = arith.addi %mul3A_2, %add3A_6 : i32
    %dma_start3A_8 = tpu.memref_slice %arg5[%add3A_7] : memref<1048576xi32, #tpu.memory_space<hbm>> -> memref<4096xi32, #tpu.memory_space<hbm>>
    %dma_start3A_9 = tpu.memref_slice %arg5[%add3A_7] : memref<1048576xi32, #tpu.memory_space<hbm>> -> memref<4096xi32, #tpu.memory_space<hbm>>
    tpu.enqueue_dma source(%dma_start3A_9 : memref<4096xi32, #tpu.memory_space<hbm>>) target(%arg10 : memref<4096xi32, #tpu.memory_space<vmem>>) target_semaphore(%arg16 : memref<!tpu.dma_semaphore, #tpu.memory_space<semaphore_mem>>)
    %eq3A = arith.constant 0 : i32
    %eq3A_10 = arith.cmpi eq, %arg1, %eq3A : i32
    %convert_element_type3A = arith.extui %eq3A_10 : i1 to i32
    %cond3A = arith.constant 0 : i32
    %cond3A_11 = arith.cmpi ne, %convert_element_type3A, %cond3A : i32
    scf.if %cond3A_11 {
      "tpu.region"() ({
        %run_scoped3A = tpu.sem_alloc : memref<!tpu.dma_semaphore, #tpu.memory_space<semaphore_mem>>
        tpu.enqueue_dma source(%arg2 : memref<100000xi32, #tpu.memory_space<hbm>>) target(%arg12 : memref<100000xi32, #tpu.memory_space<vmem_shared>>) target_semaphore(%run_scoped3A : memref<!tpu.dma_semaphore, #tpu.memory_space<semaphore_mem>>)
        tpu.wait_dma2 semaphore(%run_scoped3A : memref<!tpu.dma_semaphore, #tpu.memory_space<semaphore_mem>>) src(%arg2 : memref<100000xi32, #tpu.memory_space<hbm>>) dst(%arg12 : memref<100000xi32, #tpu.memory_space<vmem_shared>>)
        tpu.yield
      }) : () -> ()
      "tpu.region"() ({
        %run_scoped3A = tpu.sem_alloc : memref<!tpu.dma_semaphore, #tpu.memory_space<semaphore_mem>>
        tpu.enqueue_dma source(%arg3 : memref<100000xi32, #tpu.memory_space<hbm>>) target(%arg13 : memref<100000xi32, #tpu.memory_space<vmem_shared>>) target_semaphore(%run_scoped3A : memref<!tpu.dma_semaphore, #tpu.memory_space<semaphore_mem>>)
        tpu.wait_dma2 semaphore(%run_scoped3A : memref<!tpu.dma_semaphore, #tpu.memory_space<semaphore_mem>>) src(%arg3 : memref<100000xi32, #tpu.memory_space<hbm>>) dst(%arg13 : memref<100000xi32, #tpu.memory_space<vmem_shared>>)
        tpu.yield
      }) : () -> ()
    } else {
    }
    %barrier3A = arith.constant 0 : index
    tpu.barrier barrier_id(%barrier3A)
    "tpu.region"() ({
      %run_scoped3A = tpu.sem_alloc : memref<!tpu.dma_semaphore, #tpu.memory_space<semaphore_mem>>
      tpu.enqueue_dma source(%arg12 : memref<100000xi32, #tpu.memory_space<vmem_shared>>) target(%arg7 : memref<100000xi32, #tpu.memory_space<vmem>>) target_semaphore(%run_scoped3A : memref<!tpu.dma_semaphore, #tpu.memory_space<semaphore_mem>>)
      tpu.wait_dma2 semaphore(%run_scoped3A : memref<!tpu.dma_semaphore, #tpu.memory_space<semaphore_mem>>) src(%arg12 : memref<100000xi32, #tpu.memory_space<vmem_shared>>) dst(%arg7 : memref<100000xi32, #tpu.memory_space<vmem>>)
      tpu.yield
    }) : () -> ()
    %add3A_12 = arith.constant 4096 : i32
    %add3A_13 = arith.addi %mul3A_2, %add3A_12 : i32
    %dma_start3A_14 = tpu.memref_slice %arg4[%add3A_13] : memref<1048576xi32, #tpu.memory_space<hbm>> -> memref<4096xi32, #tpu.memory_space<hbm>>
    %dma_start3A_15 = tpu.memref_slice %arg4[%add3A_13] : memref<1048576xi32, #tpu.memory_space<hbm>> -> memref<4096xi32, #tpu.memory_space<hbm>>
    tpu.enqueue_dma source(%dma_start3A_15 : memref<4096xi32, #tpu.memory_space<hbm>>) target(%arg9 : memref<4096xi32, #tpu.memory_space<vmem>>) target_semaphore(%arg15 : memref<!tpu.dma_semaphore, #tpu.memory_space<semaphore_mem>>)
    %add3A_16 = arith.constant 4096 : i32
    %add3A_17 = arith.addi %mul3A_2, %add3A_16 : i32
    %dma_start3A_18 = tpu.memref_slice %arg5[%add3A_17] : memref<1048576xi32, #tpu.memory_space<hbm>> -> memref<4096xi32, #tpu.memory_space<hbm>>
    %dma_start3A_19 = tpu.memref_slice %arg5[%add3A_17] : memref<1048576xi32, #tpu.memory_space<hbm>> -> memref<4096xi32, #tpu.memory_space<hbm>>
    tpu.enqueue_dma source(%dma_start3A_19 : memref<4096xi32, #tpu.memory_space<hbm>>) target(%arg11 : memref<4096xi32, #tpu.memory_space<vmem>>) target_semaphore(%arg17 : memref<!tpu.dma_semaphore, #tpu.memory_space<semaphore_mem>>)
    %add3A_20 = arith.constant 0 : i32
    %add3A_21 = arith.addi %mul3A_2, %add3A_20 : i32
    %dma_wait3A = tpu.memref_slice %arg4[%add3A_21] : memref<1048576xi32, #tpu.memory_space<hbm>> -> memref<4096xi32, #tpu.memory_space<hbm>>
    %dma_wait3A_22 = tpu.memref_slice %arg4[%add3A_21] : memref<1048576xi32, #tpu.memory_space<hbm>> -> memref<4096xi32, #tpu.memory_space<hbm>>
    tpu.wait_dma2 semaphore(%arg14 : memref<!tpu.dma_semaphore, #tpu.memory_space<semaphore_mem>>) src(%dma_wait3A_22 : memref<4096xi32, #tpu.memory_space<hbm>>) dst(%arg8 : memref<4096xi32, #tpu.memory_space<vmem>>)
    %add3A_23 = arith.constant 0 : i32
    %add3A_24 = arith.addi %mul3A_2, %add3A_23 : i32
    %dma_wait3A_25 = tpu.memref_slice %arg5[%add3A_24] : memref<1048576xi32, #tpu.memory_space<hbm>> -> memref<4096xi32, #tpu.memory_space<hbm>>
    %dma_wait3A_26 = tpu.memref_slice %arg5[%add3A_24] : memref<1048576xi32, #tpu.memory_space<hbm>> -> memref<4096xi32, #tpu.memory_space<hbm>>
    tpu.wait_dma2 semaphore(%arg16 : memref<!tpu.dma_semaphore, #tpu.memory_space<semaphore_mem>>) src(%dma_wait3A_26 : memref<4096xi32, #tpu.memory_space<hbm>>) dst(%arg10 : memref<4096xi32, #tpu.memory_space<vmem>>)
    %parallel_loop3A = arith.constant 0 : i32
    %parallel_loop3A_27 = arith.constant 4096 : i32
    %parallel_loop3A_28 = arith.constant 16 : i32
    scf.for %parallel_loop3A_378 = %parallel_loop3A to %parallel_loop3A_27 step %parallel_loop3A_28  : i32 {
      %parallel_loop3A_379 = arith.index_cast %parallel_loop3A_378 : i32 to index
      %parallel_loop3A_380 = tpu.vector_load %arg8[%parallel_loop3A_379] {strides = array<i32>} : memref<4096xi32, #tpu.memory_space<vmem>>, vector<16xi32>,
      %parallel_loop3A_381 = arith.index_cast %parallel_loop3A_378 : i32 to index
      %parallel_loop3A_382 = tpu.vector_load %arg10[%parallel_loop3A_381] {strides = array<i32>} : memref<4096xi32, #tpu.memory_space<vmem>>, vector<16xi32>,
      %parallel_loop3A_383 = tpu.vector_load_idx %arg7[%parallel_loop3A_380] : memref<100000xi32, #tpu.memory_space<vmem>>[vector<16xi32>], vector<16xi32>,
      %parallel_loop3A_384 = arith.cmpi slt, %parallel_loop3A_382, %parallel_loop3A_383 : vector<16xi32>
      %parallel_loop3A_385 = arith.constant 1048576 : i32
      %parallel_loop3A_386 = vector.broadcast %parallel_loop3A_385 : i32 to vector<16xi32>
      %parallel_loop3A_387 = arith.addi %parallel_loop3A_380, %parallel_loop3A_386 : vector<16xi32>
      %parallel_loop3A_388 = arith.select %parallel_loop3A_384, %parallel_loop3A_387, %parallel_loop3A_380 : vector<16xi1>, vector<16xi32>
      %parallel_loop3A_389 = arith.index_cast %parallel_loop3A_378 : i32 to index
      %parallel_loop3A_390 = tpu.vector_load %arg8[%parallel_loop3A_389] {strides = array<i32>} : memref<4096xi32, #tpu.memory_space<vmem>>, vector<16xi32>,
      tpu.vector_store %arg8[%parallel_loop3A_389], %parallel_loop3A_388 {strides = array<i32>} : memref<4096xi32, #tpu.memory_space<vmem>>, vector<16xi32>,
    } {sc.loop_unroll_factor = 8 : i64, sc.parallel_access}
    %add3A_29 = arith.constant 0 : i32
    %add3A_30 = arith.addi %mul3A_2, %add3A_29 : i32
    %dma_start3A_31 = tpu.memref_slice %arg6[%add3A_30] : memref<1048576xi32, #tpu.memory_space<hbm>> -> memref<4096xi32, #tpu.memory_space<hbm>>
    %dma_start3A_32 = tpu.memref_slice %arg6[%add3A_30] : memref<1048576xi32, #tpu.memory_space<hbm>> -> memref<4096xi32, #tpu.memory_space<hbm>>
    tpu.enqueue_dma source(%arg8 : memref<4096xi32, #tpu.memory_space<vmem>>) target(%dma_start3A_32 : memref<4096xi32, #tpu.memory_space<hbm>>) target_semaphore(%arg18 : memref<!tpu.dma_semaphore, #tpu.memory_space<semaphore_mem>>)
    %add3A_33 = arith.constant 0 : i32
    %add3A_34 = arith.addi %mul3A_2, %add3A_33 : i32
    %dma_wait3A_35 = tpu.memref_slice %arg6[%add3A_34] : memref<1048576xi32, #tpu.memory_space<hbm>> -> memref<4096xi32, #tpu.memory_space<hbm>>
    %dma_wait3A_36 = tpu.memref_slice %arg6[%add3A_34] : memref<1048576xi32, #tpu.memory_space<hbm>> -> memref<4096xi32, #tpu.memory_space<hbm>>
    tpu.wait_dma2 semaphore(%arg18 : memref<!tpu.dma_semaphore, #tpu.memory_space<semaphore_mem>>) src(%arg8 : memref<4096xi32, #tpu.memory_space<vmem>>) dst(%dma_wait3A_36 : memref<4096xi32, #tpu.memory_space<hbm>>)
    %add3A_37 = arith.constant 8192 : i32
    %add3A_38 = arith.addi %mul3A_2, %add3A_37 : i32
    %dma_start3A_39 = tpu.memref_slice %arg4[%add3A_38] : memref<1048576xi32, #tpu.memory_space<hbm>> -> memref<4096xi32, #tpu.memory_space<hbm>>
    %dma_start3A_40 = tpu.memref_slice %arg4[%add3A_38] : memref<1048576xi32, #tpu.memory_space<hbm>> -> memref<4096xi32, #tpu.memory_space<hbm>>
    tpu.enqueue_dma source(%dma_start3A_40 : memref<4096xi32, #tpu.memory_space<hbm>>) target(%arg8 : memref<4096xi32, #tpu.memory_space<vmem>>) target_semaphore(%arg14 : memref<!tpu.dma_semaphore, #tpu.memory_space<semaphore_mem>>)
    %add3A_41 = arith.constant 8192 : i32
    %add3A_42 = arith.addi %mul3A_2, %add3A_41 : i32
    %dma_start3A_43 = tpu.memref_slice %arg5[%add3A_42] : memref<1048576xi32, #tpu.memory_space<hbm>> -> memref<4096xi32, #tpu.memory_space<hbm>>
    %dma_start3A_44 = tpu.memref_slice %arg5[%add3A_42] : memref<1048576xi32, #tpu.memory_space<hbm>> -> memref<4096xi32, #tpu.memory_space<hbm>>
    tpu.enqueue_dma source(%dma_start3A_44 : memref<4096xi32, #tpu.memory_space<hbm>>) target(%arg10 : memref<4096xi32, #tpu.memory_space<vmem>>) target_semaphore(%arg16 : memref<!tpu.dma_semaphore, #tpu.memory_space<semaphore_mem>>)
    %add3A_45 = arith.constant 4096 : i32
    %add3A_46 = arith.addi %mul3A_2, %add3A_45 : i32
    %dma_wait3A_47 = tpu.memref_slice %arg4[%add3A_46] : memref<1048576xi32, #tpu.memory_space<hbm>> -> memref<4096xi32, #tpu.memory_space<hbm>>
    %dma_wait3A_48 = tpu.memref_slice %arg4[%add3A_46] : memref<1048576xi32, #tpu.memory_space<hbm>> -> memref<4096xi32, #tpu.memory_space<hbm>>
    tpu.wait_dma2 semaphore(%arg15 : memref<!tpu.dma_semaphore, #tpu.memory_space<semaphore_mem>>) src(%dma_wait3A_48 : memref<4096xi32, #tpu.memory_space<hbm>>) dst(%arg9 : memref<4096xi32, #tpu.memory_space<vmem>>)
    %add3A_49 = arith.constant 4096 : i32
    %add3A_50 = arith.addi %mul3A_2, %add3A_49 : i32
    %dma_wait3A_51 = tpu.memref_slice %arg5[%add3A_50] : memref<1048576xi32, #tpu.memory_space<hbm>> -> memref<4096xi32, #tpu.memory_space<hbm>>
    %dma_wait3A_52 = tpu.memref_slice %arg5[%add3A_50] : memref<1048576xi32, #tpu.memory_space<hbm>> -> memref<4096xi32, #tpu.memory_space<hbm>>
    tpu.wait_dma2 semaphore(%arg17 : memref<!tpu.dma_semaphore, #tpu.memory_space<semaphore_mem>>) src(%dma_wait3A_52 : memref<4096xi32, #tpu.memory_space<hbm>>) dst(%arg11 : memref<4096xi32, #tpu.memory_space<vmem>>)
    %parallel_loop3A_53 = arith.constant 0 : i32
    %parallel_loop3A_54 = arith.constant 4096 : i32
    %parallel_loop3A_55 = arith.constant 16 : i32
    scf.for %parallel_loop3A_378 = %parallel_loop3A_53 to %parallel_loop3A_54 step %parallel_loop3A_55  : i32 {
      %parallel_loop3A_379 = arith.index_cast %parallel_loop3A_378 : i32 to index
      %parallel_loop3A_380 = tpu.vector_load %arg9[%parallel_loop3A_379] {strides = array<i32>} : memref<4096xi32, #tpu.memory_space<vmem>>, vector<16xi32>,
      %parallel_loop3A_381 = arith.index_cast %parallel_loop3A_378 : i32 to index
      %parallel_loop3A_382 = tpu.vector_load %arg11[%parallel_loop3A_381] {strides = array<i32>} : memref<4096xi32, #tpu.memory_space<vmem>>, vector<16xi32>,
      %parallel_loop3A_383 = tpu.vector_load_idx %arg7[%parallel_loop3A_380] : memref<100000xi32, #tpu.memory_space<vmem>>[vector<16xi32>], vector<16xi32>,
      %parallel_loop3A_384 = arith.cmpi slt, %parallel_loop3A_382, %parallel_loop3A_383 : vector<16xi32>
      %parallel_loop3A_385 = arith.constant 1048576 : i32
      %parallel_loop3A_386 = vector.broadcast %parallel_loop3A_385 : i32 to vector<16xi32>
      %parallel_loop3A_387 = arith.addi %parallel_loop3A_380, %parallel_loop3A_386 : vector<16xi32>
      %parallel_loop3A_388 = arith.select %parallel_loop3A_384, %parallel_loop3A_387, %parallel_loop3A_380 : vector<16xi1>, vector<16xi32>
      %parallel_loop3A_389 = arith.index_cast %parallel_loop3A_378 : i32 to index
      %parallel_loop3A_390 = tpu.vector_load %arg9[%parallel_loop3A_389] {strides = array<i32>} : memref<4096xi32, #tpu.memory_space<vmem>>, vector<16xi32>,
      tpu.vector_store %arg9[%parallel_loop3A_389], %parallel_loop3A_388 {strides = array<i32>} : memref<4096xi32, #tpu.memory_space<vmem>>, vector<16xi32>,
    } {sc.loop_unroll_factor = 8 : i64, sc.parallel_access}
    %add3A_56 = arith.constant 4096 : i32
    %add3A_57 = arith.addi %mul3A_2, %add3A_56 : i32
    %dma_start3A_58 = tpu.memref_slice %arg6[%add3A_57] : memref<1048576xi32, #tpu.memory_space<hbm>> -> memref<4096xi32, #tpu.memory_space<hbm>>
    %dma_start3A_59 = tpu.memref_slice %arg6[%add3A_57] : memref<1048576xi32, #tpu.memory_space<hbm>> -> memref<4096xi32, #tpu.memory_space<hbm>>
    tpu.enqueue_dma source(%arg9 : memref<4096xi32, #tpu.memory_space<vmem>>) target(%dma_start3A_59 : memref<4096xi32, #tpu.memory_space<hbm>>) target_semaphore(%arg19 : memref<!tpu.dma_semaphore, #tpu.memory_space<semaphore_mem>>)
    %add3A_60 = arith.constant 4096 : i32
    %add3A_61 = arith.addi %mul3A_2, %add3A_60 : i32
    %dma_wait3A_62 = tpu.memref_slice %arg6[%add3A_61] : memref<1048576xi32, #tpu.memory_space<hbm>> -> memref<4096xi32, #tpu.memory_space<hbm>>
    %dma_wait3A_63 = tpu.memref_slice %arg6[%add3A_61] : memref<1048576xi32, #tpu.memory_space<hbm>> -> memref<4096xi32, #tpu.memory_space<hbm>>
    tpu.wait_dma2 semaphore(%arg19 : memref<!tpu.dma_semaphore, #tpu.memory_space<semaphore_mem>>) src(%arg9 : memref<4096xi32, #tpu.memory_space<vmem>>) dst(%dma_wait3A_63 : memref<4096xi32, #tpu.memory_space<hbm>>)
    %add3A_64 = arith.constant 12288 : i32
    %add3A_65 = arith.addi %mul3A_2, %add3A_64 : i32
    %dma_start3A_66 = tpu.memref_slice %arg4[%add3A_65] : memref<1048576xi32, #tpu.memory_space<hbm>> -> memref<4096xi32, #tpu.memory_space<hbm>>
    %dma_start3A_67 = tpu.memref_slice %arg4[%add3A_65] : memref<1048576xi32, #tpu.memory_space<hbm>> -> memref<4096xi32, #tpu.memory_space<hbm>>
    tpu.enqueue_dma source(%dma_start3A_67 : memref<4096xi32, #tpu.memory_space<hbm>>) target(%arg9 : memref<4096xi32, #tpu.memory_space<vmem>>) target_semaphore(%arg15 : memref<!tpu.dma_semaphore, #tpu.memory_space<semaphore_mem>>)
    %add3A_68 = arith.constant 12288 : i32
    %add3A_69 = arith.addi %mul3A_2, %add3A_68 : i32
    %dma_start3A_70 = tpu.memref_slice %arg5[%add3A_69] : memref<1048576xi32, #tpu.memory_space<hbm>> -> memref<4096xi32, #tpu.memory_space<hbm>>
    %dma_start3A_71 = tpu.memref_slice %arg5[%add3A_69] : memref<1048576xi32, #tpu.memory_space<hbm>> -> memref<4096xi32, #tpu.memory_space<hbm>>
    tpu.enqueue_dma source(%dma_start3A_71 : memref<4096xi32, #tpu.memory_space<hbm>>) target(%arg11 : memref<4096xi32, #tpu.memory_space<vmem>>) target_semaphore(%arg17 : memref<!tpu.dma_semaphore, #tpu.memory_space<semaphore_mem>>)
    %add3A_72 = arith.constant 8192 : i32
    %add3A_73 = arith.addi %mul3A_2, %add3A_72 : i32
    %dma_wait3A_74 = tpu.memref_slice %arg4[%add3A_73] : memref<1048576xi32, #tpu.memory_space<hbm>> -> memref<4096xi32, #tpu.memory_space<hbm>>
    %dma_wait3A_75 = tpu.memref_slice %arg4[%add3A_73] : memref<1048576xi32, #tpu.memory_space<hbm>> -> memref<4096xi32, #tpu.memory_space<hbm>>
    tpu.wait_dma2 semaphore(%arg14 : memref<!tpu.dma_semaphore, #tpu.memory_space<semaphore_mem>>) src(%dma_wait3A_75 : memref<4096xi32, #tpu.memory_space<hbm>>) dst(%arg8 : memref<4096xi32, #tpu.memory_space<vmem>>)
    %add3A_76 = arith.constant 8192 : i32
    %add3A_77 = arith.addi %mul3A_2, %add3A_76 : i32
    %dma_wait3A_78 = tpu.memref_slice %arg5[%add3A_77] : memref<1048576xi32, #tpu.memory_space<hbm>> -> memref<4096xi32, #tpu.memory_space<hbm>>
    %dma_wait3A_79 = tpu.memref_slice %arg5[%add3A_77] : memref<1048576xi32, #tpu.memory_space<hbm>> -> memref<4096xi32, #tpu.memory_space<hbm>>
    tpu.wait_dma2 semaphore(%arg16 : memref<!tpu.dma_semaphore, #tpu.memory_space<semaphore_mem>>) src(%dma_wait3A_79 : memref<4096xi32, #tpu.memory_space<hbm>>) dst(%arg10 : memref<4096xi32, #tpu.memory_space<vmem>>)
    %parallel_loop3A_80 = arith.constant 0 : i32
    %parallel_loop3A_81 = arith.constant 4096 : i32
    %parallel_loop3A_82 = arith.constant 16 : i32
    scf.for %parallel_loop3A_378 = %parallel_loop3A_80 to %parallel_loop3A_81 step %parallel_loop3A_82  : i32 {
      %parallel_loop3A_379 = arith.index_cast %parallel_loop3A_378 : i32 to index
      %parallel_loop3A_380 = tpu.vector_load %arg8[%parallel_loop3A_379] {strides = array<i32>} : memref<4096xi32, #tpu.memory_space<vmem>>, vector<16xi32>,
      %parallel_loop3A_381 = arith.index_cast %parallel_loop3A_378 : i32 to index
      %parallel_loop3A_382 = tpu.vector_load %arg10[%parallel_loop3A_381] {strides = array<i32>} : memref<4096xi32, #tpu.memory_space<vmem>>, vector<16xi32>,
      %parallel_loop3A_383 = tpu.vector_load_idx %arg7[%parallel_loop3A_380] : memref<100000xi32, #tpu.memory_space<vmem>>[vector<16xi32>], vector<16xi32>,
      %parallel_loop3A_384 = arith.cmpi slt, %parallel_loop3A_382, %parallel_loop3A_383 : vector<16xi32>
      %parallel_loop3A_385 = arith.constant 1048576 : i32
      %parallel_loop3A_386 = vector.broadcast %parallel_loop3A_385 : i32 to vector<16xi32>
      %parallel_loop3A_387 = arith.addi %parallel_loop3A_380, %parallel_loop3A_386 : vector<16xi32>
      %parallel_loop3A_388 = arith.select %parallel_loop3A_384, %parallel_loop3A_387, %parallel_loop3A_380 : vector<16xi1>, vector<16xi32>
      %parallel_loop3A_389 = arith.index_cast %parallel_loop3A_378 : i32 to index
      %parallel_loop3A_390 = tpu.vector_load %arg8[%parallel_loop3A_389] {strides = array<i32>} : memref<4096xi32, #tpu.memory_space<vmem>>, vector<16xi32>,
      tpu.vector_store %arg8[%parallel_loop3A_389], %parallel_loop3A_388 {strides = array<i32>} : memref<4096xi32, #tpu.memory_space<vmem>>, vector<16xi32>,
    } {sc.loop_unroll_factor = 8 : i64, sc.parallel_access}
    %add3A_83 = arith.constant 8192 : i32
    %add3A_84 = arith.addi %mul3A_2, %add3A_83 : i32
    %dma_start3A_85 = tpu.memref_slice %arg6[%add3A_84] : memref<1048576xi32, #tpu.memory_space<hbm>> -> memref<4096xi32, #tpu.memory_space<hbm>>
    %dma_start3A_86 = tpu.memref_slice %arg6[%add3A_84] : memref<1048576xi32, #tpu.memory_space<hbm>> -> memref<4096xi32, #tpu.memory_space<hbm>>
    tpu.enqueue_dma source(%arg8 : memref<4096xi32, #tpu.memory_space<vmem>>) target(%dma_start3A_86 : memref<4096xi32, #tpu.memory_space<hbm>>) target_semaphore(%arg18 : memref<!tpu.dma_semaphore, #tpu.memory_space<semaphore_mem>>)
    %add3A_87 = arith.constant 8192 : i32
    %add3A_88 = arith.addi %mul3A_2, %add3A_87 : i32
    %dma_wait3A_89 = tpu.memref_slice %arg6[%add3A_88] : memref<1048576xi32, #tpu.memory_space<hbm>> -> memref<4096xi32, #tpu.memory_space<hbm>>
    %dma_wait3A_90 = tpu.memref_slice %arg6[%add3A_88] : memref<1048576xi32, #tpu.memory_space<hbm>> -> memref<4096xi32, #tpu.memory_space<hbm>>
    tpu.wait_dma2 semaphore(%arg18 : memref<!tpu.dma_semaphore, #tpu.memory_space<semaphore_mem>>) src(%arg8 : memref<4096xi32, #tpu.memory_space<vmem>>) dst(%dma_wait3A_90 : memref<4096xi32, #tpu.memory_space<hbm>>)
    %add3A_91 = arith.constant 16384 : i32
    %add3A_92 = arith.addi %mul3A_2, %add3A_91 : i32
    %dma_start3A_93 = tpu.memref_slice %arg4[%add3A_92] : memref<1048576xi32, #tpu.memory_space<hbm>> -> memref<4096xi32, #tpu.memory_space<hbm>>
    %dma_start3A_94 = tpu.memref_slice %arg4[%add3A_92] : memref<1048576xi32, #tpu.memory_space<hbm>> -> memref<4096xi32, #tpu.memory_space<hbm>>
    tpu.enqueue_dma source(%dma_start3A_94 : memref<4096xi32, #tpu.memory_space<hbm>>) target(%arg8 : memref<4096xi32, #tpu.memory_space<vmem>>) target_semaphore(%arg14 : memref<!tpu.dma_semaphore, #tpu.memory_space<semaphore_mem>>)
    %add3A_95 = arith.constant 16384 : i32
    %add3A_96 = arith.addi %mul3A_2, %add3A_95 : i32
    %dma_start3A_97 = tpu.memref_slice %arg5[%add3A_96] : memref<1048576xi32, #tpu.memory_space<hbm>> -> memref<4096xi32, #tpu.memory_space<hbm>>
    %dma_start3A_98 = tpu.memref_slice %arg5[%add3A_96] : memref<1048576xi32, #tpu.memory_space<hbm>> -> memref<4096xi32, #tpu.memory_space<hbm>>
    tpu.enqueue_dma source(%dma_start3A_98 : memref<4096xi32, #tpu.memory_space<hbm>>) target(%arg10 : memref<4096xi32, #tpu.memory_space<vmem>>) target_semaphore(%arg16 : memref<!tpu.dma_semaphore, #tpu.memory_space<semaphore_mem>>)
    %add3A_99 = arith.constant 12288 : i32
    %add3A_100 = arith.addi %mul3A_2, %add3A_99 : i32
    %dma_wait3A_101 = tpu.memref_slice %arg4[%add3A_100] : memref<1048576xi32, #tpu.memory_space<hbm>> -> memref<4096xi32, #tpu.memory_space<hbm>>
    %dma_wait3A_102 = tpu.memref_slice %arg4[%add3A_100] : memref<1048576xi32, #tpu.memory_space<hbm>> -> memref<4096xi32, #tpu.memory_space<hbm>>
    tpu.wait_dma2 semaphore(%arg15 : memref<!tpu.dma_semaphore, #tpu.memory_space<semaphore_mem>>) src(%dma_wait3A_102 : memref<4096xi32, #tpu.memory_space<hbm>>) dst(%arg9 : memref<4096xi32, #tpu.memory_space<vmem>>)
    %add3A_103 = arith.constant 12288 : i32
    %add3A_104 = arith.addi %mul3A_2, %add3A_103 : i32
    %dma_wait3A_105 = tpu.memref_slice %arg5[%add3A_104] : memref<1048576xi32, #tpu.memory_space<hbm>> -> memref<4096xi32, #tpu.memory_space<hbm>>
    %dma_wait3A_106 = tpu.memref_slice %arg5[%add3A_104] : memref<1048576xi32, #tpu.memory_space<hbm>> -> memref<4096xi32, #tpu.memory_space<hbm>>
    tpu.wait_dma2 semaphore(%arg17 : memref<!tpu.dma_semaphore, #tpu.memory_space<semaphore_mem>>) src(%dma_wait3A_106 : memref<4096xi32, #tpu.memory_space<hbm>>) dst(%arg11 : memref<4096xi32, #tpu.memory_space<vmem>>)
    %parallel_loop3A_107 = arith.constant 0 : i32
    %parallel_loop3A_108 = arith.constant 4096 : i32
    %parallel_loop3A_109 = arith.constant 16 : i32
    scf.for %parallel_loop3A_378 = %parallel_loop3A_107 to %parallel_loop3A_108 step %parallel_loop3A_109  : i32 {
      %parallel_loop3A_379 = arith.index_cast %parallel_loop3A_378 : i32 to index
      %parallel_loop3A_380 = tpu.vector_load %arg9[%parallel_loop3A_379] {strides = array<i32>} : memref<4096xi32, #tpu.memory_space<vmem>>, vector<16xi32>,
      %parallel_loop3A_381 = arith.index_cast %parallel_loop3A_378 : i32 to index
      %parallel_loop3A_382 = tpu.vector_load %arg11[%parallel_loop3A_381] {strides = array<i32>} : memref<4096xi32, #tpu.memory_space<vmem>>, vector<16xi32>,
      %parallel_loop3A_383 = tpu.vector_load_idx %arg7[%parallel_loop3A_380] : memref<100000xi32, #tpu.memory_space<vmem>>[vector<16xi32>], vector<16xi32>,
      %parallel_loop3A_384 = arith.cmpi slt, %parallel_loop3A_382, %parallel_loop3A_383 : vector<16xi32>
      %parallel_loop3A_385 = arith.constant 1048576 : i32
      %parallel_loop3A_386 = vector.broadcast %parallel_loop3A_385 : i32 to vector<16xi32>
      %parallel_loop3A_387 = arith.addi %parallel_loop3A_380, %parallel_loop3A_386 : vector<16xi32>
      %parallel_loop3A_388 = arith.select %parallel_loop3A_384, %parallel_loop3A_387, %parallel_loop3A_380 : vector<16xi1>, vector<16xi32>
      %parallel_loop3A_389 = arith.index_cast %parallel_loop3A_378 : i32 to index
      %parallel_loop3A_390 = tpu.vector_load %arg9[%parallel_loop3A_389] {strides = array<i32>} : memref<4096xi32, #tpu.memory_space<vmem>>, vector<16xi32>,
      tpu.vector_store %arg9[%parallel_loop3A_389], %parallel_loop3A_388 {strides = array<i32>} : memref<4096xi32, #tpu.memory_space<vmem>>, vector<16xi32>,
    } {sc.loop_unroll_factor = 8 : i64, sc.parallel_access}
    %add3A_110 = arith.constant 12288 : i32
    %add3A_111 = arith.addi %mul3A_2, %add3A_110 : i32
    %dma_start3A_112 = tpu.memref_slice %arg6[%add3A_111] : memref<1048576xi32, #tpu.memory_space<hbm>> -> memref<4096xi32, #tpu.memory_space<hbm>>
    %dma_start3A_113 = tpu.memref_slice %arg6[%add3A_111] : memref<1048576xi32, #tpu.memory_space<hbm>> -> memref<4096xi32, #tpu.memory_space<hbm>>
    tpu.enqueue_dma source(%arg9 : memref<4096xi32, #tpu.memory_space<vmem>>) target(%dma_start3A_113 : memref<4096xi32, #tpu.memory_space<hbm>>) target_semaphore(%arg19 : memref<!tpu.dma_semaphore, #tpu.memory_space<semaphore_mem>>)
    %add3A_114 = arith.constant 12288 : i32
    %add3A_115 = arith.addi %mul3A_2, %add3A_114 : i32
    %dma_wait3A_116 = tpu.memref_slice %arg6[%add3A_115] : memref<1048576xi32, #tpu.memory_space<hbm>> -> memref<4096xi32, #tpu.memory_space<hbm>>
    %dma_wait3A_117 = tpu.memref_slice %arg6[%add3A_115] : memref<1048576xi32, #tpu.memory_space<hbm>> -> memref<4096xi32, #tpu.memory_space<hbm>>
    tpu.wait_dma2 semaphore(%arg19 : memref<!tpu.dma_semaphore, #tpu.memory_space<semaphore_mem>>) src(%arg9 : memref<4096xi32, #tpu.memory_space<vmem>>) dst(%dma_wait3A_117 : memref<4096xi32, #tpu.memory_space<hbm>>)
    %add3A_118 = arith.constant 20480 : i32
    %add3A_119 = arith.addi %mul3A_2, %add3A_118 : i32
    %dma_start3A_120 = tpu.memref_slice %arg4[%add3A_119] : memref<1048576xi32, #tpu.memory_space<hbm>> -> memref<4096xi32, #tpu.memory_space<hbm>>
    %dma_start3A_121 = tpu.memref_slice %arg4[%add3A_119] : memref<1048576xi32, #tpu.memory_space<hbm>> -> memref<4096xi32, #tpu.memory_space<hbm>>
    tpu.enqueue_dma source(%dma_start3A_121 : memref<4096xi32, #tpu.memory_space<hbm>>) target(%arg9 : memref<4096xi32, #tpu.memory_space<vmem>>) target_semaphore(%arg15 : memref<!tpu.dma_semaphore, #tpu.memory_space<semaphore_mem>>)
    %add3A_122 = arith.constant 20480 : i32
    %add3A_123 = arith.addi %mul3A_2, %add3A_122 : i32
    %dma_start3A_124 = tpu.memref_slice %arg5[%add3A_123] : memref<1048576xi32, #tpu.memory_space<hbm>> -> memref<4096xi32, #tpu.memory_space<hbm>>
    %dma_start3A_125 = tpu.memref_slice %arg5[%add3A_123] : memref<1048576xi32, #tpu.memory_space<hbm>> -> memref<4096xi32, #tpu.memory_space<hbm>>
    tpu.enqueue_dma source(%dma_start3A_125 : memref<4096xi32, #tpu.memory_space<hbm>>) target(%arg11 : memref<4096xi32, #tpu.memory_space<vmem>>) target_semaphore(%arg17 : memref<!tpu.dma_semaphore, #tpu.memory_space<semaphore_mem>>)
    %add3A_126 = arith.constant 16384 : i32
    %add3A_127 = arith.addi %mul3A_2, %add3A_126 : i32
    %dma_wait3A_128 = tpu.memref_slice %arg4[%add3A_127] : memref<1048576xi32, #tpu.memory_space<hbm>> -> memref<4096xi32, #tpu.memory_space<hbm>>
    %dma_wait3A_129 = tpu.memref_slice %arg4[%add3A_127] : memref<1048576xi32, #tpu.memory_space<hbm>> -> memref<4096xi32, #tpu.memory_space<hbm>>
    tpu.wait_dma2 semaphore(%arg14 : memref<!tpu.dma_semaphore, #tpu.memory_space<semaphore_mem>>) src(%dma_wait3A_129 : memref<4096xi32, #tpu.memory_space<hbm>>) dst(%arg8 : memref<4096xi32, #tpu.memory_space<vmem>>)
    %add3A_130 = arith.constant 16384 : i32
    %add3A_131 = arith.addi %mul3A_2, %add3A_130 : i32
    %dma_wait3A_132 = tpu.memref_slice %arg5[%add3A_131] : memref<1048576xi32, #tpu.memory_space<hbm>> -> memref<4096xi32, #tpu.memory_space<hbm>>
    %dma_wait3A_133 = tpu.memref_slice %arg5[%add3A_131] : memref<1048576xi32, #tpu.memory_space<hbm>> -> memref<4096xi32, #tpu.memory_space<hbm>>
    tpu.wait_dma2 semaphore(%arg16 : memref<!tpu.dma_semaphore, #tpu.memory_space<semaphore_mem>>) src(%dma_wait3A_133 : memref<4096xi32, #tpu.memory_space<hbm>>) dst(%arg10 : memref<4096xi32, #tpu.memory_space<vmem>>)
    %parallel_loop3A_134 = arith.constant 0 : i32
    %parallel_loop3A_135 = arith.constant 4096 : i32
    %parallel_loop3A_136 = arith.constant 16 : i32
    scf.for %parallel_loop3A_378 = %parallel_loop3A_134 to %parallel_loop3A_135 step %parallel_loop3A_136  : i32 {
      %parallel_loop3A_379 = arith.index_cast %parallel_loop3A_378 : i32 to index
      %parallel_loop3A_380 = tpu.vector_load %arg8[%parallel_loop3A_379] {strides = array<i32>} : memref<4096xi32, #tpu.memory_space<vmem>>, vector<16xi32>,
      %parallel_loop3A_381 = arith.index_cast %parallel_loop3A_378 : i32 to index
      %parallel_loop3A_382 = tpu.vector_load %arg10[%parallel_loop3A_381] {strides = array<i32>} : memref<4096xi32, #tpu.memory_space<vmem>>, vector<16xi32>,
      %parallel_loop3A_383 = tpu.vector_load_idx %arg7[%parallel_loop3A_380] : memref<100000xi32, #tpu.memory_space<vmem>>[vector<16xi32>], vector<16xi32>,
      %parallel_loop3A_384 = arith.cmpi slt, %parallel_loop3A_382, %parallel_loop3A_383 : vector<16xi32>
      %parallel_loop3A_385 = arith.constant 1048576 : i32
      %parallel_loop3A_386 = vector.broadcast %parallel_loop3A_385 : i32 to vector<16xi32>
      %parallel_loop3A_387 = arith.addi %parallel_loop3A_380, %parallel_loop3A_386 : vector<16xi32>
      %parallel_loop3A_388 = arith.select %parallel_loop3A_384, %parallel_loop3A_387, %parallel_loop3A_380 : vector<16xi1>, vector<16xi32>
      %parallel_loop3A_389 = arith.index_cast %parallel_loop3A_378 : i32 to index
      %parallel_loop3A_390 = tpu.vector_load %arg8[%parallel_loop3A_389] {strides = array<i32>} : memref<4096xi32, #tpu.memory_space<vmem>>, vector<16xi32>,
      tpu.vector_store %arg8[%parallel_loop3A_389], %parallel_loop3A_388 {strides = array<i32>} : memref<4096xi32, #tpu.memory_space<vmem>>, vector<16xi32>,
    } {sc.loop_unroll_factor = 8 : i64, sc.parallel_access}
    %add3A_137 = arith.constant 16384 : i32
    %add3A_138 = arith.addi %mul3A_2, %add3A_137 : i32
    %dma_start3A_139 = tpu.memref_slice %arg6[%add3A_138] : memref<1048576xi32, #tpu.memory_space<hbm>> -> memref<4096xi32, #tpu.memory_space<hbm>>
    %dma_start3A_140 = tpu.memref_slice %arg6[%add3A_138] : memref<1048576xi32, #tpu.memory_space<hbm>> -> memref<4096xi32, #tpu.memory_space<hbm>>
    tpu.enqueue_dma source(%arg8 : memref<4096xi32, #tpu.memory_space<vmem>>) target(%dma_start3A_140 : memref<4096xi32, #tpu.memory_space<hbm>>) target_semaphore(%arg18 : memref<!tpu.dma_semaphore, #tpu.memory_space<semaphore_mem>>)
    %add3A_141 = arith.constant 16384 : i32
    %add3A_142 = arith.addi %mul3A_2, %add3A_141 : i32
    %dma_wait3A_143 = tpu.memref_slice %arg6[%add3A_142] : memref<1048576xi32, #tpu.memory_space<hbm>> -> memref<4096xi32, #tpu.memory_space<hbm>>
    %dma_wait3A_144 = tpu.memref_slice %arg6[%add3A_142] : memref<1048576xi32, #tpu.memory_space<hbm>> -> memref<4096xi32, #tpu.memory_space<hbm>>
    tpu.wait_dma2 semaphore(%arg18 : memref<!tpu.dma_semaphore, #tpu.memory_space<semaphore_mem>>) src(%arg8 : memref<4096xi32, #tpu.memory_space<vmem>>) dst(%dma_wait3A_144 : memref<4096xi32, #tpu.memory_space<hbm>>)
    %add3A_145 = arith.constant 24576 : i32
    %add3A_146 = arith.addi %mul3A_2, %add3A_145 : i32
    %dma_start3A_147 = tpu.memref_slice %arg4[%add3A_146] : memref<1048576xi32, #tpu.memory_space<hbm>> -> memref<4096xi32, #tpu.memory_space<hbm>>
    %dma_start3A_148 = tpu.memref_slice %arg4[%add3A_146] : memref<1048576xi32, #tpu.memory_space<hbm>> -> memref<4096xi32, #tpu.memory_space<hbm>>
    tpu.enqueue_dma source(%dma_start3A_148 : memref<4096xi32, #tpu.memory_space<hbm>>) target(%arg8 : memref<4096xi32, #tpu.memory_space<vmem>>) target_semaphore(%arg14 : memref<!tpu.dma_semaphore, #tpu.memory_space<semaphore_mem>>)
    %add3A_149 = arith.constant 24576 : i32
    %add3A_150 = arith.addi %mul3A_2, %add3A_149 : i32
    %dma_start3A_151 = tpu.memref_slice %arg5[%add3A_150] : memref<1048576xi32, #tpu.memory_space<hbm>> -> memref<4096xi32, #tpu.memory_space<hbm>>
    %dma_start3A_152 = tpu.memref_slice %arg5[%add3A_150] : memref<1048576xi32, #tpu.memory_space<hbm>> -> memref<4096xi32, #tpu.memory_space<hbm>>
    tpu.enqueue_dma source(%dma_start3A_152 : memref<4096xi32, #tpu.memory_space<hbm>>) target(%arg10 : memref<4096xi32, #tpu.memory_space<vmem>>) target_semaphore(%arg16 : memref<!tpu.dma_semaphore, #tpu.memory_space<semaphore_mem>>)
    %add3A_153 = arith.constant 20480 : i32
    %add3A_154 = arith.addi %mul3A_2, %add3A_153 : i32
    %dma_wait3A_155 = tpu.memref_slice %arg4[%add3A_154] : memref<1048576xi32, #tpu.memory_space<hbm>> -> memref<4096xi32, #tpu.memory_space<hbm>>
    %dma_wait3A_156 = tpu.memref_slice %arg4[%add3A_154] : memref<1048576xi32, #tpu.memory_space<hbm>> -> memref<4096xi32, #tpu.memory_space<hbm>>
    tpu.wait_dma2 semaphore(%arg15 : memref<!tpu.dma_semaphore, #tpu.memory_space<semaphore_mem>>) src(%dma_wait3A_156 : memref<4096xi32, #tpu.memory_space<hbm>>) dst(%arg9 : memref<4096xi32, #tpu.memory_space<vmem>>)
    %add3A_157 = arith.constant 20480 : i32
    %add3A_158 = arith.addi %mul3A_2, %add3A_157 : i32
    %dma_wait3A_159 = tpu.memref_slice %arg5[%add3A_158] : memref<1048576xi32, #tpu.memory_space<hbm>> -> memref<4096xi32, #tpu.memory_space<hbm>>
    %dma_wait3A_160 = tpu.memref_slice %arg5[%add3A_158] : memref<1048576xi32, #tpu.memory_space<hbm>> -> memref<4096xi32, #tpu.memory_space<hbm>>
    tpu.wait_dma2 semaphore(%arg17 : memref<!tpu.dma_semaphore, #tpu.memory_space<semaphore_mem>>) src(%dma_wait3A_160 : memref<4096xi32, #tpu.memory_space<hbm>>) dst(%arg11 : memref<4096xi32, #tpu.memory_space<vmem>>)
    %parallel_loop3A_161 = arith.constant 0 : i32
    %parallel_loop3A_162 = arith.constant 4096 : i32
    %parallel_loop3A_163 = arith.constant 16 : i32
    scf.for %parallel_loop3A_378 = %parallel_loop3A_161 to %parallel_loop3A_162 step %parallel_loop3A_163  : i32 {
      %parallel_loop3A_379 = arith.index_cast %parallel_loop3A_378 : i32 to index
      %parallel_loop3A_380 = tpu.vector_load %arg9[%parallel_loop3A_379] {strides = array<i32>} : memref<4096xi32, #tpu.memory_space<vmem>>, vector<16xi32>,
      %parallel_loop3A_381 = arith.index_cast %parallel_loop3A_378 : i32 to index
      %parallel_loop3A_382 = tpu.vector_load %arg11[%parallel_loop3A_381] {strides = array<i32>} : memref<4096xi32, #tpu.memory_space<vmem>>, vector<16xi32>,
      %parallel_loop3A_383 = tpu.vector_load_idx %arg7[%parallel_loop3A_380] : memref<100000xi32, #tpu.memory_space<vmem>>[vector<16xi32>], vector<16xi32>,
      %parallel_loop3A_384 = arith.cmpi slt, %parallel_loop3A_382, %parallel_loop3A_383 : vector<16xi32>
      %parallel_loop3A_385 = arith.constant 1048576 : i32
      %parallel_loop3A_386 = vector.broadcast %parallel_loop3A_385 : i32 to vector<16xi32>
      %parallel_loop3A_387 = arith.addi %parallel_loop3A_380, %parallel_loop3A_386 : vector<16xi32>
      %parallel_loop3A_388 = arith.select %parallel_loop3A_384, %parallel_loop3A_387, %parallel_loop3A_380 : vector<16xi1>, vector<16xi32>
      %parallel_loop3A_389 = arith.index_cast %parallel_loop3A_378 : i32 to index
      %parallel_loop3A_390 = tpu.vector_load %arg9[%parallel_loop3A_389] {strides = array<i32>} : memref<4096xi32, #tpu.memory_space<vmem>>, vector<16xi32>,
      tpu.vector_store %arg9[%parallel_loop3A_389], %parallel_loop3A_388 {strides = array<i32>} : memref<4096xi32, #tpu.memory_space<vmem>>, vector<16xi32>,
    } {sc.loop_unroll_factor = 8 : i64, sc.parallel_access}
    %add3A_164 = arith.constant 20480 : i32
    %add3A_165 = arith.addi %mul3A_2, %add3A_164 : i32
    %dma_start3A_166 = tpu.memref_slice %arg6[%add3A_165] : memref<1048576xi32, #tpu.memory_space<hbm>> -> memref<4096xi32, #tpu.memory_space<hbm>>
    %dma_start3A_167 = tpu.memref_slice %arg6[%add3A_165] : memref<1048576xi32, #tpu.memory_space<hbm>> -> memref<4096xi32, #tpu.memory_space<hbm>>
    tpu.enqueue_dma source(%arg9 : memref<4096xi32, #tpu.memory_space<vmem>>) target(%dma_start3A_167 : memref<4096xi32, #tpu.memory_space<hbm>>) target_semaphore(%arg19 : memref<!tpu.dma_semaphore, #tpu.memory_space<semaphore_mem>>)
    %add3A_168 = arith.constant 20480 : i32
    %add3A_169 = arith.addi %mul3A_2, %add3A_168 : i32
    %dma_wait3A_170 = tpu.memref_slice %arg6[%add3A_169] : memref<1048576xi32, #tpu.memory_space<hbm>> -> memref<4096xi32, #tpu.memory_space<hbm>>
    %dma_wait3A_171 = tpu.memref_slice %arg6[%add3A_169] : memref<1048576xi32, #tpu.memory_space<hbm>> -> memref<4096xi32, #tpu.memory_space<hbm>>
    tpu.wait_dma2 semaphore(%arg19 : memref<!tpu.dma_semaphore, #tpu.memory_space<semaphore_mem>>) src(%arg9 : memref<4096xi32, #tpu.memory_space<vmem>>) dst(%dma_wait3A_171 : memref<4096xi32, #tpu.memory_space<hbm>>)
    %add3A_172 = arith.constant 28672 : i32
    %add3A_173 = arith.addi %mul3A_2, %add3A_172 : i32
    %dma_start3A_174 = tpu.memref_slice %arg4[%add3A_173] : memref<1048576xi32, #tpu.memory_space<hbm>> -> memref<4096xi32, #tpu.memory_space<hbm>>
    %dma_start3A_175 = tpu.memref_slice %arg4[%add3A_173] : memref<1048576xi32, #tpu.memory_space<hbm>> -> memref<4096xi32, #tpu.memory_space<hbm>>
    tpu.enqueue_dma source(%dma_start3A_175 : memref<4096xi32, #tpu.memory_space<hbm>>) target(%arg9 : memref<4096xi32, #tpu.memory_space<vmem>>) target_semaphore(%arg15 : memref<!tpu.dma_semaphore, #tpu.memory_space<semaphore_mem>>)
    %add3A_176 = arith.constant 28672 : i32
    %add3A_177 = arith.addi %mul3A_2, %add3A_176 : i32
    %dma_start3A_178 = tpu.memref_slice %arg5[%add3A_177] : memref<1048576xi32, #tpu.memory_space<hbm>> -> memref<4096xi32, #tpu.memory_space<hbm>>
    %dma_start3A_179 = tpu.memref_slice %arg5[%add3A_177] : memref<1048576xi32, #tpu.memory_space<hbm>> -> memref<4096xi32, #tpu.memory_space<hbm>>
    tpu.enqueue_dma source(%dma_start3A_179 : memref<4096xi32, #tpu.memory_space<hbm>>) target(%arg11 : memref<4096xi32, #tpu.memory_space<vmem>>) target_semaphore(%arg17 : memref<!tpu.dma_semaphore, #tpu.memory_space<semaphore_mem>>)
    %add3A_180 = arith.constant 24576 : i32
    %add3A_181 = arith.addi %mul3A_2, %add3A_180 : i32
    %dma_wait3A_182 = tpu.memref_slice %arg4[%add3A_181] : memref<1048576xi32, #tpu.memory_space<hbm>> -> memref<4096xi32, #tpu.memory_space<hbm>>
    %dma_wait3A_183 = tpu.memref_slice %arg4[%add3A_181] : memref<1048576xi32, #tpu.memory_space<hbm>> -> memref<4096xi32, #tpu.memory_space<hbm>>
    tpu.wait_dma2 semaphore(%arg14 : memref<!tpu.dma_semaphore, #tpu.memory_space<semaphore_mem>>) src(%dma_wait3A_183 : memref<4096xi32, #tpu.memory_space<hbm>>) dst(%arg8 : memref<4096xi32, #tpu.memory_space<vmem>>)
    %add3A_184 = arith.constant 24576 : i32
    %add3A_185 = arith.addi %mul3A_2, %add3A_184 : i32
    %dma_wait3A_186 = tpu.memref_slice %arg5[%add3A_185] : memref<1048576xi32, #tpu.memory_space<hbm>> -> memref<4096xi32, #tpu.memory_space<hbm>>
    %dma_wait3A_187 = tpu.memref_slice %arg5[%add3A_185] : memref<1048576xi32, #tpu.memory_space<hbm>> -> memref<4096xi32, #tpu.memory_space<hbm>>
    tpu.wait_dma2 semaphore(%arg16 : memref<!tpu.dma_semaphore, #tpu.memory_space<semaphore_mem>>) src(%dma_wait3A_187 : memref<4096xi32, #tpu.memory_space<hbm>>) dst(%arg10 : memref<4096xi32, #tpu.memory_space<vmem>>)
    %parallel_loop3A_188 = arith.constant 0 : i32
    %parallel_loop3A_189 = arith.constant 4096 : i32
    %parallel_loop3A_190 = arith.constant 16 : i32
    scf.for %parallel_loop3A_378 = %parallel_loop3A_188 to %parallel_loop3A_189 step %parallel_loop3A_190  : i32 {
      %parallel_loop3A_379 = arith.index_cast %parallel_loop3A_378 : i32 to index
      %parallel_loop3A_380 = tpu.vector_load %arg8[%parallel_loop3A_379] {strides = array<i32>} : memref<4096xi32, #tpu.memory_space<vmem>>, vector<16xi32>,
      %parallel_loop3A_381 = arith.index_cast %parallel_loop3A_378 : i32 to index
      %parallel_loop3A_382 = tpu.vector_load %arg10[%parallel_loop3A_381] {strides = array<i32>} : memref<4096xi32, #tpu.memory_space<vmem>>, vector<16xi32>,
      %parallel_loop3A_383 = tpu.vector_load_idx %arg7[%parallel_loop3A_380] : memref<100000xi32, #tpu.memory_space<vmem>>[vector<16xi32>], vector<16xi32>,
      %parallel_loop3A_384 = arith.cmpi slt, %parallel_loop3A_382, %parallel_loop3A_383 : vector<16xi32>
      %parallel_loop3A_385 = arith.constant 1048576 : i32
      %parallel_loop3A_386 = vector.broadcast %parallel_loop3A_385 : i32 to vector<16xi32>
      %parallel_loop3A_387 = arith.addi %parallel_loop3A_380, %parallel_loop3A_386 : vector<16xi32>
      %parallel_loop3A_388 = arith.select %parallel_loop3A_384, %parallel_loop3A_387, %parallel_loop3A_380 : vector<16xi1>, vector<16xi32>
      %parallel_loop3A_389 = arith.index_cast %parallel_loop3A_378 : i32 to index
      %parallel_loop3A_390 = tpu.vector_load %arg8[%parallel_loop3A_389] {strides = array<i32>} : memref<4096xi32, #tpu.memory_space<vmem>>, vector<16xi32>,
      tpu.vector_store %arg8[%parallel_loop3A_389], %parallel_loop3A_388 {strides = array<i32>} : memref<4096xi32, #tpu.memory_space<vmem>>, vector<16xi32>,
    } {sc.loop_unroll_factor = 8 : i64, sc.parallel_access}
    %add3A_191 = arith.constant 24576 : i32
    %add3A_192 = arith.addi %mul3A_2, %add3A_191 : i32
    %dma_start3A_193 = tpu.memref_slice %arg6[%add3A_192] : memref<1048576xi32, #tpu.memory_space<hbm>> -> memref<4096xi32, #tpu.memory_space<hbm>>
    %dma_start3A_194 = tpu.memref_slice %arg6[%add3A_192] : memref<1048576xi32, #tpu.memory_space<hbm>> -> memref<4096xi32, #tpu.memory_space<hbm>>
    tpu.enqueue_dma source(%arg8 : memref<4096xi32, #tpu.memory_space<vmem>>) target(%dma_start3A_194 : memref<4096xi32, #tpu.memory_space<hbm>>) target_semaphore(%arg18 : memref<!tpu.dma_semaphore, #tpu.memory_space<semaphore_mem>>)
    %add3A_195 = arith.constant 28672 : i32
    %add3A_196 = arith.addi %mul3A_2, %add3A_195 : i32
    %dma_wait3A_197 = tpu.memref_slice %arg4[%add3A_196] : memref<1048576xi32, #tpu.memory_space<hbm>> -> memref<4096xi32, #tpu.memory_space<hbm>>
    %dma_wait3A_198 = tpu.memref_slice %arg4[%add3A_196] : memref<1048576xi32, #tpu.memory_space<hbm>> -> memref<4096xi32, #tpu.memory_space<hbm>>
    tpu.wait_dma2 semaphore(%arg15 : memref<!tpu.dma_semaphore, #tpu.memory_space<semaphore_mem>>) src(%dma_wait3A_198 : memref<4096xi32, #tpu.memory_space<hbm>>) dst(%arg9 : memref<4096xi32, #tpu.memory_space<vmem>>)
    %add3A_199 = arith.constant 28672 : i32
    %add3A_200 = arith.addi %mul3A_2, %add3A_199 : i32
    %dma_wait3A_201 = tpu.memref_slice %arg5[%add3A_200] : memref<1048576xi32, #tpu.memory_space<hbm>> -> memref<4096xi32, #tpu.memory_space<hbm>>
    %dma_wait3A_202 = tpu.memref_slice %arg5[%add3A_200] : memref<1048576xi32, #tpu.memory_space<hbm>> -> memref<4096xi32, #tpu.memory_space<hbm>>
    tpu.wait_dma2 semaphore(%arg17 : memref<!tpu.dma_semaphore, #tpu.memory_space<semaphore_mem>>) src(%dma_wait3A_202 : memref<4096xi32, #tpu.memory_space<hbm>>) dst(%arg11 : memref<4096xi32, #tpu.memory_space<vmem>>)
    %parallel_loop3A_203 = arith.constant 0 : i32
    %parallel_loop3A_204 = arith.constant 4096 : i32
    %parallel_loop3A_205 = arith.constant 16 : i32
    scf.for %parallel_loop3A_378 = %parallel_loop3A_203 to %parallel_loop3A_204 step %parallel_loop3A_205  : i32 {
      %parallel_loop3A_379 = arith.index_cast %parallel_loop3A_378 : i32 to index
      %parallel_loop3A_380 = tpu.vector_load %arg9[%parallel_loop3A_379] {strides = array<i32>} : memref<4096xi32, #tpu.memory_space<vmem>>, vector<16xi32>,
      %parallel_loop3A_381 = arith.index_cast %parallel_loop3A_378 : i32 to index
      %parallel_loop3A_382 = tpu.vector_load %arg11[%parallel_loop3A_381] {strides = array<i32>} : memref<4096xi32, #tpu.memory_space<vmem>>, vector<16xi32>,
      %parallel_loop3A_383 = tpu.vector_load_idx %arg7[%parallel_loop3A_380] : memref<100000xi32, #tpu.memory_space<vmem>>[vector<16xi32>], vector<16xi32>,
      %parallel_loop3A_384 = arith.cmpi slt, %parallel_loop3A_382, %parallel_loop3A_383 : vector<16xi32>
      %parallel_loop3A_385 = arith.constant 1048576 : i32
      %parallel_loop3A_386 = vector.broadcast %parallel_loop3A_385 : i32 to vector<16xi32>
      %parallel_loop3A_387 = arith.addi %parallel_loop3A_380, %parallel_loop3A_386 : vector<16xi32>
      %parallel_loop3A_388 = arith.select %parallel_loop3A_384, %parallel_loop3A_387, %parallel_loop3A_380 : vector<16xi1>, vector<16xi32>
      %parallel_loop3A_389 = arith.index_cast %parallel_loop3A_378 : i32 to index
      %parallel_loop3A_390 = tpu.vector_load %arg9[%parallel_loop3A_389] {strides = array<i32>} : memref<4096xi32, #tpu.memory_space<vmem>>, vector<16xi32>,
      tpu.vector_store %arg9[%parallel_loop3A_389], %parallel_loop3A_388 {strides = array<i32>} : memref<4096xi32, #tpu.memory_space<vmem>>, vector<16xi32>,
    } {sc.loop_unroll_factor = 8 : i64, sc.parallel_access}
    %add3A_206 = arith.constant 28672 : i32
    %add3A_207 = arith.addi %mul3A_2, %add3A_206 : i32
    %dma_start3A_208 = tpu.memref_slice %arg6[%add3A_207] : memref<1048576xi32, #tpu.memory_space<hbm>> -> memref<4096xi32, #tpu.memory_space<hbm>>
    %dma_start3A_209 = tpu.memref_slice %arg6[%add3A_207] : memref<1048576xi32, #tpu.memory_space<hbm>> -> memref<4096xi32, #tpu.memory_space<hbm>>
    tpu.enqueue_dma source(%arg9 : memref<4096xi32, #tpu.memory_space<vmem>>) target(%dma_start3A_209 : memref<4096xi32, #tpu.memory_space<hbm>>) target_semaphore(%arg19 : memref<!tpu.dma_semaphore, #tpu.memory_space<semaphore_mem>>)
    "tpu.region"() ({
      %run_scoped3A = tpu.sem_alloc : memref<!tpu.dma_semaphore, #tpu.memory_space<semaphore_mem>>
      tpu.enqueue_dma source(%arg13 : memref<100000xi32, #tpu.memory_space<vmem_shared>>) target(%arg7 : memref<100000xi32, #tpu.memory_space<vmem>>) target_semaphore(%run_scoped3A : memref<!tpu.dma_semaphore, #tpu.memory_space<semaphore_mem>>)
      tpu.wait_dma2 semaphore(%run_scoped3A : memref<!tpu.dma_semaphore, #tpu.memory_space<semaphore_mem>>) src(%arg13 : memref<100000xi32, #tpu.memory_space<vmem_shared>>) dst(%arg7 : memref<100000xi32, #tpu.memory_space<vmem>>)
      tpu.yield
    }) : () -> ()
    %add3A_210 = arith.constant 28672 : i32
    %add3A_211 = arith.addi %mul3A_2, %add3A_210 : i32
    %dma_wait3A_212 = tpu.memref_slice %arg6[%add3A_211] : memref<1048576xi32, #tpu.memory_space<hbm>> -> memref<4096xi32, #tpu.memory_space<hbm>>
    %dma_wait3A_213 = tpu.memref_slice %arg6[%add3A_211] : memref<1048576xi32, #tpu.memory_space<hbm>> -> memref<4096xi32, #tpu.memory_space<hbm>>
    tpu.wait_dma2 semaphore(%arg19 : memref<!tpu.dma_semaphore, #tpu.memory_space<semaphore_mem>>) src(%arg9 : memref<4096xi32, #tpu.memory_space<vmem>>) dst(%dma_wait3A_213 : memref<4096xi32, #tpu.memory_space<hbm>>)
    %add3A_214 = arith.constant 24576 : i32
    %add3A_215 = arith.addi %mul3A_2, %add3A_214 : i32
    %dma_wait3A_216 = tpu.memref_slice %arg6[%add3A_215] : memref<1048576xi32, #tpu.memory_space<hbm>> -> memref<4096xi32, #tpu.memory_space<hbm>>
    %dma_wait3A_217 = tpu.memref_slice %arg6[%add3A_215] : memref<1048576xi32, #tpu.memory_space<hbm>> -> memref<4096xi32, #tpu.memory_space<hbm>>
    tpu.wait_dma2 semaphore(%arg18 : memref<!tpu.dma_semaphore, #tpu.memory_space<semaphore_mem>>) src(%arg8 : memref<4096xi32, #tpu.memory_space<vmem>>) dst(%dma_wait3A_217 : memref<4096xi32, #tpu.memory_space<hbm>>)
    %add3A_218 = arith.constant 0 : i32
    %add3A_219 = arith.addi %mul3A_2, %add3A_218 : i32
    %dma_start3A_220 = tpu.memref_slice %arg6[%add3A_219] : memref<1048576xi32, #tpu.memory_space<hbm>> -> memref<4096xi32, #tpu.memory_space<hbm>>
    %dma_start3A_221 = tpu.memref_slice %arg6[%add3A_219] : memref<1048576xi32, #tpu.memory_space<hbm>> -> memref<4096xi32, #tpu.memory_space<hbm>>
    tpu.enqueue_dma source(%dma_start3A_221 : memref<4096xi32, #tpu.memory_space<hbm>>) target(%arg8 : memref<4096xi32, #tpu.memory_space<vmem>>) target_semaphore(%arg14 : memref<!tpu.dma_semaphore, #tpu.memory_space<semaphore_mem>>)
    %add3A_222 = arith.constant 4096 : i32
    %add3A_223 = arith.addi %mul3A_2, %add3A_222 : i32
    %dma_start3A_224 = tpu.memref_slice %arg6[%add3A_223] : memref<1048576xi32, #tpu.memory_space<hbm>> -> memref<4096xi32, #tpu.memory_space<hbm>>
    %dma_start3A_225 = tpu.memref_slice %arg6[%add3A_223] : memref<1048576xi32, #tpu.memory_space<hbm>> -> memref<4096xi32, #tpu.memory_space<hbm>>
    tpu.enqueue_dma source(%dma_start3A_225 : memref<4096xi32, #tpu.memory_space<hbm>>) target(%arg9 : memref<4096xi32, #tpu.memory_space<vmem>>) target_semaphore(%arg15 : memref<!tpu.dma_semaphore, #tpu.memory_space<semaphore_mem>>)
    %add3A_226 = arith.constant 0 : i32
    %add3A_227 = arith.addi %mul3A_2, %add3A_226 : i32
    %dma_wait3A_228 = tpu.memref_slice %arg6[%add3A_227] : memref<1048576xi32, #tpu.memory_space<hbm>> -> memref<4096xi32, #tpu.memory_space<hbm>>
    %dma_wait3A_229 = tpu.memref_slice %arg6[%add3A_227] : memref<1048576xi32, #tpu.memory_space<hbm>> -> memref<4096xi32, #tpu.memory_space<hbm>>
    tpu.wait_dma2 semaphore(%arg14 : memref<!tpu.dma_semaphore, #tpu.memory_space<semaphore_mem>>) src(%dma_wait3A_229 : memref<4096xi32, #tpu.memory_space<hbm>>) dst(%arg8 : memref<4096xi32, #tpu.memory_space<vmem>>)
    %parallel_loop3A_230 = arith.constant 0 : i32
    %parallel_loop3A_231 = arith.constant 4096 : i32
    %parallel_loop3A_232 = arith.constant 16 : i32
    %parallel_loop3A_233 = arith.constant 99999 : i32
    scf.for %parallel_loop3A_378 = %parallel_loop3A_230 to %parallel_loop3A_231 step %parallel_loop3A_232  : i32 {
      %parallel_loop3A_379 = arith.index_cast %parallel_loop3A_378 : i32 to index
      %parallel_loop3A_380 = tpu.vector_load %arg8[%parallel_loop3A_379] {strides = array<i32>} : memref<4096xi32, #tpu.memory_space<vmem>>, vector<16xi32>,
      %parallel_loop3A_381 = arith.constant 1048576 : i32
      %parallel_loop3A_382 = vector.broadcast %parallel_loop3A_381 : i32 to vector<16xi32>
      %parallel_loop3A_383 = arith.cmpi sge, %parallel_loop3A_380, %parallel_loop3A_382 : vector<16xi32>
      %parallel_loop3A_384 = vector.broadcast %parallel_loop3A_233 : i32 to vector<16xi32>
      %parallel_loop3A_385 = arith.minsi %parallel_loop3A_380, %parallel_loop3A_384 : vector<16xi32>
      %parallel_loop3A_386 = tpu.vector_load_idx %arg7[%parallel_loop3A_385] : memref<100000xi32, #tpu.memory_space<vmem>>[vector<16xi32>], vector<16xi32>,
      %parallel_loop3A_387 = arith.constant 1048576 : i32
      %parallel_loop3A_388 = vector.broadcast %parallel_loop3A_387 : i32 to vector<16xi32>
      %parallel_loop3A_389 = arith.subi %parallel_loop3A_380, %parallel_loop3A_388 : vector<16xi32>
      %parallel_loop3A_390 = arith.select %parallel_loop3A_383, %parallel_loop3A_389, %parallel_loop3A_386 : vector<16xi1>, vector<16xi32>
      %parallel_loop3A_391 = arith.index_cast %parallel_loop3A_378 : i32 to index
      %parallel_loop3A_392 = tpu.vector_load %arg8[%parallel_loop3A_391] {strides = array<i32>} : memref<4096xi32, #tpu.memory_space<vmem>>, vector<16xi32>,
      tpu.vector_store %arg8[%parallel_loop3A_391], %parallel_loop3A_390 {strides = array<i32>} : memref<4096xi32, #tpu.memory_space<vmem>>, vector<16xi32>,
    } {sc.loop_unroll_factor = 8 : i64, sc.parallel_access}
    %add3A_234 = arith.constant 0 : i32
    %add3A_235 = arith.addi %mul3A_2, %add3A_234 : i32
    %dma_start3A_236 = tpu.memref_slice %arg6[%add3A_235] : memref<1048576xi32, #tpu.memory_space<hbm>> -> memref<4096xi32, #tpu.memory_space<hbm>>
    %dma_start3A_237 = tpu.memref_slice %arg6[%add3A_235] : memref<1048576xi32, #tpu.memory_space<hbm>> -> memref<4096xi32, #tpu.memory_space<hbm>>
    tpu.enqueue_dma source(%arg8 : memref<4096xi32, #tpu.memory_space<vmem>>) target(%dma_start3A_237 : memref<4096xi32, #tpu.memory_space<hbm>>) target_semaphore(%arg18 : memref<!tpu.dma_semaphore, #tpu.memory_space<semaphore_mem>>)
    %add3A_238 = arith.constant 0 : i32
    %add3A_239 = arith.addi %mul3A_2, %add3A_238 : i32
    %dma_wait3A_240 = tpu.memref_slice %arg6[%add3A_239] : memref<1048576xi32, #tpu.memory_space<hbm>> -> memref<4096xi32, #tpu.memory_space<hbm>>
    %dma_wait3A_241 = tpu.memref_slice %arg6[%add3A_239] : memref<1048576xi32, #tpu.memory_space<hbm>> -> memref<4096xi32, #tpu.memory_space<hbm>>
    tpu.wait_dma2 semaphore(%arg18 : memref<!tpu.dma_semaphore, #tpu.memory_space<semaphore_mem>>) src(%arg8 : memref<4096xi32, #tpu.memory_space<vmem>>) dst(%dma_wait3A_241 : memref<4096xi32, #tpu.memory_space<hbm>>)
    %add3A_242 = arith.constant 8192 : i32
    %add3A_243 = arith.addi %mul3A_2, %add3A_242 : i32
    %dma_start3A_244 = tpu.memref_slice %arg6[%add3A_243] : memref<1048576xi32, #tpu.memory_space<hbm>> -> memref<4096xi32, #tpu.memory_space<hbm>>
    %dma_start3A_245 = tpu.memref_slice %arg6[%add3A_243] : memref<1048576xi32, #tpu.memory_space<hbm>> -> memref<4096xi32, #tpu.memory_space<hbm>>
    tpu.enqueue_dma source(%dma_start3A_245 : memref<4096xi32, #tpu.memory_space<hbm>>) target(%arg8 : memref<4096xi32, #tpu.memory_space<vmem>>) target_semaphore(%arg14 : memref<!tpu.dma_semaphore, #tpu.memory_space<semaphore_mem>>)
    %add3A_246 = arith.constant 4096 : i32
    %add3A_247 = arith.addi %mul3A_2, %add3A_246 : i32
    %dma_wait3A_248 = tpu.memref_slice %arg6[%add3A_247] : memref<1048576xi32, #tpu.memory_space<hbm>> -> memref<4096xi32, #tpu.memory_space<hbm>>
    %dma_wait3A_249 = tpu.memref_slice %arg6[%add3A_247] : memref<1048576xi32, #tpu.memory_space<hbm>> -> memref<4096xi32, #tpu.memory_space<hbm>>
    tpu.wait_dma2 semaphore(%arg15 : memref<!tpu.dma_semaphore, #tpu.memory_space<semaphore_mem>>) src(%dma_wait3A_249 : memref<4096xi32, #tpu.memory_space<hbm>>) dst(%arg9 : memref<4096xi32, #tpu.memory_space<vmem>>)
    %parallel_loop3A_250 = arith.constant 0 : i32
    %parallel_loop3A_251 = arith.constant 4096 : i32
    %parallel_loop3A_252 = arith.constant 16 : i32
    %parallel_loop3A_253 = arith.constant 99999 : i32
    scf.for %parallel_loop3A_378 = %parallel_loop3A_250 to %parallel_loop3A_251 step %parallel_loop3A_252  : i32 {
      %parallel_loop3A_379 = arith.index_cast %parallel_loop3A_378 : i32 to index
      %parallel_loop3A_380 = tpu.vector_load %arg9[%parallel_loop3A_379] {strides = array<i32>} : memref<4096xi32, #tpu.memory_space<vmem>>, vector<16xi32>,
      %parallel_loop3A_381 = arith.constant 1048576 : i32
      %parallel_loop3A_382 = vector.broadcast %parallel_loop3A_381 : i32 to vector<16xi32>
      %parallel_loop3A_383 = arith.cmpi sge, %parallel_loop3A_380, %parallel_loop3A_382 : vector<16xi32>
      %parallel_loop3A_384 = vector.broadcast %parallel_loop3A_253 : i32 to vector<16xi32>
      %parallel_loop3A_385 = arith.minsi %parallel_loop3A_380, %parallel_loop3A_384 : vector<16xi32>
      %parallel_loop3A_386 = tpu.vector_load_idx %arg7[%parallel_loop3A_385] : memref<100000xi32, #tpu.memory_space<vmem>>[vector<16xi32>], vector<16xi32>,
      %parallel_loop3A_387 = arith.constant 1048576 : i32
      %parallel_loop3A_388 = vector.broadcast %parallel_loop3A_387 : i32 to vector<16xi32>
      %parallel_loop3A_389 = arith.subi %parallel_loop3A_380, %parallel_loop3A_388 : vector<16xi32>
      %parallel_loop3A_390 = arith.select %parallel_loop3A_383, %parallel_loop3A_389, %parallel_loop3A_386 : vector<16xi1>, vector<16xi32>
      %parallel_loop3A_391 = arith.index_cast %parallel_loop3A_378 : i32 to index
      %parallel_loop3A_392 = tpu.vector_load %arg9[%parallel_loop3A_391] {strides = array<i32>} : memref<4096xi32, #tpu.memory_space<vmem>>, vector<16xi32>,
      tpu.vector_store %arg9[%parallel_loop3A_391], %parallel_loop3A_390 {strides = array<i32>} : memref<4096xi32, #tpu.memory_space<vmem>>, vector<16xi32>,
    } {sc.loop_unroll_factor = 8 : i64, sc.parallel_access}
    %add3A_254 = arith.constant 4096 : i32
    %add3A_255 = arith.addi %mul3A_2, %add3A_254 : i32
    %dma_start3A_256 = tpu.memref_slice %arg6[%add3A_255] : memref<1048576xi32, #tpu.memory_space<hbm>> -> memref<4096xi32, #tpu.memory_space<hbm>>
    %dma_start3A_257 = tpu.memref_slice %arg6[%add3A_255] : memref<1048576xi32, #tpu.memory_space<hbm>> -> memref<4096xi32, #tpu.memory_space<hbm>>
    tpu.enqueue_dma source(%arg9 : memref<4096xi32, #tpu.memory_space<vmem>>) target(%dma_start3A_257 : memref<4096xi32, #tpu.memory_space<hbm>>) target_semaphore(%arg19 : memref<!tpu.dma_semaphore, #tpu.memory_space<semaphore_mem>>)
    %add3A_258 = arith.constant 4096 : i32
    %add3A_259 = arith.addi %mul3A_2, %add3A_258 : i32
    %dma_wait3A_260 = tpu.memref_slice %arg6[%add3A_259] : memref<1048576xi32, #tpu.memory_space<hbm>> -> memref<4096xi32, #tpu.memory_space<hbm>>
    %dma_wait3A_261 = tpu.memref_slice %arg6[%add3A_259] : memref<1048576xi32, #tpu.memory_space<hbm>> -> memref<4096xi32, #tpu.memory_space<hbm>>
    tpu.wait_dma2 semaphore(%arg19 : memref<!tpu.dma_semaphore, #tpu.memory_space<semaphore_mem>>) src(%arg9 : memref<4096xi32, #tpu.memory_space<vmem>>) dst(%dma_wait3A_261 : memref<4096xi32, #tpu.memory_space<hbm>>)
    %add3A_262 = arith.constant 12288 : i32
    %add3A_263 = arith.addi %mul3A_2, %add3A_262 : i32
    %dma_start3A_264 = tpu.memref_slice %arg6[%add3A_263] : memref<1048576xi32, #tpu.memory_space<hbm>> -> memref<4096xi32, #tpu.memory_space<hbm>>
    %dma_start3A_265 = tpu.memref_slice %arg6[%add3A_263] : memref<1048576xi32, #tpu.memory_space<hbm>> -> memref<4096xi32, #tpu.memory_space<hbm>>
    tpu.enqueue_dma source(%dma_start3A_265 : memref<4096xi32, #tpu.memory_space<hbm>>) target(%arg9 : memref<4096xi32, #tpu.memory_space<vmem>>) target_semaphore(%arg15 : memref<!tpu.dma_semaphore, #tpu.memory_space<semaphore_mem>>)
    %add3A_266 = arith.constant 8192 : i32
    %add3A_267 = arith.addi %mul3A_2, %add3A_266 : i32
    %dma_wait3A_268 = tpu.memref_slice %arg6[%add3A_267] : memref<1048576xi32, #tpu.memory_space<hbm>> -> memref<4096xi32, #tpu.memory_space<hbm>>
    %dma_wait3A_269 = tpu.memref_slice %arg6[%add3A_267] : memref<1048576xi32, #tpu.memory_space<hbm>> -> memref<4096xi32, #tpu.memory_space<hbm>>
    tpu.wait_dma2 semaphore(%arg14 : memref<!tpu.dma_semaphore, #tpu.memory_space<semaphore_mem>>) src(%dma_wait3A_269 : memref<4096xi32, #tpu.memory_space<hbm>>) dst(%arg8 : memref<4096xi32, #tpu.memory_space<vmem>>)
    %parallel_loop3A_270 = arith.constant 0 : i32
    %parallel_loop3A_271 = arith.constant 4096 : i32
    %parallel_loop3A_272 = arith.constant 16 : i32
    %parallel_loop3A_273 = arith.constant 99999 : i32
    scf.for %parallel_loop3A_378 = %parallel_loop3A_270 to %parallel_loop3A_271 step %parallel_loop3A_272  : i32 {
      %parallel_loop3A_379 = arith.index_cast %parallel_loop3A_378 : i32 to index
      %parallel_loop3A_380 = tpu.vector_load %arg8[%parallel_loop3A_379] {strides = array<i32>} : memref<4096xi32, #tpu.memory_space<vmem>>, vector<16xi32>,
      %parallel_loop3A_381 = arith.constant 1048576 : i32
      %parallel_loop3A_382 = vector.broadcast %parallel_loop3A_381 : i32 to vector<16xi32>
      %parallel_loop3A_383 = arith.cmpi sge, %parallel_loop3A_380, %parallel_loop3A_382 : vector<16xi32>
      %parallel_loop3A_384 = vector.broadcast %parallel_loop3A_273 : i32 to vector<16xi32>
      %parallel_loop3A_385 = arith.minsi %parallel_loop3A_380, %parallel_loop3A_384 : vector<16xi32>
      %parallel_loop3A_386 = tpu.vector_load_idx %arg7[%parallel_loop3A_385] : memref<100000xi32, #tpu.memory_space<vmem>>[vector<16xi32>], vector<16xi32>,
      %parallel_loop3A_387 = arith.constant 1048576 : i32
      %parallel_loop3A_388 = vector.broadcast %parallel_loop3A_387 : i32 to vector<16xi32>
      %parallel_loop3A_389 = arith.subi %parallel_loop3A_380, %parallel_loop3A_388 : vector<16xi32>
      %parallel_loop3A_390 = arith.select %parallel_loop3A_383, %parallel_loop3A_389, %parallel_loop3A_386 : vector<16xi1>, vector<16xi32>
      %parallel_loop3A_391 = arith.index_cast %parallel_loop3A_378 : i32 to index
      %parallel_loop3A_392 = tpu.vector_load %arg8[%parallel_loop3A_391] {strides = array<i32>} : memref<4096xi32, #tpu.memory_space<vmem>>, vector<16xi32>,
      tpu.vector_store %arg8[%parallel_loop3A_391], %parallel_loop3A_390 {strides = array<i32>} : memref<4096xi32, #tpu.memory_space<vmem>>, vector<16xi32>,
    } {sc.loop_unroll_factor = 8 : i64, sc.parallel_access}
    %add3A_274 = arith.constant 8192 : i32
    %add3A_275 = arith.addi %mul3A_2, %add3A_274 : i32
    %dma_start3A_276 = tpu.memref_slice %arg6[%add3A_275] : memref<1048576xi32, #tpu.memory_space<hbm>> -> memref<4096xi32, #tpu.memory_space<hbm>>
    %dma_start3A_277 = tpu.memref_slice %arg6[%add3A_275] : memref<1048576xi32, #tpu.memory_space<hbm>> -> memref<4096xi32, #tpu.memory_space<hbm>>
    tpu.enqueue_dma source(%arg8 : memref<4096xi32, #tpu.memory_space<vmem>>) target(%dma_start3A_277 : memref<4096xi32, #tpu.memory_space<hbm>>) target_semaphore(%arg18 : memref<!tpu.dma_semaphore, #tpu.memory_space<semaphore_mem>>)
    %add3A_278 = arith.constant 8192 : i32
    %add3A_279 = arith.addi %mul3A_2, %add3A_278 : i32
    %dma_wait3A_280 = tpu.memref_slice %arg6[%add3A_279] : memref<1048576xi32, #tpu.memory_space<hbm>> -> memref<4096xi32, #tpu.memory_space<hbm>>
    %dma_wait3A_281 = tpu.memref_slice %arg6[%add3A_279] : memref<1048576xi32, #tpu.memory_space<hbm>> -> memref<4096xi32, #tpu.memory_space<hbm>>
    tpu.wait_dma2 semaphore(%arg18 : memref<!tpu.dma_semaphore, #tpu.memory_space<semaphore_mem>>) src(%arg8 : memref<4096xi32, #tpu.memory_space<vmem>>) dst(%dma_wait3A_281 : memref<4096xi32, #tpu.memory_space<hbm>>)
    %add3A_282 = arith.constant 16384 : i32
    %add3A_283 = arith.addi %mul3A_2, %add3A_282 : i32
    %dma_start3A_284 = tpu.memref_slice %arg6[%add3A_283] : memref<1048576xi32, #tpu.memory_space<hbm>> -> memref<4096xi32, #tpu.memory_space<hbm>>
    %dma_start3A_285 = tpu.memref_slice %arg6[%add3A_283] : memref<1048576xi32, #tpu.memory_space<hbm>> -> memref<4096xi32, #tpu.memory_space<hbm>>
    tpu.enqueue_dma source(%dma_start3A_285 : memref<4096xi32, #tpu.memory_space<hbm>>) target(%arg8 : memref<4096xi32, #tpu.memory_space<vmem>>) target_semaphore(%arg14 : memref<!tpu.dma_semaphore, #tpu.memory_space<semaphore_mem>>)
    %add3A_286 = arith.constant 12288 : i32
    %add3A_287 = arith.addi %mul3A_2, %add3A_286 : i32
    %dma_wait3A_288 = tpu.memref_slice %arg6[%add3A_287] : memref<1048576xi32, #tpu.memory_space<hbm>> -> memref<4096xi32, #tpu.memory_space<hbm>>
    %dma_wait3A_289 = tpu.memref_slice %arg6[%add3A_287] : memref<1048576xi32, #tpu.memory_space<hbm>> -> memref<4096xi32, #tpu.memory_space<hbm>>
    tpu.wait_dma2 semaphore(%arg15 : memref<!tpu.dma_semaphore, #tpu.memory_space<semaphore_mem>>) src(%dma_wait3A_289 : memref<4096xi32, #tpu.memory_space<hbm>>) dst(%arg9 : memref<4096xi32, #tpu.memory_space<vmem>>)
    %parallel_loop3A_290 = arith.constant 0 : i32
    %parallel_loop3A_291 = arith.constant 4096 : i32
    %parallel_loop3A_292 = arith.constant 16 : i32
    %parallel_loop3A_293 = arith.constant 99999 : i32
    scf.for %parallel_loop3A_378 = %parallel_loop3A_290 to %parallel_loop3A_291 step %parallel_loop3A_292  : i32 {
      %parallel_loop3A_379 = arith.index_cast %parallel_loop3A_378 : i32 to index
      %parallel_loop3A_380 = tpu.vector_load %arg9[%parallel_loop3A_379] {strides = array<i32>} : memref<4096xi32, #tpu.memory_space<vmem>>, vector<16xi32>,
      %parallel_loop3A_381 = arith.constant 1048576 : i32
      %parallel_loop3A_382 = vector.broadcast %parallel_loop3A_381 : i32 to vector<16xi32>
      %parallel_loop3A_383 = arith.cmpi sge, %parallel_loop3A_380, %parallel_loop3A_382 : vector<16xi32>
      %parallel_loop3A_384 = vector.broadcast %parallel_loop3A_293 : i32 to vector<16xi32>
      %parallel_loop3A_385 = arith.minsi %parallel_loop3A_380, %parallel_loop3A_384 : vector<16xi32>
      %parallel_loop3A_386 = tpu.vector_load_idx %arg7[%parallel_loop3A_385] : memref<100000xi32, #tpu.memory_space<vmem>>[vector<16xi32>], vector<16xi32>,
      %parallel_loop3A_387 = arith.constant 1048576 : i32
      %parallel_loop3A_388 = vector.broadcast %parallel_loop3A_387 : i32 to vector<16xi32>
      %parallel_loop3A_389 = arith.subi %parallel_loop3A_380, %parallel_loop3A_388 : vector<16xi32>
      %parallel_loop3A_390 = arith.select %parallel_loop3A_383, %parallel_loop3A_389, %parallel_loop3A_386 : vector<16xi1>, vector<16xi32>
      %parallel_loop3A_391 = arith.index_cast %parallel_loop3A_378 : i32 to index
      %parallel_loop3A_392 = tpu.vector_load %arg9[%parallel_loop3A_391] {strides = array<i32>} : memref<4096xi32, #tpu.memory_space<vmem>>, vector<16xi32>,
      tpu.vector_store %arg9[%parallel_loop3A_391], %parallel_loop3A_390 {strides = array<i32>} : memref<4096xi32, #tpu.memory_space<vmem>>, vector<16xi32>,
    } {sc.loop_unroll_factor = 8 : i64, sc.parallel_access}
    %add3A_294 = arith.constant 12288 : i32
    %add3A_295 = arith.addi %mul3A_2, %add3A_294 : i32
    %dma_start3A_296 = tpu.memref_slice %arg6[%add3A_295] : memref<1048576xi32, #tpu.memory_space<hbm>> -> memref<4096xi32, #tpu.memory_space<hbm>>
    %dma_start3A_297 = tpu.memref_slice %arg6[%add3A_295] : memref<1048576xi32, #tpu.memory_space<hbm>> -> memref<4096xi32, #tpu.memory_space<hbm>>
    tpu.enqueue_dma source(%arg9 : memref<4096xi32, #tpu.memory_space<vmem>>) target(%dma_start3A_297 : memref<4096xi32, #tpu.memory_space<hbm>>) target_semaphore(%arg19 : memref<!tpu.dma_semaphore, #tpu.memory_space<semaphore_mem>>)
    %add3A_298 = arith.constant 12288 : i32
    %add3A_299 = arith.addi %mul3A_2, %add3A_298 : i32
    %dma_wait3A_300 = tpu.memref_slice %arg6[%add3A_299] : memref<1048576xi32, #tpu.memory_space<hbm>> -> memref<4096xi32, #tpu.memory_space<hbm>>
    %dma_wait3A_301 = tpu.memref_slice %arg6[%add3A_299] : memref<1048576xi32, #tpu.memory_space<hbm>> -> memref<4096xi32, #tpu.memory_space<hbm>>
    tpu.wait_dma2 semaphore(%arg19 : memref<!tpu.dma_semaphore, #tpu.memory_space<semaphore_mem>>) src(%arg9 : memref<4096xi32, #tpu.memory_space<vmem>>) dst(%dma_wait3A_301 : memref<4096xi32, #tpu.memory_space<hbm>>)
    %add3A_302 = arith.constant 20480 : i32
    %add3A_303 = arith.addi %mul3A_2, %add3A_302 : i32
    %dma_start3A_304 = tpu.memref_slice %arg6[%add3A_303] : memref<1048576xi32, #tpu.memory_space<hbm>> -> memref<4096xi32, #tpu.memory_space<hbm>>
    %dma_start3A_305 = tpu.memref_slice %arg6[%add3A_303] : memref<1048576xi32, #tpu.memory_space<hbm>> -> memref<4096xi32, #tpu.memory_space<hbm>>
    tpu.enqueue_dma source(%dma_start3A_305 : memref<4096xi32, #tpu.memory_space<hbm>>) target(%arg9 : memref<4096xi32, #tpu.memory_space<vmem>>) target_semaphore(%arg15 : memref<!tpu.dma_semaphore, #tpu.memory_space<semaphore_mem>>)
    %add3A_306 = arith.constant 16384 : i32
    %add3A_307 = arith.addi %mul3A_2, %add3A_306 : i32
    %dma_wait3A_308 = tpu.memref_slice %arg6[%add3A_307] : memref<1048576xi32, #tpu.memory_space<hbm>> -> memref<4096xi32, #tpu.memory_space<hbm>>
    %dma_wait3A_309 = tpu.memref_slice %arg6[%add3A_307] : memref<1048576xi32, #tpu.memory_space<hbm>> -> memref<4096xi32, #tpu.memory_space<hbm>>
    tpu.wait_dma2 semaphore(%arg14 : memref<!tpu.dma_semaphore, #tpu.memory_space<semaphore_mem>>) src(%dma_wait3A_309 : memref<4096xi32, #tpu.memory_space<hbm>>) dst(%arg8 : memref<4096xi32, #tpu.memory_space<vmem>>)
    %parallel_loop3A_310 = arith.constant 0 : i32
    %parallel_loop3A_311 = arith.constant 4096 : i32
    %parallel_loop3A_312 = arith.constant 16 : i32
    %parallel_loop3A_313 = arith.constant 99999 : i32
    scf.for %parallel_loop3A_378 = %parallel_loop3A_310 to %parallel_loop3A_311 step %parallel_loop3A_312  : i32 {
      %parallel_loop3A_379 = arith.index_cast %parallel_loop3A_378 : i32 to index
      %parallel_loop3A_380 = tpu.vector_load %arg8[%parallel_loop3A_379] {strides = array<i32>} : memref<4096xi32, #tpu.memory_space<vmem>>, vector<16xi32>,
      %parallel_loop3A_381 = arith.constant 1048576 : i32
      %parallel_loop3A_382 = vector.broadcast %parallel_loop3A_381 : i32 to vector<16xi32>
      %parallel_loop3A_383 = arith.cmpi sge, %parallel_loop3A_380, %parallel_loop3A_382 : vector<16xi32>
      %parallel_loop3A_384 = vector.broadcast %parallel_loop3A_313 : i32 to vector<16xi32>
      %parallel_loop3A_385 = arith.minsi %parallel_loop3A_380, %parallel_loop3A_384 : vector<16xi32>
      %parallel_loop3A_386 = tpu.vector_load_idx %arg7[%parallel_loop3A_385] : memref<100000xi32, #tpu.memory_space<vmem>>[vector<16xi32>], vector<16xi32>,
      %parallel_loop3A_387 = arith.constant 1048576 : i32
      %parallel_loop3A_388 = vector.broadcast %parallel_loop3A_387 : i32 to vector<16xi32>
      %parallel_loop3A_389 = arith.subi %parallel_loop3A_380, %parallel_loop3A_388 : vector<16xi32>
      %parallel_loop3A_390 = arith.select %parallel_loop3A_383, %parallel_loop3A_389, %parallel_loop3A_386 : vector<16xi1>, vector<16xi32>
      %parallel_loop3A_391 = arith.index_cast %parallel_loop3A_378 : i32 to index
      %parallel_loop3A_392 = tpu.vector_load %arg8[%parallel_loop3A_391] {strides = array<i32>} : memref<4096xi32, #tpu.memory_space<vmem>>, vector<16xi32>,
      tpu.vector_store %arg8[%parallel_loop3A_391], %parallel_loop3A_390 {strides = array<i32>} : memref<4096xi32, #tpu.memory_space<vmem>>, vector<16xi32>,
    } {sc.loop_unroll_factor = 8 : i64, sc.parallel_access}
    %add3A_314 = arith.constant 16384 : i32
    %add3A_315 = arith.addi %mul3A_2, %add3A_314 : i32
    %dma_start3A_316 = tpu.memref_slice %arg6[%add3A_315] : memref<1048576xi32, #tpu.memory_space<hbm>> -> memref<4096xi32, #tpu.memory_space<hbm>>
    %dma_start3A_317 = tpu.memref_slice %arg6[%add3A_315] : memref<1048576xi32, #tpu.memory_space<hbm>> -> memref<4096xi32, #tpu.memory_space<hbm>>
    tpu.enqueue_dma source(%arg8 : memref<4096xi32, #tpu.memory_space<vmem>>) target(%dma_start3A_317 : memref<4096xi32, #tpu.memory_space<hbm>>) target_semaphore(%arg18 : memref<!tpu.dma_semaphore, #tpu.memory_space<semaphore_mem>>)
    %add3A_318 = arith.constant 16384 : i32
    %add3A_319 = arith.addi %mul3A_2, %add3A_318 : i32
    %dma_wait3A_320 = tpu.memref_slice %arg6[%add3A_319] : memref<1048576xi32, #tpu.memory_space<hbm>> -> memref<4096xi32, #tpu.memory_space<hbm>>
    %dma_wait3A_321 = tpu.memref_slice %arg6[%add3A_319] : memref<1048576xi32, #tpu.memory_space<hbm>> -> memref<4096xi32, #tpu.memory_space<hbm>>
    tpu.wait_dma2 semaphore(%arg18 : memref<!tpu.dma_semaphore, #tpu.memory_space<semaphore_mem>>) src(%arg8 : memref<4096xi32, #tpu.memory_space<vmem>>) dst(%dma_wait3A_321 : memref<4096xi32, #tpu.memory_space<hbm>>)
    %add3A_322 = arith.constant 24576 : i32
    %add3A_323 = arith.addi %mul3A_2, %add3A_322 : i32
    %dma_start3A_324 = tpu.memref_slice %arg6[%add3A_323] : memref<1048576xi32, #tpu.memory_space<hbm>> -> memref<4096xi32, #tpu.memory_space<hbm>>
    %dma_start3A_325 = tpu.memref_slice %arg6[%add3A_323] : memref<1048576xi32, #tpu.memory_space<hbm>> -> memref<4096xi32, #tpu.memory_space<hbm>>
    tpu.enqueue_dma source(%dma_start3A_325 : memref<4096xi32, #tpu.memory_space<hbm>>) target(%arg8 : memref<4096xi32, #tpu.memory_space<vmem>>) target_semaphore(%arg14 : memref<!tpu.dma_semaphore, #tpu.memory_space<semaphore_mem>>)
    %add3A_326 = arith.constant 20480 : i32
    %add3A_327 = arith.addi %mul3A_2, %add3A_326 : i32
    %dma_wait3A_328 = tpu.memref_slice %arg6[%add3A_327] : memref<1048576xi32, #tpu.memory_space<hbm>> -> memref<4096xi32, #tpu.memory_space<hbm>>
    %dma_wait3A_329 = tpu.memref_slice %arg6[%add3A_327] : memref<1048576xi32, #tpu.memory_space<hbm>> -> memref<4096xi32, #tpu.memory_space<hbm>>
    tpu.wait_dma2 semaphore(%arg15 : memref<!tpu.dma_semaphore, #tpu.memory_space<semaphore_mem>>) src(%dma_wait3A_329 : memref<4096xi32, #tpu.memory_space<hbm>>) dst(%arg9 : memref<4096xi32, #tpu.memory_space<vmem>>)
    %parallel_loop3A_330 = arith.constant 0 : i32
    %parallel_loop3A_331 = arith.constant 4096 : i32
    %parallel_loop3A_332 = arith.constant 16 : i32
    %parallel_loop3A_333 = arith.constant 99999 : i32
    scf.for %parallel_loop3A_378 = %parallel_loop3A_330 to %parallel_loop3A_331 step %parallel_loop3A_332  : i32 {
      %parallel_loop3A_379 = arith.index_cast %parallel_loop3A_378 : i32 to index
      %parallel_loop3A_380 = tpu.vector_load %arg9[%parallel_loop3A_379] {strides = array<i32>} : memref<4096xi32, #tpu.memory_space<vmem>>, vector<16xi32>,
      %parallel_loop3A_381 = arith.constant 1048576 : i32
      %parallel_loop3A_382 = vector.broadcast %parallel_loop3A_381 : i32 to vector<16xi32>
      %parallel_loop3A_383 = arith.cmpi sge, %parallel_loop3A_380, %parallel_loop3A_382 : vector<16xi32>
      %parallel_loop3A_384 = vector.broadcast %parallel_loop3A_333 : i32 to vector<16xi32>
      %parallel_loop3A_385 = arith.minsi %parallel_loop3A_380, %parallel_loop3A_384 : vector<16xi32>
      %parallel_loop3A_386 = tpu.vector_load_idx %arg7[%parallel_loop3A_385] : memref<100000xi32, #tpu.memory_space<vmem>>[vector<16xi32>], vector<16xi32>,
      %parallel_loop3A_387 = arith.constant 1048576 : i32
      %parallel_loop3A_388 = vector.broadcast %parallel_loop3A_387 : i32 to vector<16xi32>
      %parallel_loop3A_389 = arith.subi %parallel_loop3A_380, %parallel_loop3A_388 : vector<16xi32>
      %parallel_loop3A_390 = arith.select %parallel_loop3A_383, %parallel_loop3A_389, %parallel_loop3A_386 : vector<16xi1>, vector<16xi32>
      %parallel_loop3A_391 = arith.index_cast %parallel_loop3A_378 : i32 to index
      %parallel_loop3A_392 = tpu.vector_load %arg9[%parallel_loop3A_391] {strides = array<i32>} : memref<4096xi32, #tpu.memory_space<vmem>>, vector<16xi32>,
      tpu.vector_store %arg9[%parallel_loop3A_391], %parallel_loop3A_390 {strides = array<i32>} : memref<4096xi32, #tpu.memory_space<vmem>>, vector<16xi32>,
    } {sc.loop_unroll_factor = 8 : i64, sc.parallel_access}
    %add3A_334 = arith.constant 20480 : i32
    %add3A_335 = arith.addi %mul3A_2, %add3A_334 : i32
    %dma_start3A_336 = tpu.memref_slice %arg6[%add3A_335] : memref<1048576xi32, #tpu.memory_space<hbm>> -> memref<4096xi32, #tpu.memory_space<hbm>>
    %dma_start3A_337 = tpu.memref_slice %arg6[%add3A_335] : memref<1048576xi32, #tpu.memory_space<hbm>> -> memref<4096xi32, #tpu.memory_space<hbm>>
    tpu.enqueue_dma source(%arg9 : memref<4096xi32, #tpu.memory_space<vmem>>) target(%dma_start3A_337 : memref<4096xi32, #tpu.memory_space<hbm>>) target_semaphore(%arg19 : memref<!tpu.dma_semaphore, #tpu.memory_space<semaphore_mem>>)
    %add3A_338 = arith.constant 20480 : i32
    %add3A_339 = arith.addi %mul3A_2, %add3A_338 : i32
    %dma_wait3A_340 = tpu.memref_slice %arg6[%add3A_339] : memref<1048576xi32, #tpu.memory_space<hbm>> -> memref<4096xi32, #tpu.memory_space<hbm>>
    %dma_wait3A_341 = tpu.memref_slice %arg6[%add3A_339] : memref<1048576xi32, #tpu.memory_space<hbm>> -> memref<4096xi32, #tpu.memory_space<hbm>>
    tpu.wait_dma2 semaphore(%arg19 : memref<!tpu.dma_semaphore, #tpu.memory_space<semaphore_mem>>) src(%arg9 : memref<4096xi32, #tpu.memory_space<vmem>>) dst(%dma_wait3A_341 : memref<4096xi32, #tpu.memory_space<hbm>>)
    %add3A_342 = arith.constant 28672 : i32
    %add3A_343 = arith.addi %mul3A_2, %add3A_342 : i32
    %dma_start3A_344 = tpu.memref_slice %arg6[%add3A_343] : memref<1048576xi32, #tpu.memory_space<hbm>> -> memref<4096xi32, #tpu.memory_space<hbm>>
    %dma_start3A_345 = tpu.memref_slice %arg6[%add3A_343] : memref<1048576xi32, #tpu.memory_space<hbm>> -> memref<4096xi32, #tpu.memory_space<hbm>>
    tpu.enqueue_dma source(%dma_start3A_345 : memref<4096xi32, #tpu.memory_space<hbm>>) target(%arg9 : memref<4096xi32, #tpu.memory_space<vmem>>) target_semaphore(%arg15 : memref<!tpu.dma_semaphore, #tpu.memory_space<semaphore_mem>>)
    %add3A_346 = arith.constant 24576 : i32
    %add3A_347 = arith.addi %mul3A_2, %add3A_346 : i32
    %dma_wait3A_348 = tpu.memref_slice %arg6[%add3A_347] : memref<1048576xi32, #tpu.memory_space<hbm>> -> memref<4096xi32, #tpu.memory_space<hbm>>
    %dma_wait3A_349 = tpu.memref_slice %arg6[%add3A_347] : memref<1048576xi32, #tpu.memory_space<hbm>> -> memref<4096xi32, #tpu.memory_space<hbm>>
    tpu.wait_dma2 semaphore(%arg14 : memref<!tpu.dma_semaphore, #tpu.memory_space<semaphore_mem>>) src(%dma_wait3A_349 : memref<4096xi32, #tpu.memory_space<hbm>>) dst(%arg8 : memref<4096xi32, #tpu.memory_space<vmem>>)
    %parallel_loop3A_350 = arith.constant 0 : i32
    %parallel_loop3A_351 = arith.constant 4096 : i32
    %parallel_loop3A_352 = arith.constant 16 : i32
    %parallel_loop3A_353 = arith.constant 99999 : i32
    scf.for %parallel_loop3A_378 = %parallel_loop3A_350 to %parallel_loop3A_351 step %parallel_loop3A_352  : i32 {
      %parallel_loop3A_379 = arith.index_cast %parallel_loop3A_378 : i32 to index
      %parallel_loop3A_380 = tpu.vector_load %arg8[%parallel_loop3A_379] {strides = array<i32>} : memref<4096xi32, #tpu.memory_space<vmem>>, vector<16xi32>,
      %parallel_loop3A_381 = arith.constant 1048576 : i32
      %parallel_loop3A_382 = vector.broadcast %parallel_loop3A_381 : i32 to vector<16xi32>
      %parallel_loop3A_383 = arith.cmpi sge, %parallel_loop3A_380, %parallel_loop3A_382 : vector<16xi32>
      %parallel_loop3A_384 = vector.broadcast %parallel_loop3A_353 : i32 to vector<16xi32>
      %parallel_loop3A_385 = arith.minsi %parallel_loop3A_380, %parallel_loop3A_384 : vector<16xi32>
      %parallel_loop3A_386 = tpu.vector_load_idx %arg7[%parallel_loop3A_385] : memref<100000xi32, #tpu.memory_space<vmem>>[vector<16xi32>], vector<16xi32>,
      %parallel_loop3A_387 = arith.constant 1048576 : i32
      %parallel_loop3A_388 = vector.broadcast %parallel_loop3A_387 : i32 to vector<16xi32>
      %parallel_loop3A_389 = arith.subi %parallel_loop3A_380, %parallel_loop3A_388 : vector<16xi32>
      %parallel_loop3A_390 = arith.select %parallel_loop3A_383, %parallel_loop3A_389, %parallel_loop3A_386 : vector<16xi1>, vector<16xi32>
      %parallel_loop3A_391 = arith.index_cast %parallel_loop3A_378 : i32 to index
      %parallel_loop3A_392 = tpu.vector_load %arg8[%parallel_loop3A_391] {strides = array<i32>} : memref<4096xi32, #tpu.memory_space<vmem>>, vector<16xi32>,
      tpu.vector_store %arg8[%parallel_loop3A_391], %parallel_loop3A_390 {strides = array<i32>} : memref<4096xi32, #tpu.memory_space<vmem>>, vector<16xi32>,
    } {sc.loop_unroll_factor = 8 : i64, sc.parallel_access}
    %add3A_354 = arith.constant 24576 : i32
    %add3A_355 = arith.addi %mul3A_2, %add3A_354 : i32
    %dma_start3A_356 = tpu.memref_slice %arg6[%add3A_355] : memref<1048576xi32, #tpu.memory_space<hbm>> -> memref<4096xi32, #tpu.memory_space<hbm>>
    %dma_start3A_357 = tpu.memref_slice %arg6[%add3A_355] : memref<1048576xi32, #tpu.memory_space<hbm>> -> memref<4096xi32, #tpu.memory_space<hbm>>
    tpu.enqueue_dma source(%arg8 : memref<4096xi32, #tpu.memory_space<vmem>>) target(%dma_start3A_357 : memref<4096xi32, #tpu.memory_space<hbm>>) target_semaphore(%arg18 : memref<!tpu.dma_semaphore, #tpu.memory_space<semaphore_mem>>)
    %add3A_358 = arith.constant 28672 : i32
    %add3A_359 = arith.addi %mul3A_2, %add3A_358 : i32
    %dma_wait3A_360 = tpu.memref_slice %arg6[%add3A_359] : memref<1048576xi32, #tpu.memory_space<hbm>> -> memref<4096xi32, #tpu.memory_space<hbm>>
    %dma_wait3A_361 = tpu.memref_slice %arg6[%add3A_359] : memref<1048576xi32, #tpu.memory_space<hbm>> -> memref<4096xi32, #tpu.memory_space<hbm>>
    tpu.wait_dma2 semaphore(%arg15 : memref<!tpu.dma_semaphore, #tpu.memory_space<semaphore_mem>>) src(%dma_wait3A_361 : memref<4096xi32, #tpu.memory_space<hbm>>) dst(%arg9 : memref<4096xi32, #tpu.memory_space<vmem>>)
    %parallel_loop3A_362 = arith.constant 0 : i32
    %parallel_loop3A_363 = arith.constant 4096 : i32
    %parallel_loop3A_364 = arith.constant 16 : i32
    %parallel_loop3A_365 = arith.constant 99999 : i32
    scf.for %parallel_loop3A_378 = %parallel_loop3A_362 to %parallel_loop3A_363 step %parallel_loop3A_364  : i32 {
      %parallel_loop3A_379 = arith.index_cast %parallel_loop3A_378 : i32 to index
      %parallel_loop3A_380 = tpu.vector_load %arg9[%parallel_loop3A_379] {strides = array<i32>} : memref<4096xi32, #tpu.memory_space<vmem>>, vector<16xi32>,
      %parallel_loop3A_381 = arith.constant 1048576 : i32
      %parallel_loop3A_382 = vector.broadcast %parallel_loop3A_381 : i32 to vector<16xi32>
      %parallel_loop3A_383 = arith.cmpi sge, %parallel_loop3A_380, %parallel_loop3A_382 : vector<16xi32>
      %parallel_loop3A_384 = vector.broadcast %parallel_loop3A_365 : i32 to vector<16xi32>
      %parallel_loop3A_385 = arith.minsi %parallel_loop3A_380, %parallel_loop3A_384 : vector<16xi32>
      %parallel_loop3A_386 = tpu.vector_load_idx %arg7[%parallel_loop3A_385] : memref<100000xi32, #tpu.memory_space<vmem>>[vector<16xi32>], vector<16xi32>,
      %parallel_loop3A_387 = arith.constant 1048576 : i32
      %parallel_loop3A_388 = vector.broadcast %parallel_loop3A_387 : i32 to vector<16xi32>
      %parallel_loop3A_389 = arith.subi %parallel_loop3A_380, %parallel_loop3A_388 : vector<16xi32>
      %parallel_loop3A_390 = arith.select %parallel_loop3A_383, %parallel_loop3A_389, %parallel_loop3A_386 : vector<16xi1>, vector<16xi32>
      %parallel_loop3A_391 = arith.index_cast %parallel_loop3A_378 : i32 to index
      %parallel_loop3A_392 = tpu.vector_load %arg9[%parallel_loop3A_391] {strides = array<i32>} : memref<4096xi32, #tpu.memory_space<vmem>>, vector<16xi32>,
      tpu.vector_store %arg9[%parallel_loop3A_391], %parallel_loop3A_390 {strides = array<i32>} : memref<4096xi32, #tpu.memory_space<vmem>>, vector<16xi32>,
    } {sc.loop_unroll_factor = 8 : i64, sc.parallel_access}
    %add3A_366 = arith.constant 28672 : i32
    %add3A_367 = arith.addi %mul3A_2, %add3A_366 : i32
    %dma_start3A_368 = tpu.memref_slice %arg6[%add3A_367] : memref<1048576xi32, #tpu.memory_space<hbm>> -> memref<4096xi32, #tpu.memory_space<hbm>>
    %dma_start3A_369 = tpu.memref_slice %arg6[%add3A_367] : memref<1048576xi32, #tpu.memory_space<hbm>> -> memref<4096xi32, #tpu.memory_space<hbm>>
    tpu.enqueue_dma source(%arg9 : memref<4096xi32, #tpu.memory_space<vmem>>) target(%dma_start3A_369 : memref<4096xi32, #tpu.memory_space<hbm>>) target_semaphore(%arg19 : memref<!tpu.dma_semaphore, #tpu.memory_space<semaphore_mem>>)
    %add3A_370 = arith.constant 28672 : i32
    %add3A_371 = arith.addi %mul3A_2, %add3A_370 : i32
    %dma_wait3A_372 = tpu.memref_slice %arg6[%add3A_371] : memref<1048576xi32, #tpu.memory_space<hbm>> -> memref<4096xi32, #tpu.memory_space<hbm>>
    %dma_wait3A_373 = tpu.memref_slice %arg6[%add3A_371] : memref<1048576xi32, #tpu.memory_space<hbm>> -> memref<4096xi32, #tpu.memory_space<hbm>>
    tpu.wait_dma2 semaphore(%arg19 : memref<!tpu.dma_semaphore, #tpu.memory_space<semaphore_mem>>) src(%arg9 : memref<4096xi32, #tpu.memory_space<vmem>>) dst(%dma_wait3A_373 : memref<4096xi32, #tpu.memory_space<hbm>>)
    %add3A_374 = arith.constant 24576 : i32
    %add3A_375 = arith.addi %mul3A_2, %add3A_374 : i32
    %dma_wait3A_376 = tpu.memref_slice %arg6[%add3A_375] : memref<1048576xi32, #tpu.memory_space<hbm>> -> memref<4096xi32, #tpu.memory_space<hbm>>
    %dma_wait3A_377 = tpu.memref_slice %arg6[%add3A_375] : memref<1048576xi32, #tpu.memory_space<hbm>> -> memref<4096xi32, #tpu.memory_space<hbm>>
    tpu.wait_dma2 semaphore(%arg18 : memref<!tpu.dma_semaphore, #tpu.memory_space<semaphore_mem>>) src(%arg8 : memref<4096xi32, #tpu.memory_space<vmem>>) dst(%dma_wait3A_377 : memref<4096xi32, #tpu.memory_space<hbm>>)
    return
  }
}

module attributes {stable_mosaic.version = 14 : i64} {
  func.func @_hash_body(%arg0: i32, %arg1: memref<1xi32, #tpu.memory_space<smem>>, %arg2: memref<2048x128xi32, #tpu.memory_space<vmem>>, %arg3: memref<2048x128xi32, #tpu.memory_space<vmem>>) attributes {dimension_semantics = [#tpu.dimension_semantics<arbitrary>], iteration_bounds = array<i64: 4>, scalar_prefetch = 0 : i64, scratch_operands = 0 : i64, tpu.core_type = #tpu.core_type<tc>, window_params = [{transform_indices = @transform_0, window_bounds = array<i64: 1>}, {transform_indices = @transform_1, window_bounds = array<i64: 2048, 128>}, {transform_indices = @transform_2, window_bounds = array<i64: 2048, 128>}]} {
    %iota3A = tpu.iota {dimensions = array<i32: 0>} : vector<2048x128xi32>
    %mul3A = arith.constant 2048 : i32
    %mul3A_0 = arith.muli %arg0, %mul3A : i32
    %add3A = arith.constant 0 : i32
    %add3A_1 = arith.addi %mul3A_0, %add3A : i32
    %add3A_2 = vector.broadcast %add3A_1 : i32 to vector<2048x128xi32>
    %add3A_3 = arith.addi %iota3A, %add3A_2 : vector<2048x128xi32>
    %iota3A_4 = tpu.iota {dimensions = array<i32: 1>} : vector<2048x128xi32>
    %mul3A_5 = arith.constant 128 : i32
    %mul3A_6 = vector.broadcast %mul3A_5 : i32 to vector<2048x128xi32>
    %mul3A_7 = arith.muli %add3A_3, %mul3A_6 : vector<2048x128xi32>
    %add3A_8 = arith.addi %mul3A_7, %iota3A_4 : vector<2048x128xi32>
    %broadcast_in_dim3A = arith.constant -1589026962 : i32
    %broadcast_in_dim3A_9 = vector.broadcast %broadcast_in_dim3A : i32 to vector<2048x128xi32>
    %add3A_10 = arith.constant -1655210212 : i32
    %add3A_11 = vector.broadcast %add3A_10 : i32 to vector<2048x128xi32>
    %add3A_12 = arith.addi %add3A_8, %add3A_11 : vector<2048x128xi32>
    %add3A_13 = arith.addi %broadcast_in_dim3A_9, %add3A_12 : vector<2048x128xi32>
    %shift_left3A = arith.constant 13 : i32
    %shift_left3A_14 = vector.broadcast %shift_left3A : i32 to vector<2048x128xi32>
    %shift_left3A_15 = arith.shli %add3A_12, %shift_left3A_14 : vector<2048x128xi32>
    %shift_right_logical3A = arith.constant 19 : i32
    %shift_right_logical3A_16 = vector.broadcast %shift_right_logical3A : i32 to vector<2048x128xi32>
    %shift_right_logical3A_17 = arith.shrui %add3A_12, %shift_right_logical3A_16 : vector<2048x128xi32>
    %or3A = arith.ori %shift_left3A_15, %shift_right_logical3A_17 : vector<2048x128xi32>
    %xor3A = arith.xori %or3A, %add3A_13 : vector<2048x128xi32>
    %add3A_18 = arith.addi %add3A_13, %xor3A : vector<2048x128xi32>
    %shift_left3A_19 = arith.constant 15 : i32
    %shift_left3A_20 = vector.broadcast %shift_left3A_19 : i32 to vector<2048x128xi32>
    %shift_left3A_21 = arith.shli %xor3A, %shift_left3A_20 : vector<2048x128xi32>
    %shift_right_logical3A_22 = arith.constant 17 : i32
    %shift_right_logical3A_23 = vector.broadcast %shift_right_logical3A_22 : i32 to vector<2048x128xi32>
    %shift_right_logical3A_24 = arith.shrui %xor3A, %shift_right_logical3A_23 : vector<2048x128xi32>
    %or3A_25 = arith.ori %shift_left3A_21, %shift_right_logical3A_24 : vector<2048x128xi32>
    %xor3A_26 = arith.xori %or3A_25, %add3A_18 : vector<2048x128xi32>
    %add3A_27 = arith.addi %add3A_18, %xor3A_26 : vector<2048x128xi32>
    %shift_left3A_28 = arith.constant 26 : i32
    %shift_left3A_29 = vector.broadcast %shift_left3A_28 : i32 to vector<2048x128xi32>
    %shift_left3A_30 = arith.shli %xor3A_26, %shift_left3A_29 : vector<2048x128xi32>
    %shift_right_logical3A_31 = arith.constant 6 : i32
    %shift_right_logical3A_32 = vector.broadcast %shift_right_logical3A_31 : i32 to vector<2048x128xi32>
    %shift_right_logical3A_33 = arith.shrui %xor3A_26, %shift_right_logical3A_32 : vector<2048x128xi32>
    %or3A_34 = arith.ori %shift_left3A_30, %shift_right_logical3A_33 : vector<2048x128xi32>
    %xor3A_35 = arith.xori %or3A_34, %add3A_27 : vector<2048x128xi32>
    %add3A_36 = arith.addi %add3A_27, %xor3A_35 : vector<2048x128xi32>
    %shift_left3A_37 = arith.constant 6 : i32
    %shift_left3A_38 = vector.broadcast %shift_left3A_37 : i32 to vector<2048x128xi32>
    %shift_left3A_39 = arith.shli %xor3A_35, %shift_left3A_38 : vector<2048x128xi32>
    %shift_right_logical3A_40 = arith.constant 26 : i32
    %shift_right_logical3A_41 = vector.broadcast %shift_right_logical3A_40 : i32 to vector<2048x128xi32>
    %shift_right_logical3A_42 = arith.shrui %xor3A_35, %shift_right_logical3A_41 : vector<2048x128xi32>
    %or3A_43 = arith.ori %shift_left3A_39, %shift_right_logical3A_42 : vector<2048x128xi32>
    %xor3A_44 = arith.xori %or3A_43, %add3A_36 : vector<2048x128xi32>
    %add3A_45 = arith.constant -1655210212 : i32
    %add3A_46 = vector.broadcast %add3A_45 : i32 to vector<2048x128xi32>
    %add3A_47 = arith.addi %add3A_36, %add3A_46 : vector<2048x128xi32>
    %add3A_48 = arith.constant 667892649 : i32
    %add3A_49 = vector.broadcast %add3A_48 : i32 to vector<2048x128xi32>
    %add3A_50 = arith.addi %xor3A_44, %add3A_49 : vector<2048x128xi32>
    %add3A_51 = arith.addi %add3A_47, %add3A_50 : vector<2048x128xi32>
    %shift_left3A_52 = arith.constant 17 : i32
    %shift_left3A_53 = vector.broadcast %shift_left3A_52 : i32 to vector<2048x128xi32>
    %shift_left3A_54 = arith.shli %add3A_50, %shift_left3A_53 : vector<2048x128xi32>
    %shift_right_logical3A_55 = arith.constant 15 : i32
    %shift_right_logical3A_56 = vector.broadcast %shift_right_logical3A_55 : i32 to vector<2048x128xi32>
    %shift_right_logical3A_57 = arith.shrui %add3A_50, %shift_right_logical3A_56 : vector<2048x128xi32>
    %or3A_58 = arith.ori %shift_left3A_54, %shift_right_logical3A_57 : vector<2048x128xi32>
    %xor3A_59 = arith.xori %or3A_58, %add3A_51 : vector<2048x128xi32>
    %add3A_60 = arith.addi %add3A_51, %xor3A_59 : vector<2048x128xi32>
    %shift_left3A_61 = arith.constant 29 : i32
    %shift_left3A_62 = vector.broadcast %shift_left3A_61 : i32 to vector<2048x128xi32>
    %shift_left3A_63 = arith.shli %xor3A_59, %shift_left3A_62 : vector<2048x128xi32>
    %shift_right_logical3A_64 = arith.constant 3 : i32
    %shift_right_logical3A_65 = vector.broadcast %shift_right_logical3A_64 : i32 to vector<2048x128xi32>
    %shift_right_logical3A_66 = arith.shrui %xor3A_59, %shift_right_logical3A_65 : vector<2048x128xi32>
    %or3A_67 = arith.ori %shift_left3A_63, %shift_right_logical3A_66 : vector<2048x128xi32>
    %xor3A_68 = arith.xori %or3A_67, %add3A_60 : vector<2048x128xi32>
    %add3A_69 = arith.addi %add3A_60, %xor3A_68 : vector<2048x128xi32>
    %shift_left3A_70 = arith.constant 16 : i32
    %shift_left3A_71 = vector.broadcast %shift_left3A_70 : i32 to vector<2048x128xi32>
    %shift_left3A_72 = arith.shli %xor3A_68, %shift_left3A_71 : vector<2048x128xi32>
    %shift_right_logical3A_73 = arith.constant 16 : i32
    %shift_right_logical3A_74 = vector.broadcast %shift_right_logical3A_73 : i32 to vector<2048x128xi32>
    %shift_right_logical3A_75 = arith.shrui %xor3A_68, %shift_right_logical3A_74 : vector<2048x128xi32>
    %or3A_76 = arith.ori %shift_left3A_72, %shift_right_logical3A_75 : vector<2048x128xi32>
    %xor3A_77 = arith.xori %or3A_76, %add3A_69 : vector<2048x128xi32>
    %add3A_78 = arith.addi %add3A_69, %xor3A_77 : vector<2048x128xi32>
    %shift_left3A_79 = arith.constant 24 : i32
    %shift_left3A_80 = vector.broadcast %shift_left3A_79 : i32 to vector<2048x128xi32>
    %shift_left3A_81 = arith.shli %xor3A_77, %shift_left3A_80 : vector<2048x128xi32>
    %shift_right_logical3A_82 = arith.constant 8 : i32
    %shift_right_logical3A_83 = vector.broadcast %shift_right_logical3A_82 : i32 to vector<2048x128xi32>
    %shift_right_logical3A_84 = arith.shrui %xor3A_77, %shift_right_logical3A_83 : vector<2048x128xi32>
    %or3A_85 = arith.ori %shift_left3A_81, %shift_right_logical3A_84 : vector<2048x128xi32>
    %xor3A_86 = arith.xori %or3A_85, %add3A_78 : vector<2048x128xi32>
    %add3A_87 = arith.constant 667892648 : i32
    %add3A_88 = vector.broadcast %add3A_87 : i32 to vector<2048x128xi32>
    %add3A_89 = arith.addi %add3A_78, %add3A_88 : vector<2048x128xi32>
    %add3A_90 = arith.constant -1589026960 : i32
    %add3A_91 = vector.broadcast %add3A_90 : i32 to vector<2048x128xi32>
    %add3A_92 = arith.addi %xor3A_86, %add3A_91 : vector<2048x128xi32>
    %add3A_93 = arith.addi %add3A_89, %add3A_92 : vector<2048x128xi32>
    %shift_left3A_94 = arith.constant 13 : i32
    %shift_left3A_95 = vector.broadcast %shift_left3A_94 : i32 to vector<2048x128xi32>
    %shift_left3A_96 = arith.shli %add3A_92, %shift_left3A_95 : vector<2048x128xi32>
    %shift_right_logical3A_97 = arith.constant 19 : i32
    %shift_right_logical3A_98 = vector.broadcast %shift_right_logical3A_97 : i32 to vector<2048x128xi32>
    %shift_right_logical3A_99 = arith.shrui %add3A_92, %shift_right_logical3A_98 : vector<2048x128xi32>
    %or3A_100 = arith.ori %shift_left3A_96, %shift_right_logical3A_99 : vector<2048x128xi32>
    %xor3A_101 = arith.xori %or3A_100, %add3A_93 : vector<2048x128xi32>
    %add3A_102 = arith.addi %add3A_93, %xor3A_101 : vector<2048x128xi32>
    %shift_left3A_103 = arith.constant 15 : i32
    %shift_left3A_104 = vector.broadcast %shift_left3A_103 : i32 to vector<2048x128xi32>
    %shift_left3A_105 = arith.shli %xor3A_101, %shift_left3A_104 : vector<2048x128xi32>
    %shift_right_logical3A_106 = arith.constant 17 : i32
    %shift_right_logical3A_107 = vector.broadcast %shift_right_logical3A_106 : i32 to vector<2048x128xi32>
    %shift_right_logical3A_108 = arith.shrui %xor3A_101, %shift_right_logical3A_107 : vector<2048x128xi32>
    %or3A_109 = arith.ori %shift_left3A_105, %shift_right_logical3A_108 : vector<2048x128xi32>
    %xor3A_110 = arith.xori %or3A_109, %add3A_102 : vector<2048x128xi32>
    %add3A_111 = arith.addi %add3A_102, %xor3A_110 : vector<2048x128xi32>
    %shift_left3A_112 = arith.constant 26 : i32
    %shift_left3A_113 = vector.broadcast %shift_left3A_112 : i32 to vector<2048x128xi32>
    %shift_left3A_114 = arith.shli %xor3A_110, %shift_left3A_113 : vector<2048x128xi32>
    %shift_right_logical3A_115 = arith.constant 6 : i32
    %shift_right_logical3A_116 = vector.broadcast %shift_right_logical3A_115 : i32 to vector<2048x128xi32>
    %shift_right_logical3A_117 = arith.shrui %xor3A_110, %shift_right_logical3A_116 : vector<2048x128xi32>
    %or3A_118 = arith.ori %shift_left3A_114, %shift_right_logical3A_117 : vector<2048x128xi32>
    %xor3A_119 = arith.xori %or3A_118, %add3A_111 : vector<2048x128xi32>
    %add3A_120 = arith.addi %add3A_111, %xor3A_119 : vector<2048x128xi32>
    %shift_left3A_121 = arith.constant 6 : i32
    %shift_left3A_122 = vector.broadcast %shift_left3A_121 : i32 to vector<2048x128xi32>
    %shift_left3A_123 = arith.shli %xor3A_119, %shift_left3A_122 : vector<2048x128xi32>
    %shift_right_logical3A_124 = arith.constant 26 : i32
    %shift_right_logical3A_125 = vector.broadcast %shift_right_logical3A_124 : i32 to vector<2048x128xi32>
    %shift_right_logical3A_126 = arith.shrui %xor3A_119, %shift_right_logical3A_125 : vector<2048x128xi32>
    %or3A_127 = arith.ori %shift_left3A_123, %shift_right_logical3A_126 : vector<2048x128xi32>
    %xor3A_128 = arith.xori %or3A_127, %add3A_120 : vector<2048x128xi32>
    %add3A_129 = arith.constant -1589026962 : i32
    %add3A_130 = vector.broadcast %add3A_129 : i32 to vector<2048x128xi32>
    %add3A_131 = arith.addi %add3A_120, %add3A_130 : vector<2048x128xi32>
    %add3A_132 = arith.constant -1655210209 : i32
    %add3A_133 = vector.broadcast %add3A_132 : i32 to vector<2048x128xi32>
    %add3A_134 = arith.addi %xor3A_128, %add3A_133 : vector<2048x128xi32>
    %add3A_135 = arith.addi %add3A_131, %add3A_134 : vector<2048x128xi32>
    %shift_left3A_136 = arith.constant 17 : i32
    %shift_left3A_137 = vector.broadcast %shift_left3A_136 : i32 to vector<2048x128xi32>
    %shift_left3A_138 = arith.shli %add3A_134, %shift_left3A_137 : vector<2048x128xi32>
    %shift_right_logical3A_139 = arith.constant 15 : i32
    %shift_right_logical3A_140 = vector.broadcast %shift_right_logical3A_139 : i32 to vector<2048x128xi32>
    %shift_right_logical3A_141 = arith.shrui %add3A_134, %shift_right_logical3A_140 : vector<2048x128xi32>
    %or3A_142 = arith.ori %shift_left3A_138, %shift_right_logical3A_141 : vector<2048x128xi32>
    %xor3A_143 = arith.xori %or3A_142, %add3A_135 : vector<2048x128xi32>
    %add3A_144 = arith.addi %add3A_135, %xor3A_143 : vector<2048x128xi32>
    %shift_left3A_145 = arith.constant 29 : i32
    %shift_left3A_146 = vector.broadcast %shift_left3A_145 : i32 to vector<2048x128xi32>
    %shift_left3A_147 = arith.shli %xor3A_143, %shift_left3A_146 : vector<2048x128xi32>
    %shift_right_logical3A_148 = arith.constant 3 : i32
    %shift_right_logical3A_149 = vector.broadcast %shift_right_logical3A_148 : i32 to vector<2048x128xi32>
    %shift_right_logical3A_150 = arith.shrui %xor3A_143, %shift_right_logical3A_149 : vector<2048x128xi32>
    %or3A_151 = arith.ori %shift_left3A_147, %shift_right_logical3A_150 : vector<2048x128xi32>
    %xor3A_152 = arith.xori %or3A_151, %add3A_144 : vector<2048x128xi32>
    %add3A_153 = arith.addi %add3A_144, %xor3A_152 : vector<2048x128xi32>
    %shift_left3A_154 = arith.constant 16 : i32
    %shift_left3A_155 = vector.broadcast %shift_left3A_154 : i32 to vector<2048x128xi32>
    %shift_left3A_156 = arith.shli %xor3A_152, %shift_left3A_155 : vector<2048x128xi32>
    %shift_right_logical3A_157 = arith.constant 16 : i32
    %shift_right_logical3A_158 = vector.broadcast %shift_right_logical3A_157 : i32 to vector<2048x128xi32>
    %shift_right_logical3A_159 = arith.shrui %xor3A_152, %shift_right_logical3A_158 : vector<2048x128xi32>
    %or3A_160 = arith.ori %shift_left3A_156, %shift_right_logical3A_159 : vector<2048x128xi32>
    %xor3A_161 = arith.xori %or3A_160, %add3A_153 : vector<2048x128xi32>
    %add3A_162 = arith.addi %add3A_153, %xor3A_161 : vector<2048x128xi32>
    %shift_left3A_163 = arith.constant 24 : i32
    %shift_left3A_164 = vector.broadcast %shift_left3A_163 : i32 to vector<2048x128xi32>
    %shift_left3A_165 = arith.shli %xor3A_161, %shift_left3A_164 : vector<2048x128xi32>
    %shift_right_logical3A_166 = arith.constant 8 : i32
    %shift_right_logical3A_167 = vector.broadcast %shift_right_logical3A_166 : i32 to vector<2048x128xi32>
    %shift_right_logical3A_168 = arith.shrui %xor3A_161, %shift_right_logical3A_167 : vector<2048x128xi32>
    %or3A_169 = arith.ori %shift_left3A_165, %shift_right_logical3A_168 : vector<2048x128xi32>
    %xor3A_170 = arith.xori %or3A_169, %add3A_162 : vector<2048x128xi32>
    %add3A_171 = arith.constant -1655210212 : i32
    %add3A_172 = vector.broadcast %add3A_171 : i32 to vector<2048x128xi32>
    %add3A_173 = arith.addi %add3A_162, %add3A_172 : vector<2048x128xi32>
    %add3A_174 = arith.constant 667892652 : i32
    %add3A_175 = vector.broadcast %add3A_174 : i32 to vector<2048x128xi32>
    %add3A_176 = arith.addi %xor3A_170, %add3A_175 : vector<2048x128xi32>
    %add3A_177 = arith.addi %add3A_173, %add3A_176 : vector<2048x128xi32>
    %shift_left3A_178 = arith.constant 13 : i32
    %shift_left3A_179 = vector.broadcast %shift_left3A_178 : i32 to vector<2048x128xi32>
    %shift_left3A_180 = arith.shli %add3A_176, %shift_left3A_179 : vector<2048x128xi32>
    %shift_right_logical3A_181 = arith.constant 19 : i32
    %shift_right_logical3A_182 = vector.broadcast %shift_right_logical3A_181 : i32 to vector<2048x128xi32>
    %shift_right_logical3A_183 = arith.shrui %add3A_176, %shift_right_logical3A_182 : vector<2048x128xi32>
    %or3A_184 = arith.ori %shift_left3A_180, %shift_right_logical3A_183 : vector<2048x128xi32>
    %xor3A_185 = arith.xori %or3A_184, %add3A_177 : vector<2048x128xi32>
    %add3A_186 = arith.addi %add3A_177, %xor3A_185 : vector<2048x128xi32>
    %shift_left3A_187 = arith.constant 15 : i32
    %shift_left3A_188 = vector.broadcast %shift_left3A_187 : i32 to vector<2048x128xi32>
    %shift_left3A_189 = arith.shli %xor3A_185, %shift_left3A_188 : vector<2048x128xi32>
    %shift_right_logical3A_190 = arith.constant 17 : i32
    %shift_right_logical3A_191 = vector.broadcast %shift_right_logical3A_190 : i32 to vector<2048x128xi32>
    %shift_right_logical3A_192 = arith.shrui %xor3A_185, %shift_right_logical3A_191 : vector<2048x128xi32>
    %or3A_193 = arith.ori %shift_left3A_189, %shift_right_logical3A_192 : vector<2048x128xi32>
    %xor3A_194 = arith.xori %or3A_193, %add3A_186 : vector<2048x128xi32>
    %add3A_195 = arith.addi %add3A_186, %xor3A_194 : vector<2048x128xi32>
    %shift_left3A_196 = arith.constant 26 : i32
    %shift_left3A_197 = vector.broadcast %shift_left3A_196 : i32 to vector<2048x128xi32>
    %shift_left3A_198 = arith.shli %xor3A_194, %shift_left3A_197 : vector<2048x128xi32>
    %shift_right_logical3A_199 = arith.constant 6 : i32
    %shift_right_logical3A_200 = vector.broadcast %shift_right_logical3A_199 : i32 to vector<2048x128xi32>
    %shift_right_logical3A_201 = arith.shrui %xor3A_194, %shift_right_logical3A_200 : vector<2048x128xi32>
    %or3A_202 = arith.ori %shift_left3A_198, %shift_right_logical3A_201 : vector<2048x128xi32>
    %xor3A_203 = arith.xori %or3A_202, %add3A_195 : vector<2048x128xi32>
    %add3A_204 = arith.addi %add3A_195, %xor3A_203 : vector<2048x128xi32>
    %shift_left3A_205 = arith.constant 6 : i32
    %shift_left3A_206 = vector.broadcast %shift_left3A_205 : i32 to vector<2048x128xi32>
    %shift_left3A_207 = arith.shli %xor3A_203, %shift_left3A_206 : vector<2048x128xi32>
    %shift_right_logical3A_208 = arith.constant 26 : i32
    %shift_right_logical3A_209 = vector.broadcast %shift_right_logical3A_208 : i32 to vector<2048x128xi32>
    %shift_right_logical3A_210 = arith.shrui %xor3A_203, %shift_right_logical3A_209 : vector<2048x128xi32>
    %or3A_211 = arith.ori %shift_left3A_207, %shift_right_logical3A_210 : vector<2048x128xi32>
    %xor3A_212 = arith.xori %or3A_211, %add3A_204 : vector<2048x128xi32>
    %add3A_213 = arith.constant 667892648 : i32
    %add3A_214 = vector.broadcast %add3A_213 : i32 to vector<2048x128xi32>
    %add3A_215 = arith.addi %add3A_204, %add3A_214 : vector<2048x128xi32>
    %add3A_216 = arith.constant -1589026957 : i32
    %add3A_217 = vector.broadcast %add3A_216 : i32 to vector<2048x128xi32>
    %add3A_218 = arith.addi %xor3A_212, %add3A_217 : vector<2048x128xi32>
    %xor3A_219 = arith.xori %add3A_215, %add3A_218 : vector<2048x128xi32>
    %convert_element_type3A = arith.sitofp %xor3A_219 : vector<2048x128xi32> to vector<2048x128xf32>
    %lt3A = arith.constant 0 : i32
    %lt3A_220 = vector.broadcast %lt3A : i32 to vector<2048x128xi32>
    %lt3A_221 = arith.cmpi slt, %xor3A_219, %lt3A_220 : vector<2048x128xi32>
    %add3A_222 = arith.constant 4.2949673E+9 : f32
    %add3A_223 = vector.broadcast %add3A_222 : f32 to vector<2048x128xf32>
    %add3A_224 = arith.addf %convert_element_type3A, %add3A_223 : vector<2048x128xf32>
    %select_n3A = arith.select %lt3A_221, %add3A_224, %convert_element_type3A : vector<2048x128xi1>, vector<2048x128xf32>
    %mul3A_225 = arith.constant 9.99999974E-6 : f32
    %mul3A_226 = vector.broadcast %mul3A_225 : f32 to vector<2048x128xf32>
    %mul3A_227 = arith.mulf %select_n3A, %mul3A_226 : vector<2048x128xf32>
    %floor3A = math.floor %mul3A_227 : vector<2048x128xf32>
    %convert_element_type3A_228 = arith.fptosi %floor3A : vector<2048x128xf32> to vector<2048x128xi32>
    %mul3A_229 = arith.constant 100000 : i32
    %mul3A_230 = vector.broadcast %mul3A_229 : i32 to vector<2048x128xi32>
    %mul3A_231 = arith.muli %convert_element_type3A_228, %mul3A_230 : vector<2048x128xi32>
    %sub3A = arith.subi %xor3A_219, %mul3A_231 : vector<2048x128xi32>
    %lt3A_232 = arith.constant 0 : i32
    %lt3A_233 = vector.broadcast %lt3A_232 : i32 to vector<2048x128xi32>
    %lt3A_234 = arith.cmpi slt, %sub3A, %lt3A_233 : vector<2048x128xi32>
    %add3A_235 = arith.constant 100000 : i32
    %add3A_236 = vector.broadcast %add3A_235 : i32 to vector<2048x128xi32>
    %add3A_237 = arith.addi %sub3A, %add3A_236 : vector<2048x128xi32>
    %select_n3A_238 = arith.select %lt3A_234, %add3A_237, %sub3A : vector<2048x128xi1>, vector<2048x128xi32>
    %ge3A = arith.constant 100000 : i32
    %ge3A_239 = vector.broadcast %ge3A : i32 to vector<2048x128xi32>
    %ge3A_240 = arith.cmpi sge, %select_n3A_238, %ge3A_239 : vector<2048x128xi32>
    %sub3A_241 = arith.constant 100000 : i32
    %sub3A_242 = vector.broadcast %sub3A_241 : i32 to vector<2048x128xi32>
    %sub3A_243 = arith.subi %select_n3A_238, %sub3A_242 : vector<2048x128xi32>
    %select_n3A_244 = arith.select %ge3A_240, %sub3A_243, %select_n3A_238 : vector<2048x128xi1>, vector<2048x128xi32>
    %get3A = arith.constant 0 : index
    %get3A_245 = memref.load %arg1[%get3A] : memref<1xi32, #tpu.memory_space<smem>>
    %add3A_246 = vector.broadcast %get3A_245 : i32 to vector<2048x128xi32>
    %add3A_247 = arith.addi %select_n3A_244, %add3A_246 : vector<2048x128xi32>
    %swap3A = arith.constant 0 : index
    %swap3A_248 = arith.constant 0 : index
    %swap3A_249 = vector.load %arg2[%swap3A, %swap3A_248] : memref<2048x128xi32, #tpu.memory_space<vmem>>, vector<2048x128xi32>
    tpu.vector_store %arg2[%swap3A, %swap3A_248], %add3A_247 {strides = array<i32>} : memref<2048x128xi32, #tpu.memory_space<vmem>>, vector<2048x128xi32>,
    %broadcast_in_dim3A_250 = arith.constant 1948878966 : i32
    %broadcast_in_dim3A_251 = vector.broadcast %broadcast_in_dim3A_250 : i32 to vector<2048x128xi32>
    %add3A_252 = arith.constant -57835448 : i32
    %add3A_253 = vector.broadcast %add3A_252 : i32 to vector<2048x128xi32>
    %add3A_254 = arith.addi %add3A_8, %add3A_253 : vector<2048x128xi32>
    %add3A_255 = arith.addi %broadcast_in_dim3A_251, %add3A_254 : vector<2048x128xi32>
    %shift_left3A_256 = arith.constant 13 : i32
    %shift_left3A_257 = vector.broadcast %shift_left3A_256 : i32 to vector<2048x128xi32>
    %shift_left3A_258 = arith.shli %add3A_254, %shift_left3A_257 : vector<2048x128xi32>
    %shift_right_logical3A_259 = arith.constant 19 : i32
    %shift_right_logical3A_260 = vector.broadcast %shift_right_logical3A_259 : i32 to vector<2048x128xi32>
    %shift_right_logical3A_261 = arith.shrui %add3A_254, %shift_right_logical3A_260 : vector<2048x128xi32>
    %or3A_262 = arith.ori %shift_left3A_258, %shift_right_logical3A_261 : vector<2048x128xi32>
    %xor3A_263 = arith.xori %or3A_262, %add3A_255 : vector<2048x128xi32>
    %add3A_264 = arith.addi %add3A_255, %xor3A_263 : vector<2048x128xi32>
    %shift_left3A_265 = arith.constant 15 : i32
    %shift_left3A_266 = vector.broadcast %shift_left3A_265 : i32 to vector<2048x128xi32>
    %shift_left3A_267 = arith.shli %xor3A_263, %shift_left3A_266 : vector<2048x128xi32>
    %shift_right_logical3A_268 = arith.constant 17 : i32
    %shift_right_logical3A_269 = vector.broadcast %shift_right_logical3A_268 : i32 to vector<2048x128xi32>
    %shift_right_logical3A_270 = arith.shrui %xor3A_263, %shift_right_logical3A_269 : vector<2048x128xi32>
    %or3A_271 = arith.ori %shift_left3A_267, %shift_right_logical3A_270 : vector<2048x128xi32>
    %xor3A_272 = arith.xori %or3A_271, %add3A_264 : vector<2048x128xi32>
    %add3A_273 = arith.addi %add3A_264, %xor3A_272 : vector<2048x128xi32>
    %shift_left3A_274 = arith.constant 26 : i32
    %shift_left3A_275 = vector.broadcast %shift_left3A_274 : i32 to vector<2048x128xi32>
    %shift_left3A_276 = arith.shli %xor3A_272, %shift_left3A_275 : vector<2048x128xi32>
    %shift_right_logical3A_277 = arith.constant 6 : i32
    %shift_right_logical3A_278 = vector.broadcast %shift_right_logical3A_277 : i32 to vector<2048x128xi32>
    %shift_right_logical3A_279 = arith.shrui %xor3A_272, %shift_right_logical3A_278 : vector<2048x128xi32>
    %or3A_280 = arith.ori %shift_left3A_276, %shift_right_logical3A_279 : vector<2048x128xi32>
    %xor3A_281 = arith.xori %or3A_280, %add3A_273 : vector<2048x128xi32>
    %add3A_282 = arith.addi %add3A_273, %xor3A_281 : vector<2048x128xi32>
    %shift_left3A_283 = arith.constant 6 : i32
    %shift_left3A_284 = vector.broadcast %shift_left3A_283 : i32 to vector<2048x128xi32>
    %shift_left3A_285 = arith.shli %xor3A_281, %shift_left3A_284 : vector<2048x128xi32>
    %shift_right_logical3A_286 = arith.constant 26 : i32
    %shift_right_logical3A_287 = vector.broadcast %shift_right_logical3A_286 : i32 to vector<2048x128xi32>
    %shift_right_logical3A_288 = arith.shrui %xor3A_281, %shift_right_logical3A_287 : vector<2048x128xi32>
    %or3A_289 = arith.ori %shift_left3A_285, %shift_right_logical3A_288 : vector<2048x128xi32>
    %xor3A_290 = arith.xori %or3A_289, %add3A_282 : vector<2048x128xi32>
    %add3A_291 = arith.constant -57835448 : i32
    %add3A_292 = vector.broadcast %add3A_291 : i32 to vector<2048x128xi32>
    %add3A_293 = arith.addi %add3A_282, %add3A_292 : vector<2048x128xi32>
    %add3A_294 = arith.constant -1821043739 : i32
    %add3A_295 = vector.broadcast %add3A_294 : i32 to vector<2048x128xi32>
    %add3A_296 = arith.addi %xor3A_290, %add3A_295 : vector<2048x128xi32>
    %add3A_297 = arith.addi %add3A_293, %add3A_296 : vector<2048x128xi32>
    %shift_left3A_298 = arith.constant 17 : i32
    %shift_left3A_299 = vector.broadcast %shift_left3A_298 : i32 to vector<2048x128xi32>
    %shift_left3A_300 = arith.shli %add3A_296, %shift_left3A_299 : vector<2048x128xi32>
    %shift_right_logical3A_301 = arith.constant 15 : i32
    %shift_right_logical3A_302 = vector.broadcast %shift_right_logical3A_301 : i32 to vector<2048x128xi32>
    %shift_right_logical3A_303 = arith.shrui %add3A_296, %shift_right_logical3A_302 : vector<2048x128xi32>
    %or3A_304 = arith.ori %shift_left3A_300, %shift_right_logical3A_303 : vector<2048x128xi32>
    %xor3A_305 = arith.xori %or3A_304, %add3A_297 : vector<2048x128xi32>
    %add3A_306 = arith.addi %add3A_297, %xor3A_305 : vector<2048x128xi32>
    %shift_left3A_307 = arith.constant 29 : i32
    %shift_left3A_308 = vector.broadcast %shift_left3A_307 : i32 to vector<2048x128xi32>
    %shift_left3A_309 = arith.shli %xor3A_305, %shift_left3A_308 : vector<2048x128xi32>
    %shift_right_logical3A_310 = arith.constant 3 : i32
    %shift_right_logical3A_311 = vector.broadcast %shift_right_logical3A_310 : i32 to vector<2048x128xi32>
    %shift_right_logical3A_312 = arith.shrui %xor3A_305, %shift_right_logical3A_311 : vector<2048x128xi32>
    %or3A_313 = arith.ori %shift_left3A_309, %shift_right_logical3A_312 : vector<2048x128xi32>
    %xor3A_314 = arith.xori %or3A_313, %add3A_306 : vector<2048x128xi32>
    %add3A_315 = arith.addi %add3A_306, %xor3A_314 : vector<2048x128xi32>
    %shift_left3A_316 = arith.constant 16 : i32
    %shift_left3A_317 = vector.broadcast %shift_left3A_316 : i32 to vector<2048x128xi32>
    %shift_left3A_318 = arith.shli %xor3A_314, %shift_left3A_317 : vector<2048x128xi32>
    %shift_right_logical3A_319 = arith.constant 16 : i32
    %shift_right_logical3A_320 = vector.broadcast %shift_right_logical3A_319 : i32 to vector<2048x128xi32>
    %shift_right_logical3A_321 = arith.shrui %xor3A_314, %shift_right_logical3A_320 : vector<2048x128xi32>
    %or3A_322 = arith.ori %shift_left3A_318, %shift_right_logical3A_321 : vector<2048x128xi32>
    %xor3A_323 = arith.xori %or3A_322, %add3A_315 : vector<2048x128xi32>
    %add3A_324 = arith.addi %add3A_315, %xor3A_323 : vector<2048x128xi32>
    %shift_left3A_325 = arith.constant 24 : i32
    %shift_left3A_326 = vector.broadcast %shift_left3A_325 : i32 to vector<2048x128xi32>
    %shift_left3A_327 = arith.shli %xor3A_323, %shift_left3A_326 : vector<2048x128xi32>
    %shift_right_logical3A_328 = arith.constant 8 : i32
    %shift_right_logical3A_329 = vector.broadcast %shift_right_logical3A_328 : i32 to vector<2048x128xi32>
    %shift_right_logical3A_330 = arith.shrui %xor3A_323, %shift_right_logical3A_329 : vector<2048x128xi32>
    %or3A_331 = arith.ori %shift_left3A_327, %shift_right_logical3A_330 : vector<2048x128xi32>
    %xor3A_332 = arith.xori %or3A_331, %add3A_324 : vector<2048x128xi32>
    %add3A_333 = arith.constant -1821043740 : i32
    %add3A_334 = vector.broadcast %add3A_333 : i32 to vector<2048x128xi32>
    %add3A_335 = arith.addi %add3A_324, %add3A_334 : vector<2048x128xi32>
    %add3A_336 = arith.constant 1948878968 : i32
    %add3A_337 = vector.broadcast %add3A_336 : i32 to vector<2048x128xi32>
    %add3A_338 = arith.addi %xor3A_332, %add3A_337 : vector<2048x128xi32>
    %add3A_339 = arith.addi %add3A_335, %add3A_338 : vector<2048x128xi32>
    %shift_left3A_340 = arith.constant 13 : i32
    %shift_left3A_341 = vector.broadcast %shift_left3A_340 : i32 to vector<2048x128xi32>
    %shift_left3A_342 = arith.shli %add3A_338, %shift_left3A_341 : vector<2048x128xi32>
    %shift_right_logical3A_343 = arith.constant 19 : i32
    %shift_right_logical3A_344 = vector.broadcast %shift_right_logical3A_343 : i32 to vector<2048x128xi32>
    %shift_right_logical3A_345 = arith.shrui %add3A_338, %shift_right_logical3A_344 : vector<2048x128xi32>
    %or3A_346 = arith.ori %shift_left3A_342, %shift_right_logical3A_345 : vector<2048x128xi32>
    %xor3A_347 = arith.xori %or3A_346, %add3A_339 : vector<2048x128xi32>
    %add3A_348 = arith.addi %add3A_339, %xor3A_347 : vector<2048x128xi32>
    %shift_left3A_349 = arith.constant 15 : i32
    %shift_left3A_350 = vector.broadcast %shift_left3A_349 : i32 to vector<2048x128xi32>
    %shift_left3A_351 = arith.shli %xor3A_347, %shift_left3A_350 : vector<2048x128xi32>
    %shift_right_logical3A_352 = arith.constant 17 : i32
    %shift_right_logical3A_353 = vector.broadcast %shift_right_logical3A_352 : i32 to vector<2048x128xi32>
    %shift_right_logical3A_354 = arith.shrui %xor3A_347, %shift_right_logical3A_353 : vector<2048x128xi32>
    %or3A_355 = arith.ori %shift_left3A_351, %shift_right_logical3A_354 : vector<2048x128xi32>
    %xor3A_356 = arith.xori %or3A_355, %add3A_348 : vector<2048x128xi32>
    %add3A_357 = arith.addi %add3A_348, %xor3A_356 : vector<2048x128xi32>
    %shift_left3A_358 = arith.constant 26 : i32
    %shift_left3A_359 = vector.broadcast %shift_left3A_358 : i32 to vector<2048x128xi32>
    %shift_left3A_360 = arith.shli %xor3A_356, %shift_left3A_359 : vector<2048x128xi32>
    %shift_right_logical3A_361 = arith.constant 6 : i32
    %shift_right_logical3A_362 = vector.broadcast %shift_right_logical3A_361 : i32 to vector<2048x128xi32>
    %shift_right_logical3A_363 = arith.shrui %xor3A_356, %shift_right_logical3A_362 : vector<2048x128xi32>
    %or3A_364 = arith.ori %shift_left3A_360, %shift_right_logical3A_363 : vector<2048x128xi32>
    %xor3A_365 = arith.xori %or3A_364, %add3A_357 : vector<2048x128xi32>
    %add3A_366 = arith.addi %add3A_357, %xor3A_365 : vector<2048x128xi32>
    %shift_left3A_367 = arith.constant 6 : i32
    %shift_left3A_368 = vector.broadcast %shift_left3A_367 : i32 to vector<2048x128xi32>
    %shift_left3A_369 = arith.shli %xor3A_365, %shift_left3A_368 : vector<2048x128xi32>
    %shift_right_logical3A_370 = arith.constant 26 : i32
    %shift_right_logical3A_371 = vector.broadcast %shift_right_logical3A_370 : i32 to vector<2048x128xi32>
    %shift_right_logical3A_372 = arith.shrui %xor3A_365, %shift_right_logical3A_371 : vector<2048x128xi32>
    %or3A_373 = arith.ori %shift_left3A_369, %shift_right_logical3A_372 : vector<2048x128xi32>
    %xor3A_374 = arith.xori %or3A_373, %add3A_366 : vector<2048x128xi32>
    %add3A_375 = arith.constant 1948878966 : i32
    %add3A_376 = vector.broadcast %add3A_375 : i32 to vector<2048x128xi32>
    %add3A_377 = arith.addi %add3A_366, %add3A_376 : vector<2048x128xi32>
    %add3A_378 = arith.constant -57835445 : i32
    %add3A_379 = vector.broadcast %add3A_378 : i32 to vector<2048x128xi32>
    %add3A_380 = arith.addi %xor3A_374, %add3A_379 : vector<2048x128xi32>
    %add3A_381 = arith.addi %add3A_377, %add3A_380 : vector<2048x128xi32>
    %shift_left3A_382 = arith.constant 17 : i32
    %shift_left3A_383 = vector.broadcast %shift_left3A_382 : i32 to vector<2048x128xi32>
    %shift_left3A_384 = arith.shli %add3A_380, %shift_left3A_383 : vector<2048x128xi32>
    %shift_right_logical3A_385 = arith.constant 15 : i32
    %shift_right_logical3A_386 = vector.broadcast %shift_right_logical3A_385 : i32 to vector<2048x128xi32>
    %shift_right_logical3A_387 = arith.shrui %add3A_380, %shift_right_logical3A_386 : vector<2048x128xi32>
    %or3A_388 = arith.ori %shift_left3A_384, %shift_right_logical3A_387 : vector<2048x128xi32>
    %xor3A_389 = arith.xori %or3A_388, %add3A_381 : vector<2048x128xi32>
    %add3A_390 = arith.addi %add3A_381, %xor3A_389 : vector<2048x128xi32>
    %shift_left3A_391 = arith.constant 29 : i32
    %shift_left3A_392 = vector.broadcast %shift_left3A_391 : i32 to vector<2048x128xi32>
    %shift_left3A_393 = arith.shli %xor3A_389, %shift_left3A_392 : vector<2048x128xi32>
    %shift_right_logical3A_394 = arith.constant 3 : i32
    %shift_right_logical3A_395 = vector.broadcast %shift_right_logical3A_394 : i32 to vector<2048x128xi32>
    %shift_right_logical3A_396 = arith.shrui %xor3A_389, %shift_right_logical3A_395 : vector<2048x128xi32>
    %or3A_397 = arith.ori %shift_left3A_393, %shift_right_logical3A_396 : vector<2048x128xi32>
    %xor3A_398 = arith.xori %or3A_397, %add3A_390 : vector<2048x128xi32>
    %add3A_399 = arith.addi %add3A_390, %xor3A_398 : vector<2048x128xi32>
    %shift_left3A_400 = arith.constant 16 : i32
    %shift_left3A_401 = vector.broadcast %shift_left3A_400 : i32 to vector<2048x128xi32>
    %shift_left3A_402 = arith.shli %xor3A_398, %shift_left3A_401 : vector<2048x128xi32>
    %shift_right_logical3A_403 = arith.constant 16 : i32
    %shift_right_logical3A_404 = vector.broadcast %shift_right_logical3A_403 : i32 to vector<2048x128xi32>
    %shift_right_logical3A_405 = arith.shrui %xor3A_398, %shift_right_logical3A_404 : vector<2048x128xi32>
    %or3A_406 = arith.ori %shift_left3A_402, %shift_right_logical3A_405 : vector<2048x128xi32>
    %xor3A_407 = arith.xori %or3A_406, %add3A_399 : vector<2048x128xi32>
    %add3A_408 = arith.addi %add3A_399, %xor3A_407 : vector<2048x128xi32>
    %shift_left3A_409 = arith.constant 24 : i32
    %shift_left3A_410 = vector.broadcast %shift_left3A_409 : i32 to vector<2048x128xi32>
    %shift_left3A_411 = arith.shli %xor3A_407, %shift_left3A_410 : vector<2048x128xi32>
    %shift_right_logical3A_412 = arith.constant 8 : i32
    %shift_right_logical3A_413 = vector.broadcast %shift_right_logical3A_412 : i32 to vector<2048x128xi32>
    %shift_right_logical3A_414 = arith.shrui %xor3A_407, %shift_right_logical3A_413 : vector<2048x128xi32>
    %or3A_415 = arith.ori %shift_left3A_411, %shift_right_logical3A_414 : vector<2048x128xi32>
    %xor3A_416 = arith.xori %or3A_415, %add3A_408 : vector<2048x128xi32>
    %add3A_417 = arith.constant -57835448 : i32
    %add3A_418 = vector.broadcast %add3A_417 : i32 to vector<2048x128xi32>
    %add3A_419 = arith.addi %add3A_408, %add3A_418 : vector<2048x128xi32>
    %add3A_420 = arith.constant -1821043736 : i32
    %add3A_421 = vector.broadcast %add3A_420 : i32 to vector<2048x128xi32>
    %add3A_422 = arith.addi %xor3A_416, %add3A_421 : vector<2048x128xi32>
    %add3A_423 = arith.addi %add3A_419, %add3A_422 : vector<2048x128xi32>
    %shift_left3A_424 = arith.constant 13 : i32
    %shift_left3A_425 = vector.broadcast %shift_left3A_424 : i32 to vector<2048x128xi32>
    %shift_left3A_426 = arith.shli %add3A_422, %shift_left3A_425 : vector<2048x128xi32>
    %shift_right_logical3A_427 = arith.constant 19 : i32
    %shift_right_logical3A_428 = vector.broadcast %shift_right_logical3A_427 : i32 to vector<2048x128xi32>
    %shift_right_logical3A_429 = arith.shrui %add3A_422, %shift_right_logical3A_428 : vector<2048x128xi32>
    %or3A_430 = arith.ori %shift_left3A_426, %shift_right_logical3A_429 : vector<2048x128xi32>
    %xor3A_431 = arith.xori %or3A_430, %add3A_423 : vector<2048x128xi32>
    %add3A_432 = arith.addi %add3A_423, %xor3A_431 : vector<2048x128xi32>
    %shift_left3A_433 = arith.constant 15 : i32
    %shift_left3A_434 = vector.broadcast %shift_left3A_433 : i32 to vector<2048x128xi32>
    %shift_left3A_435 = arith.shli %xor3A_431, %shift_left3A_434 : vector<2048x128xi32>
    %shift_right_logical3A_436 = arith.constant 17 : i32
    %shift_right_logical3A_437 = vector.broadcast %shift_right_logical3A_436 : i32 to vector<2048x128xi32>
    %shift_right_logical3A_438 = arith.shrui %xor3A_431, %shift_right_logical3A_437 : vector<2048x128xi32>
    %or3A_439 = arith.ori %shift_left3A_435, %shift_right_logical3A_438 : vector<2048x128xi32>
    %xor3A_440 = arith.xori %or3A_439, %add3A_432 : vector<2048x128xi32>
    %add3A_441 = arith.addi %add3A_432, %xor3A_440 : vector<2048x128xi32>
    %shift_left3A_442 = arith.constant 26 : i32
    %shift_left3A_443 = vector.broadcast %shift_left3A_442 : i32 to vector<2048x128xi32>
    %shift_left3A_444 = arith.shli %xor3A_440, %shift_left3A_443 : vector<2048x128xi32>
    %shift_right_logical3A_445 = arith.constant 6 : i32
    %shift_right_logical3A_446 = vector.broadcast %shift_right_logical3A_445 : i32 to vector<2048x128xi32>
    %shift_right_logical3A_447 = arith.shrui %xor3A_440, %shift_right_logical3A_446 : vector<2048x128xi32>
    %or3A_448 = arith.ori %shift_left3A_444, %shift_right_logical3A_447 : vector<2048x128xi32>
    %xor3A_449 = arith.xori %or3A_448, %add3A_441 : vector<2048x128xi32>
    %add3A_450 = arith.addi %add3A_441, %xor3A_449 : vector<2048x128xi32>
    %shift_left3A_451 = arith.constant 6 : i32
    %shift_left3A_452 = vector.broadcast %shift_left3A_451 : i32 to vector<2048x128xi32>
    %shift_left3A_453 = arith.shli %xor3A_449, %shift_left3A_452 : vector<2048x128xi32>
    %shift_right_logical3A_454 = arith.constant 26 : i32
    %shift_right_logical3A_455 = vector.broadcast %shift_right_logical3A_454 : i32 to vector<2048x128xi32>
    %shift_right_logical3A_456 = arith.shrui %xor3A_449, %shift_right_logical3A_455 : vector<2048x128xi32>
    %or3A_457 = arith.ori %shift_left3A_453, %shift_right_logical3A_456 : vector<2048x128xi32>
    %xor3A_458 = arith.xori %or3A_457, %add3A_450 : vector<2048x128xi32>
    %add3A_459 = arith.constant -1821043740 : i32
    %add3A_460 = vector.broadcast %add3A_459 : i32 to vector<2048x128xi32>
    %add3A_461 = arith.addi %add3A_450, %add3A_460 : vector<2048x128xi32>
    %add3A_462 = arith.constant 1948878971 : i32
    %add3A_463 = vector.broadcast %add3A_462 : i32 to vector<2048x128xi32>
    %add3A_464 = arith.addi %xor3A_458, %add3A_463 : vector<2048x128xi32>
    %xor3A_465 = arith.xori %add3A_461, %add3A_464 : vector<2048x128xi32>
    %shift_right_logical3A_466 = arith.constant 9 : i32
    %shift_right_logical3A_467 = vector.broadcast %shift_right_logical3A_466 : i32 to vector<2048x128xi32>
    %shift_right_logical3A_468 = arith.shrui %xor3A_465, %shift_right_logical3A_467 : vector<2048x128xi32>
    %convert_element_type3A_469 = arith.sitofp %shift_right_logical3A_468 : vector<2048x128xi32> to vector<2048x128xf32>
    %mul3A_470 = arith.constant 1.1920929E-7 : f32
    %mul3A_471 = vector.broadcast %mul3A_470 : f32 to vector<2048x128xf32>
    %mul3A_472 = arith.mulf %convert_element_type3A_469, %mul3A_471 : vector<2048x128xf32>
    %bitcast_convert_type3A = tpu.bitcast %mul3A_472 : vector<2048x128xf32> -> vector<2048x128xi32>
    %swap3A_473 = arith.constant 0 : index
    %swap3A_474 = arith.constant 0 : index
    %swap3A_475 = vector.load %arg3[%swap3A_473, %swap3A_474] : memref<2048x128xi32, #tpu.memory_space<vmem>>, vector<2048x128xi32>
    tpu.vector_store %arg3[%swap3A_473, %swap3A_474], %bitcast_convert_type3A {strides = array<i32>} : memref<2048x128xi32, #tpu.memory_space<vmem>>, vector<2048x128xi32>,
    return
  }
  func.func @transform_0(%arg0: i32) -> i32 {
    %c0_i32 = arith.constant 0 : i32
    %c0_i32_0 = arith.constant 0 : i32
    return %c0_i32 : i32
  }
  func.func @transform_1(%arg0: i32) -> (i32, i32) {
    %c0_i32 = arith.constant 0 : i32
    %c0_i32_0 = arith.constant 0 : i32
    return %arg0, %c0_i32 : i32, i32
  }
  func.func @transform_2(%arg0: i32) -> (i32, i32) {
    %c0_i32 = arith.constant 0 : i32
    %c0_i32_0 = arith.constant 0 : i32
    return %arg0, %c0_i32 : i32, i32
  }
}

</mosaic_0001>

<sc_bundles>
// kernel: kernel.4.cloned.1.call-start
scs
__scs_entry_jumppad:
0x0: {  	(pc) =	sbr.rel $0x88, $3  }
0x1: {  	(tag) =	ssettag $0x0;
	lr =	simm.s32 $0x1  }
0x2: {  	[smem:$0x3F9E] =	sst lr;
	_ =	strace $0xD0000000  }
0x3: {  	_ = 	snop  }
0x4: {  	_ = 	snop  }
0x5: {  	_ = 	snop  }
0x6: {  	_ = 	snop  }
0x7: {  	_ = 	snop  }
__scs_overlays_trampoline_lowered:
0x8: {  	[smem:$0x3FAD] =	sst s0  }
0x9: {  	[smem:$0x3FAE] =	sst s1  }
0xa: {  	[smem:$0x3FAF] =	sst s2  }
0xb: {  	[smem:$0x3FB0] =	sst s3  }
0xc: {  	[smem:$0x3FB1] =	sst s4  }
0xd: {  	[smem:$0x3FB2] =	sst s5  }
0xe: {  	[smem:$0x3FB3] =	sst s6  }
0xf: {  	[smem:$0x3FB4] =	sst s7  }
0x10: {  	[smem:$0x3FB5] =	sst s8  }
0x11: {  	[smem:$0x3FB6] =	sst s9;
	s0 =	simm.s32 @!p0 $0x0  }
0x12: {  	s1 =	sld [smem:$0x3F9C];
	s0 =	simm.s32 @p0 $0x1  }
0x13: {  	[smem:$0x3FB7] =	sst s0;
	s0 =	simm.s32 @!p1 $0x0  }
0x14: {  	s2 =	sld [smem:$0x3F9B];
	s0 =	simm.s32 @p1 $0x1  }
0x15: {  	[smem:$0x3FB8] =	sst s0;
	s0 =	simm.s32 @!p2 $0x0  }
0x16: {  	s3 =	sld [smem:$0x3FDB];
	s0 =	simm.s32 @p2 $0x1  }
0x17: {  	s4 =	simm.s32 $0x1BF5;
	[smem:$0x3FBA] =	sst s0  }
0x18: {  	s0 =	sld [smem:$0x3F9D];
	_ =	swait.ge [sflag:s4], $0x0  }
0x19: {  	s7 =	sld [smem:$0x3F9E]  }
0x1a: {  	s8 =	sadd.s32 $0xFFFFE003, lr  }
0x1b: {  	s9 =	sadd.s32 $0xFFFFFEF7, lr;
	s5 =	simm.s32 $0xFFFFFFFF;
	p2 =	slt.u32 s8, $0xFFFFF086  }
0x1c: {  	p1 =	slt.u32 s9, $0xF7A;
	s5 =	simm.s32 @!p2 $0x0  }
0x1d: {  	s5 =	simm.s32 @p1 $0x1;
	p0 =	seq.s32 s7, s2  }
0x1e: {  	s7 =	smul.u32 @!p0 $0xF7A, s2;
	p2 =	seq.s32 @!p0 s5, $0x0  }
0x1f: {  	s9 =	smul.u32 $0xF7A, s1;
	s8 =	simm.s32 @!p0 $0x1BF5;
	p2 =	por !p2, p0  }
0x20: {  	[sflag:s8] =	ssyncset.s32 @!p0 $0xFFFFF086;
	s6 =	sadd.s32 @!p0 s3, s7;
	s7 =	simm.s32 @!p0 $0x108  }
0x21: {  	s3 =	sadd.s32 s3, s9;
	s6 =	sadd.s32 @!p0 $0x88, s6;
	s7 =	simm.s32 @p2 $0x1082  }
0x22: {  	[simem:s7], [sflag:s8] =	dma.local @!p0 [hbm:s6], $0xF7A  }
0x23: {  	s9 =	sor.u32 $0xD0000000, s2;
	s6 =	simm.s32 $0x108;
	_ =	swait.ge @!p0 [sflag:s8], $0x0  }
0x24: {  	s3 =	sadd.s32 $0x88, s3;
	s6 =	simm.s32 @!p1 $0x1082;
	[sflag:s4] =	ssyncset.s32 $0xFFFFF086  }
0x25: {  	[simem:s6], [sflag:s4] =	dma.local [hbm:s3], $0xF7A  }
0x26: {  	[smem:$0x3F9E] =	sst s1;
	(tag) =	ssettag s2;
	_ =	strace s9  }
0x27: {  	s1 =	sld [smem:$0x3FAE]  }
0x28: {  	s2 =	sld [smem:$0x3FAF]  }
0x29: {  	s4 =	sld [smem:$0x3FB1]  }
0x2a: {  	p0 =	seq.s32 s5, $0x0;
	s5 =	sld [smem:$0x3FB2]  }
0x2b: {  	s6 =	sld [smem:$0x3FB3]  }
0x2c: {  	s7 =	sld [smem:$0x3FB4]  }
0x2d: {  	s3 =	simm.s32 $0x108;
	s8 =	sld [smem:$0x3FB5]  }
0x2e: {  	s3 =	simm.s32 @!p0 $0x1082;
	s9 =	sld [smem:$0x3FB6]  }
0x2f: {  	lr =	sadd.s32 s0, s3;
	s0 =	sld [smem:$0x3FAD]  }
0x30: {  	s3 =	sld [smem:$0x3FB0]  }
0x31: {  	[smem:$0x3FB9] =	sst s10  }
0x32: {  	s10 =	sld [smem:$0x3FB7];
	_ =	sdelay $0x3  }
0x33: {  	p0 =	seq.s32 s10, $0x1;
	s10 =	sld [smem:$0x3FB9];
	_ =	sdelay $0x3  }
0x34: {  	[smem:$0x3FB9] =	sst s10  }
0x35: {  	s10 =	sld [smem:$0x3FB8];
	_ =	sdelay $0x3  }
0x36: {  	p1 =	seq.s32 s10, $0x1;
	s10 =	sld [smem:$0x3FB9];
	_ =	sdelay $0x3  }
0x37: {  	[smem:$0x3FB9] =	sst s10  }
0x38: {  	s10 =	sld [smem:$0x3FBA]  }
0x39: {  	_ = 	snop;
	(pc) =	sbr.ind lr, $3  }
0x3a: {  	_ = 	snop  }
0x3b: {  	_ = 	snop  }
0x3c: {  	p2 =	seq.s32 s10, $0x1;
	s10 =	sld [smem:$0x3FB9]  }
0x3d: {  	_ =	shalt  }
0x3e: {  	_ =	shalt  }
0x3f: {  	_ =	shalt  }
0x40: {  	_ =	shalt  }
0x41: {  	_ =	shalt  }
0x42: {  	_ =	shalt  }
0x43: {  	_ =	shalt  }
0x44: {  	_ =	shalt  }
0x45: {  	_ =	shalt  }
0x46: {  	_ =	shalt  }
0x47: {  	_ =	shalt  }
0x48: {  	_ =	shalt  }
0x49: {  	_ =	shalt  }
0x4a: {  	_ =	shalt  }
0x4b: {  	_ =	shalt  }
0x4c: {  	_ =	shalt  }
0x4d: {  	_ =	shalt  }
0x4e: {  	_ =	shalt  }
0x4f: {  	_ =	shalt  }
0x50: {  	_ =	shalt  }
0x51: {  	_ =	shalt  }
0x52: {  	_ =	shalt  }
0x53: {  	_ =	shalt  }
0x54: {  	_ =	shalt  }
0x55: {  	_ =	shalt  }
0x56: {  	_ =	shalt  }
0x57: {  	_ =	shalt  }
0x58: {  	_ =	shalt  }
0x59: {  	_ =	shalt  }
0x5a: {  	_ =	shalt  }
0x5b: {  	_ =	shalt  }
0x5c: {  	_ =	shalt  }
0x5d: {  	_ =	shalt  }
0x5e: {  	_ =	shalt  }
0x5f: {  	_ =	shalt  }
0x60: {  	_ =	shalt  }
0x61: {  	_ =	shalt  }
0x62: {  	_ =	shalt  }
0x63: {  	_ =	shalt  }
0x64: {  	_ =	shalt  }
0x65: {  	_ =	shalt  }
0x66: {  	_ =	shalt  }
0x67: {  	_ =	shalt  }
0x68: {  	_ =	shalt  }
0x69: {  	_ =	shalt  }
0x6a: {  	_ =	shalt  }
0x6b: {  	_ =	shalt  }
0x6c: {  	_ =	shalt  }
0x6d: {  	_ =	shalt  }
0x6e: {  	_ =	shalt  }
0x6f: {  	_ =	shalt  }
0x70: {  	_ =	shalt  }
0x71: {  	_ =	shalt  }
0x72: {  	_ =	shalt  }
0x73: {  	_ =	shalt  }
0x74: {  	_ =	shalt  }
0x75: {  	_ =	shalt  }
0x76: {  	_ =	shalt  }
0x77: {  	_ =	shalt  }
0x78: {  	_ =	shalt  }
0x79: {  	_ =	shalt  }
0x7a: {  	_ =	shalt  }
0x7b: {  	_ =	shalt  }
0x7c: {  	_ =	shalt  }
0x7d: {  	_ =	shalt  }
0x7e: {  	_ =	shalt  }
0x7f: {  	_ =	shalt  }
0x80: {  	_ =	shalt  }
0x81: {  	_ =	shalt  }
0x82: {  	_ =	shalt  }
0x83: {  	_ =	shalt  }
0x84: {  	_ =	shalt  }
0x85: {  	_ =	shalt  }
0x86: {  	_ =	shalt  }
0x87: {  	_ =	shalt  }
.Lfunc_end0:
.L_simem_size_0:
called_computation_lowered:
.L_overlay_start_0:
0x88: {  	s2 =	sld [smem:$0x3FD9]  }
0x89: {  	s3 =	sld [smem:$0x3FFE];
	_ =	sdelay $0x1  }
0x8a: {  	s1 =	srdreg.scid  }
0x8b: {  	s0 =	sand.u32 $0x1, s1  }
0x8c: {  	s17 =	sshll.u32 s0, $0xA;
	s2 =	sadd.s32 s3, s2  }
0x8d: {  	s2 =	sadd.s32 s2, s17  }
0x8e: {  	[smem:$0x3FC5] =	sst s2  }
0x8f: {  	_ = 	snop  }
0x90: {  	s2 =	sld [smem:$0x3FC8]  }
0x91: {  	s18 =	sld [smem:$0x3FD0];
	(tm) =	ssettm $0x1  }
0x92: {  	s4 =	sld [smem:$0x3FFB];
	_ =	sdelay $0x3  }
0x93: {  	_ =	strace s4  }
0x94: {  	s4 =	sld [smem:$0x3FFC];
	_ =	sdelay $0x3  }
0x95: {  	_ =	strace s4  }
0x96: {  	s4 =	sld [smem:$0x3FFD];
	_ =	sdelay $0x3  }
0x97: {  	_ =	strace s4  }
0x98: {  	_ =	strace $0x8FFFFFFF  }
0x99: {  	s19 =	sld [smem:$0x3FDB];
	_ =	sdelay $0x1  }
0x9a: {  	s5 =	simm.s32 $_scs_section_size  }
0x9b: {  	s6 =	simm.s32 $_size__tile_overlayer_lowered;
	s7 =	simm.s32 $_tile_overlayer_lowered  }
0x9c: {  	s22 =	simm.s32 $0x1BFF;
	s21 =	sshll.u32 s7, $0x1;
	s4 =	sadd.s32 s5, s19  }
0x9d: {  	s8 =	simm.s32 $0x0;
	s20 =	sshll.u32 s6, $0x1;
	s6 =	sadd.s32 s21, s4  }
0x9e: {  	[timem:s8], [sflag:s22] =	dma.local [hbm:s6], s20  }
0x9f: {  	_ =	swait.ge [sflag:s22], s20  }
0xa0: {  	s5 =	ssub.s32 $0x0, s20;
	[sflag:s22] =	ssyncset.done $0x0  }
0xa1: {  	[sflag:s22] =	ssyncadd.s32 s5;
	_ =	sdelay $0x1  }
0xa2: {  	s23 =	simm.s32 $0x1B8B  }
0xa3: {  	_ =	swait.ge [sflag:s23], $0x1  }
0xa4: {  	[sflag:s23] =	ssyncset.done $0x0  }
0xa5: {  	s25 =	simm.s32 $0x1B8E;
	s24 =	sld [smem:$0x3FFE];
	[sflag:s23] =	ssyncadd.s32 $0xFFFFFFFF  }
0xa6: {  	s26 =	simm.s32 $execute0_lowered;
	[smem:$0x3FD2] =	sst s25  }
0xa7: {  	s6 =	sshll.u32 s26, $0x1;
	_ =	strace $0x80000046;
	[dreg:$0x1] =	wrdreg $0xFFFFFFFF  }
0xa8: {  	s28 =	simm.s32 $_size_execute0_lowered;
	s4 =	sadd.s32 s4, s6;
	[dreg:$0x0] =	wrdreg $0x0  }
0xa9: {  	s6 =	sshll.u32 s28, $0x1;
	[dreg:$0x2] =	wrdreg s4  }
0xaa: {  	[dreg:$0x3] =	wrdreg s6  }
0xab: {  	[dreg:$0x4] =	wrdreg $0xC0  }
0xac: {  	_ =	task [dreg:s8], $0x5FFFF  }
0xad: {  	[dreg:$0x1] =	wrdreg $0xFFFFFFFF  }
0xae: {  	[dreg:$0x0] =	wrdreg $0x60  }
0xaf: {  	[dreg:$0x2] =	wrdreg s24  }
0xb0: {  	[dreg:$0x3] =	wrdreg s2  }
0xb1: {  	[dreg:$0x4] =	wrdreg s18  }
0xb2: {  	[dreg:$0x5] =	wrdreg $0x1C7000  }
0xb3: {  	[dreg:$0x6] =	wrdreg $0x1DF700  }
0xb4: {  	[dreg:$0x7] =	wrdreg $0x9  }
0xb5: {  	_ =	task.clear_ibuf [dreg:s8], $0x8FFFF;
	_ =	strace $0x90000046  }
0xb6: {  	s29 =	simm.s32 $0x9;
	_ =	strace $0x80000048  }
0xb7: {  	_ =	swait.ge [sflag:s29], $0x1  }
0xb8: {  	[sflag:s29] =	ssyncadd.s32 $0xFFFFFFFF  }
0xb9: {  	_ =	strace $0x90000048  }
0xba: {  	_ =	sfence  }
0xbb: {  	s30 =	sld [smem:$0x0];
	_ =	sdelay $0x2  }
0xbc: {  	s31 =	sshll.u32 s1, $0xD;
	s1 =	sshrl.u32 s1, $0x2  }
0xbd: {  	s3 =	sand.u32 $0x4000, s31;
	s1 =	sadd.s32 s1, s30  }
0xbe: {  	s0 =	sor.u32 s3, s0;
	s1 =	sshll.u32 s1, $0x11  }
0xbf: {  	s0 =	sor.u32 s1, s0  }
0xc0: {  	s0 =	sadd.s32 $0x8F2B, s0  }
0xc1: {  	[sflag:s0] =	ssyncadd.remote.s32 $0x1  }
0xc2: {  	_ =	sfence.sel $0xFFFF  }
0xc3: {  	[dreg:$0x0] =	wrdreg $0xFFFFFFFF;
	(pc) =	sbr.abs _section_cstart, $3  }
0xc4: {  	[dreg:$0x1] =	wrdreg $0xFFFFFFFF  }
0xc5: {  	_ =	task.clear_ibuf [dreg:s8], $0x2FFFF;
	_ =	strace $0x9FFFFFFF  }
0xc6: {  	(tm) =	ssettm $0x7FFFFFFF  }
0xc7: {  	_ =	shalt  }
tec
execute0_lowered:
.L_overlay_start_1:
0x0: {  	(tag) =	ssettag $0x1  }
0x1: {  	s1 =	rddreg [dreg:$0x0]  }
0x2: {  	s2 =	rddreg [dreg:$0x2];
	s0 =	simm.s32 $0x0  }
0x3: {  	s3 =	srdreg.scid;
	s6 =	stileid.u32;
	s28 =	simm.s32 $0x19700  }
0x4: {  	[smem:$0x7FF] =	sst s0;
	s3 =	sand.u32 $0x1, s3;
	s4 =	sadd.s32 $0x3C00, s1  }
0x5: {  	s8 =	sshll.u32 s6, $0xD;
	s9 =	sadd.s32 $0x23C00, s1;
	p0 =	sne.s32 s6, $0x0  }
0x6: {  	s30 =	sadd.s32 $0xA00, s1;
	s5 =	ssub.s32 $0x2, s3;
	s3 =	sshll.u32 s3, $0xC  }
0x7: {  	s1 =	simm.s32 $0x1B700;
	s7 =	sshrl.u32 s5, $0x1;
	s3 =	sor.u32 s3, s8  }
0x8: {  	s6 =	simm.s32 $0x2;
	s7 =	ssub.s32 s5, s7;
	s12 =	sadd.s32 s4, s3  }
0x9: {  	s13 =	sadd.s32 s9, s3;
	s8 =	sor.u32 $0x200, s3;
	s10 =	sor.u32 $0x400, s3  }
0xa: {  	s5 =	sadd.s32 s2, s3;
	s19 =	sor.u32 $0x800, s3;
	[dreg:$0x6] =	wrdreg s12  }
0xb: {  	s21 =	sor.u32 $0xA00, s3;
	[dreg:$0x7] =	wrdreg s13;
	s14 =	sadd.s32 s4, s8  }
0xc: {  	s24 =	sor.u32 $0xC00, s3;
	s15 =	sadd.s32 s9, s8;
	[dreg:$0x8] =	wrdreg s14  }
0xd: {  	s11 =	sadd.s32 s4, s10;
	s12 =	sor.u32 $0x600, s3;
	[dreg:$0x9] =	wrdreg s15  }
0xe: {  	s16 =	sadd.s32 s9, s10;
	s8 =	sadd.s32 s2, s8;
	[dreg:$0xa] =	wrdreg s11  }
0xf: {  	s13 =	sadd.s32 s4, s19;
	s20 =	sadd.s32 s9, s19;
	[dreg:$0xb] =	wrdreg s16  }
0x10: {  	s22 =	sadd.s32 s4, s21;
	s23 =	sadd.s32 s9, s21;
	[dreg:$0xe] =	wrdreg s13  }
0x11: {  	s3 =	sor.u32 $0xE00, s3;
	s26 =	sadd.s32 s4, s24;
	[dreg:$0xf] =	wrdreg s20  }
0x12: {  	s31 =	smax.u32 s7, $0x1;
	s7 =	simm.s32 $0x4;
	[dreg:$0x10] =	wrdreg s22  }
0x13: {  	s17 =	sadd.s32 s4, s12;
	s18 =	sadd.s32 s9, s12;
	[dreg:$0x11] =	wrdreg s23  }
0x14: {  	s11 =	sadd.s32 s2, s10;
	s14 =	sadd.s32 s2, s12;
	[dreg:$0x12] =	wrdreg s26  }
0x15: {  	s23 =	sadd.s32 s9, s24;
	s25 =	sadd.s32 s9, s3;
	s26 =	sadd.s32 s2, s24  }
0x16: {  	s29 =	sadd.s32 s2, s3;
	s24 =	simm.s32 $0x18700;
	s22 =	simm.s32 $0x7  }
0x17: {  	s9 =	simm.s32 $0x6;
	s10 =	simm.s32 $0x0;
	[dreg:$0xc] =	wrdreg s17  }
0x18: {  	[dreg:$0xd] =	wrdreg s18;
	s17 =	sadd.s32 s2, s19;
	s18 =	sadd.s32 s2, s21  }
0x19: {  	s21 =	sadd.s32 s4, s3;
	s19 =	simm.s32 $0x1A700;
	s2 =	simm.s32 $0x1  }
0x1a: {  	s3 =	simm.s32 $0x3;
	s4 =	simm.s32 $0x5;
	_ =	strace $0x80000047  }
.LBB2_1:
0x1b: {  	s12 =	rddreg [dreg:$0x6]  }
0x1c: {  	s20 =	rddreg [dreg:$0x3]  }
0x1d: {  	[tilespmem:s24], [sflag:$0x1] =	stream.linear.gather [hbm4b:s12+s0], $0x1000, $0x38;
	[tilespmem:$0x1F7E0] =	vst v63  }
0x1e: {  	s15 =	rddreg [dreg:$0x7];
	s13 =	simm.s32 @!p0 $0x1C07;
	s12 =	sshrl.u32 @!p0 s20, $0x3  }
0x1f: {  	[tilespmem:s19], [sflag:$0x3] =	stream.linear.gather [hbm4b:s15+s0], $0x1000, $0x38;
	[tilespmem:$0x1F7E0] =	vst v63  }
0x20: {  	[spmem:s12], [sflag:s13] =	dma.local @!p0 [hbm:s30], $0x30E0  }
0x21: {  	s12 =	simm.s32 @!p0 $0x7  }
0x22: {  	_ =	swait.ge @!p0 [sflag:s12], $0x30E0  }
0x23: {  	[sflag:s12] =	ssyncset.done @!p0 $0x0  }
0x24: {  	[sflag:s12] =	ssyncadd.s32 @!p0 $0xFFFFCF20  }
0x25: {  	s15 =	rddreg [dreg:$0x4]  }
0x26: {  	s16 =	rddreg [dreg:$0x1];
	s15 =	sshrl.u32 @!p0 s15, $0x3  }
0x27: {  	[spmem:s15], [sflag:s13] =	dma.local @!p0 [hbm:s16], $0x30E0  }
0x28: {  	_ =	swait.ge @!p0 [sflag:s12], $0x30E0  }
0x29: {  	[sflag:s12] =	ssyncset.done @!p0 $0x0  }
0x2a: {  	[sflag:s12] =	ssyncadd.s32 @!p0 $0xFFFFCF20  }
0x2b: {  	[bflag:$0x0] =	sbarrier.arrive $0xFFFF  }
0x2c: {  	[tilespmem:s0], [sflag:$0x7] =	stream.linear.gather [spmem:s20], $0x18700, $0x38;
	[tilespmem:$0x1F7E0] =	vst v63  }
0x2d: {  	_ =	swait.ge [sflag:s22], $0x18700  }
0x2e: {  	[sflag:s22] =	ssyncset.done $0x0  }
0x2f: {  	s16 =	rddreg [dreg:$0x8];
	[sflag:s22] =	ssyncadd.s32 $0xFFFE7900  }
0x30: {  	[tilespmem:s28], [sflag:$0x2] =	stream.linear.gather [hbm4b:s16+s0], $0x1000, $0x38;
	[tilespmem:$0x1F7E0] =	vst v63  }
0x31: {  	s20 =	rddreg [dreg:$0x9]  }
0x32: {  	[tilespmem:s1], [sflag:$0x4] =	stream.linear.gather [hbm4b:s20+s0], $0x1000, $0x38;
	[tilespmem:$0x1F7E0] =	vst v63  }
0x33: {  	_ =	swait.ge [sflag:s2], $0x1000  }
0x34: {  	[sflag:s2] =	ssyncset.done $0x0  }
0x35: {  	[sflag:s2] =	ssyncadd.s32 $0xFFFFF000  }
0x36: {  	_ =	swait.ge [sflag:s3], $0x1000  }
0x37: {  	[sflag:s3] =	ssyncset.done $0x0  }
0x38: {  	s12 =	simm.s32 $0x18740;
	[sflag:s3] =	ssyncadd.s32 $0xFFFFF000  }
0x39: {  	v6 =	vld [tilespmem:s12+$0x30]  }
0x3a: {  	v5 =	vld [tilespmem:s12+$0xFFFFFFD0]  }
0x3b: {  	v4 =	vld [tilespmem:s12+$0xFFFFFFE0]  }
0x3c: {  	v3 =	vld [tilespmem:s12+$0xFFFFFFF0]  }
0x3d: {  	v2 =	vld [tilespmem:s12+$0x0]  }
0x3e: {  	v1 =	vld [tilespmem:s12+$0x10]  }
0x3f: {  	v0 =	vld [tilespmem:s12+$0x20]  }
0x40: {  	s13 =	simm.s32 $0x1A740;
	v19 =	vld [tilespmem:s12+$0xFFFFFFC0]  }
0x41: {  	v9 =	vld [tilespmem:s13+$0x30]  }
0x42: {  	v22 =	vld [tilespmem:s13+$0xFFFFFFC0]  }
0x43: {  	v24 =	vld [tilespmem:s13+$0xFFFFFFD0]  }
0x44: {  	v21 =	vld [tilespmem:s13+$0xFFFFFFE0]  }
0x45: {  	v20 =	vld [tilespmem:s13+$0xFFFFFFF0]  }
0x46: {  	v18 =	vld [tilespmem:s13+$0x0]  }
0x47: {  	v7 =	vld.idx.msk [tilespmem:v6+s0+$0x0], $0xffff  }
0x48: {  	v23 =	vld.idx.msk [tilespmem:v5+s0+$0x0], $0xffff  }
0x49: {  	v16 =	vld.idx.msk [tilespmem:v4+s0+$0x0], $0xffff  }
0x4a: {  	v17 =	vld.idx.msk [tilespmem:v19+s0+$0x0], $0xffff  }
0x4b: {  	v15 =	vld.idx.msk [tilespmem:v3+s0+$0x0], $0xffff  }
0x4c: {  	v14 =	vadd.s32 $0x100000, v5;
	v13 =	vld.idx.msk [tilespmem:v2+s0+$0x0], $0xffff  }
0x4d: {  	v12 =	vadd.s32 $0x100000, v4;
	v11 =	vadd.s32 $0x100000, v3;
	v25 =	vadd.s32 $0x100000, v19;
	v8 =	vld.idx.msk [tilespmem:v1+s0+$0x0], $0xffff  }
0x4e: {  	v10 =	vld.idx.msk [tilespmem:v0+s0+$0x0], $0xffff;
	vm0 =	vlt.s32 v9, v7;
	v9 =	vadd.s32 $0x100000, v6;
	v7 =	vadd.s32 $0x100000, v2  }
0x4f: {  	v9 =	vsel vm0, v9, v6;
	v6 =	vadd.s32 $0x100000, v1;
	vm0 =	vlt.s32 v22, v17;
	v17 =	vld [tilespmem:s13+$0x10]  }
0x50: {  	s15 =	simm.s32 $0x0;
	s16 =	simm.s32 $0x187C0;
	[tilespmem:s12+$0x30] =	vst v9;
	v9 =	vadd.s32 $0x100000, v0;
	v22 =	vsel vm0, v25, v19;
	vm0 =	vlt.s32 v24, v23;
	v19 =	vld [tilespmem:s13+$0x20]  }
.LBB2_2:
0x51: {  	v23 =	vld [tilespmem:s16+$0x30];
	s15 =	sadd.s32 $0x80, s15;
	[tilespmem:s12+$0xFFFFFFC0] =	vst v22;
	v14 =	vsel vm0, v14, v5;
	vm0 =	vlt.s32 v21, v16  }
0x52: {  	v5 =	vld [tilespmem:s16+$0xFFFFFFD0];
	p1 =	slt.u32 s15, $0xF80;
	[tilespmem:s12+$0xFFFFFFD0] =	vst v14;
	v12 =	vsel vm0, v12, v4;
	vm0 =	vlt.s32 v20, v15  }
0x53: {  	v4 =	vld [tilespmem:s16+$0xFFFFFFE0];
	[tilespmem:s12+$0xFFFFFFE0] =	vst v12;
	v11 =	vsel vm0, v11, v3;
	vm0 =	vlt.s32 v18, v13  }
0x54: {  	v3 =	vld [tilespmem:s16+$0xFFFFFFF0];
	[tilespmem:s12+$0xFFFFFFF0] =	vst v11;
	v7 =	vsel vm0, v7, v2;
	vm0 =	vlt.s32 v17, v8  }
0x55: {  	v2 =	vld [tilespmem:s16+$0x0];
	[tilespmem:s12+$0x0] =	vst v7;
	v6 =	vsel vm0, v6, v1;
	vm0 =	vlt.s32 v19, v10  }
0x56: {  	v1 =	vld [tilespmem:s16+$0x10];
	[tilespmem:s12+$0x10] =	vst v6;
	v6 =	vsel vm0, v9, v0  }
0x57: {  	v14 =	vadd.s32 $0x100000, v5;
	v0 =	vld [tilespmem:s16+$0x20];
	[tilespmem:s12+$0x20] =	vst v6;
	s12 =	smov.u32 s16  }
0x58: {  	v19 =	vld [tilespmem:s16+$0xFFFFFFC0];
	v12 =	vadd.s32 $0x100000, v4  }
0x59: {  	s13 =	sadd.s32 $0x80, s13;
	v11 =	vadd.s32 $0x100000, v3;
	v10 =	vld.idx.msk [tilespmem:v23+s0+$0x0], $0xffff  }
0x5a: {  	v7 =	vadd.s32 $0x100000, v2;
	v17 =	vld [tilespmem:s13+$0x30]  }
0x5b: {  	v24 =	vld.idx.msk [tilespmem:v5+s0+$0x0], $0xffff;
	v6 =	vadd.s32 $0x100000, v1  }
0x5c: {  	v16 =	vld.idx.msk [tilespmem:v4+s0+$0x0], $0xffff;
	v9 =	vadd.s32 $0x100000, v0  }
0x5d: {  	v22 =	vadd.s32 $0x100000, v19;
	v15 =	vld.idx.msk [tilespmem:v3+s0+$0x0], $0xffff  }
0x5e: {  	v13 =	vld.idx.msk [tilespmem:v2+s0+$0x0], $0xffff  }
0x5f: {  	v8 =	vld.idx.msk [tilespmem:v1+s0+$0x0], $0xffff;
	vm0 =	vlt.s32 v17, v10;
	v10 =	vadd.s32 $0x100000, v23  }
0x60: {  	v17 =	vld.idx.msk [tilespmem:v19+s0+$0x0], $0xffff;
	v18 =	vsel vm0, v10, v23  }
0x61: {  	v10 =	vld.idx.msk [tilespmem:v0+s0+$0x0], $0xffff;
	[tilespmem:s16+$0x30] =	vst v18  }
0x62: {  	v23 =	vld [tilespmem:s13+$0xFFFFFFC0]  }
0x63: {  	v25 =	vld [tilespmem:s13+$0xFFFFFFD0]  }
.Ltmp0:
0x64: {  	v21 =	vld [tilespmem:s13+$0xFFFFFFE0];
	(pc) =	sbr.rel @p1 .LBB2_2-.Ltmp0, $4  }
0x65: {  	v20 =	vld [tilespmem:s13+$0xFFFFFFF0]  }
0x66: {  	v18 =	vld [tilespmem:s13+$0x0]  }
0x67: {  	vm0 =	vlt.s32 v23, v17;
	v17 =	vld [tilespmem:s13+$0x10]  }
0x68: {  	s16 =	sadd.s32 $0x80, s16;
	v22 =	vsel vm0, v22, v19;
	vm0 =	vlt.s32 v25, v24;
	v19 =	vld [tilespmem:s13+$0x20]  }
0x69: {  	[tilespmem:s12+$0xFFFFFFC0] =	vst v22;
	v5 =	vsel vm0, v14, v5;
	vm0 =	vlt.s32 v21, v16  }
0x6a: {  	[tilespmem:s12+$0xFFFFFFD0] =	vst v5;
	v4 =	vsel vm0, v12, v4;
	vm0 =	vlt.s32 v20, v15  }
0x6b: {  	[tilespmem:s12+$0xFFFFFFE0] =	vst v4;
	v3 =	vsel vm0, v11, v3;
	vm0 =	vlt.s32 v18, v13  }
0x6c: {  	[tilespmem:s12+$0xFFFFFFF0] =	vst v3;
	v2 =	vsel vm0, v7, v2;
	vm0 =	vlt.s32 v17, v8  }
0x6d: {  	[tilespmem:s12+$0x0] =	vst v2;
	v1 =	vsel vm0, v6, v1;
	vm0 =	vlt.s32 v19, v10  }
0x6e: {  	[tilespmem:s12+$0x10] =	vst v1;
	v0 =	vsel vm0, v9, v0  }
0x6f: {  	[tilespmem:s12+$0x20] =	vst v0  }
0x70: {  	[hbm4b:s5+s0] =	stream.linear.scatter [tilespmem:s24], [sflag:$0x5], $0x1000, $0x38;
	[tilespmem:$0x1F7E0] =	vst v63  }
0x71: {  	_ =	swait.ge [sflag:s4], $0x1000  }
0x72: {  	[sflag:s4] =	ssyncset.done $0x0  }
0x73: {  	s16 =	rddreg [dreg:$0xa];
	[sflag:s4] =	ssyncadd.s32 $0xFFFFF000  }
0x74: {  	[tilespmem:s24], [sflag:$0x1] =	stream.linear.gather [hbm4b:s16+s0], $0x1000, $0x38;
	[tilespmem:$0x1F7E0] =	vst v63  }
0x75: {  	s20 =	rddreg [dreg:$0xb]  }
0x76: {  	[tilespmem:s19], [sflag:$0x3] =	stream.linear.gather [hbm4b:s20+s0], $0x1000, $0x38;
	[tilespmem:$0x1F7E0] =	vst v63  }
0x77: {  	_ =	swait.ge [sflag:s6], $0x1000  }
0x78: {  	[sflag:s6] =	ssyncset.done $0x0  }
0x79: {  	[sflag:s6] =	ssyncadd.s32 $0xFFFFF000  }
0x7a: {  	_ =	swait.ge [sflag:s7], $0x1000  }
0x7b: {  	[sflag:s7] =	ssyncset.done $0x0  }
0x7c: {  	s12 =	simm.s32 $0x19740;
	[sflag:s7] =	ssyncadd.s32 $0xFFFFF000  }
0x7d: {  	v6 =	vld [tilespmem:s12+$0x30]  }
0x7e: {  	v5 =	vld [tilespmem:s12+$0xFFFFFFD0]  }
0x7f: {  	v4 =	vld [tilespmem:s12+$0xFFFFFFE0]  }
0x80: {  	v3 =	vld [tilespmem:s12+$0xFFFFFFF0]  }
0x81: {  	v2 =	vld [tilespmem:s12+$0x0]  }
0x82: {  	v1 =	vld [tilespmem:s12+$0x10]  }
0x83: {  	v0 =	vld [tilespmem:s12+$0x20]  }
0x84: {  	s13 =	simm.s32 $0x1B740;
	v19 =	vld [tilespmem:s12+$0xFFFFFFC0]  }
0x85: {  	v9 =	vld [tilespmem:s13+$0x30]  }
0x86: {  	v22 =	vld [tilespmem:s13+$0xFFFFFFC0]  }
0x87: {  	v24 =	vld [tilespmem:s13+$0xFFFFFFD0]  }
0x88: {  	v21 =	vld [tilespmem:s13+$0xFFFFFFE0]  }
0x89: {  	v20 =	vld [tilespmem:s13+$0xFFFFFFF0]  }
0x8a: {  	v18 =	vld [tilespmem:s13+$0x0]  }
0x8b: {  	v7 =	vld.idx.msk [tilespmem:v6+s0+$0x0], $0xffff  }
0x8c: {  	v23 =	vld.idx.msk [tilespmem:v5+s0+$0x0], $0xffff  }
0x8d: {  	v16 =	vld.idx.msk [tilespmem:v4+s0+$0x0], $0xffff  }
0x8e: {  	v17 =	vld.idx.msk [tilespmem:v19+s0+$0x0], $0xffff  }
0x8f: {  	v15 =	vld.idx.msk [tilespmem:v3+s0+$0x0], $0xffff  }
0x90: {  	v14 =	vadd.s32 $0x100000, v5;
	v13 =	vld.idx.msk [tilespmem:v2+s0+$0x0], $0xffff  }
0x91: {  	v12 =	vadd.s32 $0x100000, v4;
	v11 =	vadd.s32 $0x100000, v3;
	v25 =	vadd.s32 $0x100000, v19;
	v8 =	vld.idx.msk [tilespmem:v1+s0+$0x0], $0xffff  }
0x92: {  	v10 =	vld.idx.msk [tilespmem:v0+s0+$0x0], $0xffff;
	vm0 =	vlt.s32 v9, v7;
	v9 =	vadd.s32 $0x100000, v6;
	v7 =	vadd.s32 $0x100000, v2  }
0x93: {  	v9 =	vsel vm0, v9, v6;
	v6 =	vadd.s32 $0x100000, v1;
	vm0 =	vlt.s32 v22, v17;
	v17 =	vld [tilespmem:s13+$0x10]  }
0x94: {  	s15 =	simm.s32 $0x0;
	s16 =	simm.s32 $0x197C0;
	[tilespmem:s12+$0x30] =	vst v9;
	v9 =	vadd.s32 $0x100000, v0;
	v22 =	vsel vm0, v25, v19;
	vm0 =	vlt.s32 v24, v23;
	v19 =	vld [tilespmem:s13+$0x20]  }
.LBB2_4:
0x95: {  	v23 =	vld [tilespmem:s16+$0x30];
	s15 =	sadd.s32 $0x80, s15;
	[tilespmem:s12+$0xFFFFFFC0] =	vst v22;
	v14 =	vsel vm0, v14, v5;
	vm0 =	vlt.s32 v21, v16  }
0x96: {  	v5 =	vld [tilespmem:s16+$0xFFFFFFD0];
	p1 =	slt.u32 s15, $0xF80;
	[tilespmem:s12+$0xFFFFFFD0] =	vst v14;
	v12 =	vsel vm0, v12, v4;
	vm0 =	vlt.s32 v20, v15  }
0x97: {  	v4 =	vld [tilespmem:s16+$0xFFFFFFE0];
	[tilespmem:s12+$0xFFFFFFE0] =	vst v12;
	v11 =	vsel vm0, v11, v3;
	vm0 =	vlt.s32 v18, v13  }
0x98: {  	v3 =	vld [tilespmem:s16+$0xFFFFFFF0];
	[tilespmem:s12+$0xFFFFFFF0] =	vst v11;
	v7 =	vsel vm0, v7, v2;
	vm0 =	vlt.s32 v17, v8  }
0x99: {  	v2 =	vld [tilespmem:s16+$0x0];
	[tilespmem:s12+$0x0] =	vst v7;
	v6 =	vsel vm0, v6, v1;
	vm0 =	vlt.s32 v19, v10  }
0x9a: {  	v1 =	vld [tilespmem:s16+$0x10];
	[tilespmem:s12+$0x10] =	vst v6;
	v6 =	vsel vm0, v9, v0  }
0x9b: {  	v14 =	vadd.s32 $0x100000, v5;
	v0 =	vld [tilespmem:s16+$0x20];
	[tilespmem:s12+$0x20] =	vst v6;
	s12 =	smov.u32 s16  }
0x9c: {  	v19 =	vld [tilespmem:s16+$0xFFFFFFC0];
	v12 =	vadd.s32 $0x100000, v4  }
0x9d: {  	s13 =	sadd.s32 $0x80, s13;
	v11 =	vadd.s32 $0x100000, v3;
	v10 =	vld.idx.msk [tilespmem:v23+s0+$0x0], $0xffff  }
0x9e: {  	v7 =	vadd.s32 $0x100000, v2;
	v17 =	vld [tilespmem:s13+$0x30]  }
0x9f: {  	v24 =	vld.idx.msk [tilespmem:v5+s0+$0x0], $0xffff;
	v6 =	vadd.s32 $0x100000, v1  }
0xa0: {  	v16 =	vld.idx.msk [tilespmem:v4+s0+$0x0], $0xffff;
	v9 =	vadd.s32 $0x100000, v0  }
0xa1: {  	v22 =	vadd.s32 $0x100000, v19;
	v15 =	vld.idx.msk [tilespmem:v3+s0+$0x0], $0xffff  }
0xa2: {  	v13 =	vld.idx.msk [tilespmem:v2+s0+$0x0], $0xffff  }
0xa3: {  	v8 =	vld.idx.msk [tilespmem:v1+s0+$0x0], $0xffff;
	vm0 =	vlt.s32 v17, v10;
	v10 =	vadd.s32 $0x100000, v23  }
0xa4: {  	v17 =	vld.idx.msk [tilespmem:v19+s0+$0x0], $0xffff;
	v18 =	vsel vm0, v10, v23  }
0xa5: {  	v10 =	vld.idx.msk [tilespmem:v0+s0+$0x0], $0xffff;
	[tilespmem:s16+$0x30] =	vst v18  }
0xa6: {  	v23 =	vld [tilespmem:s13+$0xFFFFFFC0]  }
0xa7: {  	v25 =	vld [tilespmem:s13+$0xFFFFFFD0]  }
.Ltmp1:
0xa8: {  	v21 =	vld [tilespmem:s13+$0xFFFFFFE0];
	(pc) =	sbr.rel @p1 .LBB2_4-.Ltmp1, $4  }
0xa9: {  	v20 =	vld [tilespmem:s13+$0xFFFFFFF0]  }
0xaa: {  	v18 =	vld [tilespmem:s13+$0x0]  }
0xab: {  	vm0 =	vlt.s32 v23, v17;
	v17 =	vld [tilespmem:s13+$0x10]  }
0xac: {  	s16 =	sadd.s32 $0x80, s16;
	v22 =	vsel vm0, v22, v19;
	vm0 =	vlt.s32 v25, v24;
	v19 =	vld [tilespmem:s13+$0x20]  }
0xad: {  	[tilespmem:s12+$0xFFFFFFC0] =	vst v22;
	v5 =	vsel vm0, v14, v5;
	vm0 =	vlt.s32 v21, v16  }
0xae: {  	[tilespmem:s12+$0xFFFFFFD0] =	vst v5;
	v4 =	vsel vm0, v12, v4;
	vm0 =	vlt.s32 v20, v15  }
0xaf: {  	[tilespmem:s12+$0xFFFFFFE0] =	vst v4;
	v3 =	vsel vm0, v11, v3;
	vm0 =	vlt.s32 v18, v13  }
0xb0: {  	[tilespmem:s12+$0xFFFFFFF0] =	vst v3;
	v2 =	vsel vm0, v7, v2;
	vm0 =	vlt.s32 v17, v8  }
0xb1: {  	[tilespmem:s12+$0x0] =	vst v2;
	v1 =	vsel vm0, v6, v1;
	vm0 =	vlt.s32 v19, v10  }
0xb2: {  	[tilespmem:s12+$0x10] =	vst v1;
	v0 =	vsel vm0, v9, v0  }
0xb3: {  	[tilespmem:s12+$0x20] =	vst v0  }
0xb4: {  	[hbm4b:s8+s0] =	stream.linear.scatter [tilespmem:s28], [sflag:$0x6], $0x1000, $0x38;
	[tilespmem:$0x1F7E0] =	vst v63  }
0xb5: {  	_ =	swait.ge [sflag:s9], $0x1000  }
0xb6: {  	[sflag:s9] =	ssyncset.done $0x0  }
0xb7: {  	s16 =	rddreg [dreg:$0xc];
	[sflag:s9] =	ssyncadd.s32 $0xFFFFF000  }
0xb8: {  	[tilespmem:s28], [sflag:$0x2] =	stream.linear.gather [hbm4b:s16+s0], $0x1000, $0x38;
	[tilespmem:$0x1F7E0] =	vst v63  }
0xb9: {  	s20 =	rddreg [dreg:$0xd]  }
0xba: {  	[tilespmem:s1], [sflag:$0x4] =	stream.linear.gather [hbm4b:s20+s0], $0x1000, $0x38;
	[tilespmem:$0x1F7E0] =	vst v63  }
0xbb: {  	_ =	swait.ge [sflag:s2], $0x1000  }
0xbc: {  	[sflag:s2] =	ssyncset.done $0x0  }
0xbd: {  	[sflag:s2] =	ssyncadd.s32 $0xFFFFF000  }
0xbe: {  	_ =	swait.ge [sflag:s3], $0x1000  }
0xbf: {  	[sflag:s3] =	ssyncset.done $0x0  }
0xc0: {  	s12 =	simm.s32 $0x18740;
	[sflag:s3] =	ssyncadd.s32 $0xFFFFF000  }
0xc1: {  	v6 =	vld [tilespmem:s12+$0x30]  }
0xc2: {  	v5 =	vld [tilespmem:s12+$0xFFFFFFD0]  }
0xc3: {  	v4 =	vld [tilespmem:s12+$0xFFFFFFE0]  }
0xc4: {  	v3 =	vld [tilespmem:s12+$0xFFFFFFF0]  }
0xc5: {  	v2 =	vld [tilespmem:s12+$0x0]  }
0xc6: {  	v1 =	vld [tilespmem:s12+$0x10]  }
0xc7: {  	v0 =	vld [tilespmem:s12+$0x20]  }
0xc8: {  	s13 =	simm.s32 $0x1A740;
	v19 =	vld [tilespmem:s12+$0xFFFFFFC0]  }
0xc9: {  	v9 =	vld [tilespmem:s13+$0x30]  }
0xca: {  	v22 =	vld [tilespmem:s13+$0xFFFFFFC0]  }
0xcb: {  	v24 =	vld [tilespmem:s13+$0xFFFFFFD0]  }
0xcc: {  	v21 =	vld [tilespmem:s13+$0xFFFFFFE0]  }
0xcd: {  	v20 =	vld [tilespmem:s13+$0xFFFFFFF0]  }
0xce: {  	v18 =	vld [tilespmem:s13+$0x0]  }
0xcf: {  	v7 =	vld.idx.msk [tilespmem:v6+s0+$0x0], $0xffff  }
0xd0: {  	v23 =	vld.idx.msk [tilespmem:v5+s0+$0x0], $0xffff  }
0xd1: {  	v16 =	vld.idx.msk [tilespmem:v4+s0+$0x0], $0xffff  }
0xd2: {  	v17 =	vld.idx.msk [tilespmem:v19+s0+$0x0], $0xffff  }
0xd3: {  	v15 =	vld.idx.msk [tilespmem:v3+s0+$0x0], $0xffff  }
0xd4: {  	v14 =	vadd.s32 $0x100000, v5;
	v13 =	vld.idx.msk [tilespmem:v2+s0+$0x0], $0xffff  }
0xd5: {  	v12 =	vadd.s32 $0x100000, v4;
	v11 =	vadd.s32 $0x100000, v3;
	v25 =	vadd.s32 $0x100000, v19;
	v8 =	vld.idx.msk [tilespmem:v1+s0+$0x0], $0xffff  }
0xd6: {  	v10 =	vld.idx.msk [tilespmem:v0+s0+$0x0], $0xffff;
	vm0 =	vlt.s32 v9, v7;
	v9 =	vadd.s32 $0x100000, v6;
	v7 =	vadd.s32 $0x100000, v2  }
0xd7: {  	v9 =	vsel vm0, v9, v6;
	v6 =	vadd.s32 $0x100000, v1;
	vm0 =	vlt.s32 v22, v17;
	v17 =	vld [tilespmem:s13+$0x10]  }
0xd8: {  	s15 =	simm.s32 $0x0;
	s16 =	simm.s32 $0x187C0;
	[tilespmem:s12+$0x30] =	vst v9;
	v9 =	vadd.s32 $0x100000, v0;
	v22 =	vsel vm0, v25, v19;
	vm0 =	vlt.s32 v24, v23;
	v19 =	vld [tilespmem:s13+$0x20]  }
.LBB2_6:
0xd9: {  	v23 =	vld [tilespmem:s16+$0x30];
	s15 =	sadd.s32 $0x80, s15;
	[tilespmem:s12+$0xFFFFFFC0] =	vst v22;
	v14 =	vsel vm0, v14, v5;
	vm0 =	vlt.s32 v21, v16  }
0xda: {  	v5 =	vld [tilespmem:s16+$0xFFFFFFD0];
	p1 =	slt.u32 s15, $0xF80;
	[tilespmem:s12+$0xFFFFFFD0] =	vst v14;
	v12 =	vsel vm0, v12, v4;
	vm0 =	vlt.s32 v20, v15  }
0xdb: {  	v4 =	vld [tilespmem:s16+$0xFFFFFFE0];
	[tilespmem:s12+$0xFFFFFFE0] =	vst v12;
	v11 =	vsel vm0, v11, v3;
	vm0 =	vlt.s32 v18, v13  }
0xdc: {  	v3 =	vld [tilespmem:s16+$0xFFFFFFF0];
	[tilespmem:s12+$0xFFFFFFF0] =	vst v11;
	v7 =	vsel vm0, v7, v2;
	vm0 =	vlt.s32 v17, v8  }
0xdd: {  	v2 =	vld [tilespmem:s16+$0x0];
	[tilespmem:s12+$0x0] =	vst v7;
	v6 =	vsel vm0, v6, v1;
	vm0 =	vlt.s32 v19, v10  }
0xde: {  	v1 =	vld [tilespmem:s16+$0x10];
	[tilespmem:s12+$0x10] =	vst v6;
	v6 =	vsel vm0, v9, v0  }
0xdf: {  	v14 =	vadd.s32 $0x100000, v5;
	v0 =	vld [tilespmem:s16+$0x20];
	[tilespmem:s12+$0x20] =	vst v6;
	s12 =	smov.u32 s16  }
0xe0: {  	v19 =	vld [tilespmem:s16+$0xFFFFFFC0];
	v12 =	vadd.s32 $0x100000, v4  }
0xe1: {  	s13 =	sadd.s32 $0x80, s13;
	v11 =	vadd.s32 $0x100000, v3;
	v10 =	vld.idx.msk [tilespmem:v23+s0+$0x0], $0xffff  }
0xe2: {  	v7 =	vadd.s32 $0x100000, v2;
	v17 =	vld [tilespmem:s13+$0x30]  }
0xe3: {  	v24 =	vld.idx.msk [tilespmem:v5+s0+$0x0], $0xffff;
	v6 =	vadd.s32 $0x100000, v1  }
0xe4: {  	v16 =	vld.idx.msk [tilespmem:v4+s0+$0x0], $0xffff;
	v9 =	vadd.s32 $0x100000, v0  }
0xe5: {  	v22 =	vadd.s32 $0x100000, v19;
	v15 =	vld.idx.msk [tilespmem:v3+s0+$0x0], $0xffff  }
0xe6: {  	v13 =	vld.idx.msk [tilespmem:v2+s0+$0x0], $0xffff  }
0xe7: {  	v8 =	vld.idx.msk [tilespmem:v1+s0+$0x0], $0xffff;
	vm0 =	vlt.s32 v17, v10;
	v10 =	vadd.s32 $0x100000, v23  }
0xe8: {  	v17 =	vld.idx.msk [tilespmem:v19+s0+$0x0], $0xffff;
	v18 =	vsel vm0, v10, v23  }
0xe9: {  	v10 =	vld.idx.msk [tilespmem:v0+s0+$0x0], $0xffff;
	[tilespmem:s16+$0x30] =	vst v18  }
0xea: {  	v23 =	vld [tilespmem:s13+$0xFFFFFFC0]  }
0xeb: {  	v25 =	vld [tilespmem:s13+$0xFFFFFFD0]  }
.Ltmp2:
0xec: {  	v21 =	vld [tilespmem:s13+$0xFFFFFFE0];
	(pc) =	sbr.rel @p1 .LBB2_6-.Ltmp2, $4  }
0xed: {  	v20 =	vld [tilespmem:s13+$0xFFFFFFF0]  }
0xee: {  	v18 =	vld [tilespmem:s13+$0x0]  }
0xef: {  	vm0 =	vlt.s32 v23, v17;
	v17 =	vld [tilespmem:s13+$0x10]  }
0xf0: {  	s16 =	sadd.s32 $0x80, s16;
	v22 =	vsel vm0, v22, v19;
	vm0 =	vlt.s32 v25, v24;
	v19 =	vld [tilespmem:s13+$0x20]  }
0xf1: {  	[tilespmem:s12+$0xFFFFFFC0] =	vst v22;
	v5 =	vsel vm0, v14, v5;
	vm0 =	vlt.s32 v21, v16  }
0xf2: {  	[tilespmem:s12+$0xFFFFFFD0] =	vst v5;
	v4 =	vsel vm0, v12, v4;
	vm0 =	vlt.s32 v20, v15  }
0xf3: {  	[tilespmem:s12+$0xFFFFFFE0] =	vst v4;
	v3 =	vsel vm0, v11, v3;
	vm0 =	vlt.s32 v18, v13  }
0xf4: {  	[tilespmem:s12+$0xFFFFFFF0] =	vst v3;
	v2 =	vsel vm0, v7, v2;
	vm0 =	vlt.s32 v17, v8  }
0xf5: {  	[tilespmem:s12+$0x0] =	vst v2;
	v1 =	vsel vm0, v6, v1;
	vm0 =	vlt.s32 v19, v10  }
0xf6: {  	[tilespmem:s12+$0x10] =	vst v1;
	v0 =	vsel vm0, v9, v0  }
0xf7: {  	[tilespmem:s12+$0x20] =	vst v0  }
0xf8: {  	[hbm4b:s11+s0] =	stream.linear.scatter [tilespmem:s24], [sflag:$0x5], $0x1000, $0x38;
	[tilespmem:$0x1F7E0] =	vst v63  }
0xf9: {  	_ =	swait.ge [sflag:s4], $0x1000  }
0xfa: {  	[sflag:s4] =	ssyncset.done $0x0  }
0xfb: {  	s16 =	rddreg [dreg:$0xe];
	[sflag:s4] =	ssyncadd.s32 $0xFFFFF000  }
0xfc: {  	[tilespmem:s24], [sflag:$0x1] =	stream.linear.gather [hbm4b:s16+s0], $0x1000, $0x38;
	[tilespmem:$0x1F7E0] =	vst v63  }
0xfd: {  	s20 =	rddreg [dreg:$0xf]  }
0xfe: {  	[tilespmem:s19], [sflag:$0x3] =	stream.linear.gather [hbm4b:s20+s0], $0x1000, $0x38;
	[tilespmem:$0x1F7E0] =	vst v63  }
0xff: {  	_ =	swait.ge [sflag:s6], $0x1000  }
0x100: {  	[sflag:s6] =	ssyncset.done $0x0  }
0x101: {  	[sflag:s6] =	ssyncadd.s32 $0xFFFFF000  }
0x102: {  	_ =	swait.ge [sflag:s7], $0x1000  }
0x103: {  	[sflag:s7] =	ssyncset.done $0x0  }
0x104: {  	s12 =	simm.s32 $0x19740;
	[sflag:s7] =	ssyncadd.s32 $0xFFFFF000  }
0x105: {  	v6 =	vld [tilespmem:s12+$0x30]  }
0x106: {  	v5 =	vld [tilespmem:s12+$0xFFFFFFD0]  }
0x107: {  	v4 =	vld [tilespmem:s12+$0xFFFFFFE0]  }
0x108: {  	v3 =	vld [tilespmem:s12+$0xFFFFFFF0]  }
0x109: {  	v2 =	vld [tilespmem:s12+$0x0]  }
0x10a: {  	v1 =	vld [tilespmem:s12+$0x10]  }
0x10b: {  	v0 =	vld [tilespmem:s12+$0x20]  }
0x10c: {  	s13 =	simm.s32 $0x1B740;
	v19 =	vld [tilespmem:s12+$0xFFFFFFC0]  }
0x10d: {  	v9 =	vld [tilespmem:s13+$0x30]  }
0x10e: {  	v22 =	vld [tilespmem:s13+$0xFFFFFFC0]  }
0x10f: {  	v24 =	vld [tilespmem:s13+$0xFFFFFFD0]  }
0x110: {  	v21 =	vld [tilespmem:s13+$0xFFFFFFE0]  }
0x111: {  	v20 =	vld [tilespmem:s13+$0xFFFFFFF0]  }
0x112: {  	v18 =	vld [tilespmem:s13+$0x0]  }
0x113: {  	v7 =	vld.idx.msk [tilespmem:v6+s0+$0x0], $0xffff  }
0x114: {  	v23 =	vld.idx.msk [tilespmem:v5+s0+$0x0], $0xffff  }
0x115: {  	v16 =	vld.idx.msk [tilespmem:v4+s0+$0x0], $0xffff  }
0x116: {  	v17 =	vld.idx.msk [tilespmem:v19+s0+$0x0], $0xffff  }
0x117: {  	v15 =	vld.idx.msk [tilespmem:v3+s0+$0x0], $0xffff  }
0x118: {  	v14 =	vadd.s32 $0x100000, v5;
	v13 =	vld.idx.msk [tilespmem:v2+s0+$0x0], $0xffff  }
0x119: {  	v12 =	vadd.s32 $0x100000, v4;
	v11 =	vadd.s32 $0x100000, v3;
	v25 =	vadd.s32 $0x100000, v19;
	v8 =	vld.idx.msk [tilespmem:v1+s0+$0x0], $0xffff  }
0x11a: {  	v10 =	vld.idx.msk [tilespmem:v0+s0+$0x0], $0xffff;
	vm0 =	vlt.s32 v9, v7;
	v9 =	vadd.s32 $0x100000, v6;
	v7 =	vadd.s32 $0x100000, v2  }
0x11b: {  	v9 =	vsel vm0, v9, v6;
	v6 =	vadd.s32 $0x100000, v1;
	vm0 =	vlt.s32 v22, v17;
	v17 =	vld [tilespmem:s13+$0x10]  }
0x11c: {  	s15 =	simm.s32 $0x0;
	s16 =	simm.s32 $0x197C0;
	[tilespmem:s12+$0x30] =	vst v9;
	v9 =	vadd.s32 $0x100000, v0;
	v22 =	vsel vm0, v25, v19;
	vm0 =	vlt.s32 v24, v23;
	v19 =	vld [tilespmem:s13+$0x20]  }
.LBB2_8:
0x11d: {  	v23 =	vld [tilespmem:s16+$0x30];
	s15 =	sadd.s32 $0x80, s15;
	[tilespmem:s12+$0xFFFFFFC0] =	vst v22;
	v14 =	vsel vm0, v14, v5;
	vm0 =	vlt.s32 v21, v16  }
0x11e: {  	v5 =	vld [tilespmem:s16+$0xFFFFFFD0];
	p1 =	slt.u32 s15, $0xF80;
	[tilespmem:s12+$0xFFFFFFD0] =	vst v14;
	v12 =	vsel vm0, v12, v4;
	vm0 =	vlt.s32 v20, v15  }
0x11f: {  	v4 =	vld [tilespmem:s16+$0xFFFFFFE0];
	[tilespmem:s12+$0xFFFFFFE0] =	vst v12;
	v11 =	vsel vm0, v11, v3;
	vm0 =	vlt.s32 v18, v13  }
0x120: {  	v3 =	vld [tilespmem:s16+$0xFFFFFFF0];
	[tilespmem:s12+$0xFFFFFFF0] =	vst v11;
	v7 =	vsel vm0, v7, v2;
	vm0 =	vlt.s32 v17, v8  }
0x121: {  	v2 =	vld [tilespmem:s16+$0x0];
	[tilespmem:s12+$0x0] =	vst v7;
	v6 =	vsel vm0, v6, v1;
	vm0 =	vlt.s32 v19, v10  }
0x122: {  	v1 =	vld [tilespmem:s16+$0x10];
	[tilespmem:s12+$0x10] =	vst v6;
	v6 =	vsel vm0, v9, v0  }
0x123: {  	v14 =	vadd.s32 $0x100000, v5;
	v0 =	vld [tilespmem:s16+$0x20];
	[tilespmem:s12+$0x20] =	vst v6;
	s12 =	smov.u32 s16  }
0x124: {  	v19 =	vld [tilespmem:s16+$0xFFFFFFC0];
	v12 =	vadd.s32 $0x100000, v4  }
0x125: {  	s13 =	sadd.s32 $0x80, s13;
	v11 =	vadd.s32 $0x100000, v3;
	v10 =	vld.idx.msk [tilespmem:v23+s0+$0x0], $0xffff  }
0x126: {  	v7 =	vadd.s32 $0x100000, v2;
	v17 =	vld [tilespmem:s13+$0x30]  }
0x127: {  	v24 =	vld.idx.msk [tilespmem:v5+s0+$0x0], $0xffff;
	v6 =	vadd.s32 $0x100000, v1  }
0x128: {  	v16 =	vld.idx.msk [tilespmem:v4+s0+$0x0], $0xffff;
	v9 =	vadd.s32 $0x100000, v0  }
0x129: {  	v22 =	vadd.s32 $0x100000, v19;
	v15 =	vld.idx.msk [tilespmem:v3+s0+$0x0], $0xffff  }
0x12a: {  	v13 =	vld.idx.msk [tilespmem:v2+s0+$0x0], $0xffff  }
0x12b: {  	v8 =	vld.idx.msk [tilespmem:v1+s0+$0x0], $0xffff;
	vm0 =	vlt.s32 v17, v10;
	v10 =	vadd.s32 $0x100000, v23  }
0x12c: {  	v17 =	vld.idx.msk [tilespmem:v19+s0+$0x0], $0xffff;
	v18 =	vsel vm0, v10, v23  }
0x12d: {  	v10 =	vld.idx.msk [tilespmem:v0+s0+$0x0], $0xffff;
	[tilespmem:s16+$0x30] =	vst v18  }
0x12e: {  	v23 =	vld [tilespmem:s13+$0xFFFFFFC0]  }
0x12f: {  	v25 =	vld [tilespmem:s13+$0xFFFFFFD0]  }
.Ltmp3:
0x130: {  	v21 =	vld [tilespmem:s13+$0xFFFFFFE0];
	(pc) =	sbr.rel @p1 .LBB2_8-.Ltmp3, $4  }
0x131: {  	v20 =	vld [tilespmem:s13+$0xFFFFFFF0]  }
0x132: {  	v18 =	vld [tilespmem:s13+$0x0]  }
0x133: {  	vm0 =	vlt.s32 v23, v17;
	v17 =	vld [tilespmem:s13+$0x10]  }
0x134: {  	s16 =	sadd.s32 $0x80, s16;
	v22 =	vsel vm0, v22, v19;
	vm0 =	vlt.s32 v25, v24;
	v19 =	vld [tilespmem:s13+$0x20]  }
0x135: {  	[tilespmem:s12+$0xFFFFFFC0] =	vst v22;
	v5 =	vsel vm0, v14, v5;
	vm0 =	vlt.s32 v21, v16  }
0x136: {  	[tilespmem:s12+$0xFFFFFFD0] =	vst v5;
	v4 =	vsel vm0, v12, v4;
	vm0 =	vlt.s32 v20, v15  }
0x137: {  	[tilespmem:s12+$0xFFFFFFE0] =	vst v4;
	v3 =	vsel vm0, v11, v3;
	vm0 =	vlt.s32 v18, v13  }
0x138: {  	[tilespmem:s12+$0xFFFFFFF0] =	vst v3;
	v2 =	vsel vm0, v7, v2;
	vm0 =	vlt.s32 v17, v8  }
0x139: {  	[tilespmem:s12+$0x0] =	vst v2;
	v1 =	vsel vm0, v6, v1;
	vm0 =	vlt.s32 v19, v10  }
0x13a: {  	[tilespmem:s12+$0x10] =	vst v1;
	v0 =	vsel vm0, v9, v0  }
0x13b: {  	[tilespmem:s12+$0x20] =	vst v0  }
0x13c: {  	[hbm4b:s14+s0] =	stream.linear.scatter [tilespmem:s28], [sflag:$0x6], $0x1000, $0x38;
	[tilespmem:$0x1F7E0] =	vst v63  }
0x13d: {  	_ =	swait.ge [sflag:s9], $0x1000  }
0x13e: {  	[sflag:s9] =	ssyncset.done $0x0  }
0x13f: {  	s16 =	rddreg [dreg:$0x10];
	[sflag:s9] =	ssyncadd.s32 $0xFFFFF000  }
0x140: {  	[tilespmem:s28], [sflag:$0x2] =	stream.linear.gather [hbm4b:s16+s0], $0x1000, $0x38;
	[tilespmem:$0x1F7E0] =	vst v63  }
0x141: {  	s20 =	rddreg [dreg:$0x11]  }
0x142: {  	[tilespmem:s1], [sflag:$0x4] =	stream.linear.gather [hbm4b:s20+s0], $0x1000, $0x38;
	[tilespmem:$0x1F7E0] =	vst v63  }
0x143: {  	_ =	swait.ge [sflag:s2], $0x1000  }
0x144: {  	[sflag:s2] =	ssyncset.done $0x0  }
0x145: {  	[sflag:s2] =	ssyncadd.s32 $0xFFFFF000  }
0x146: {  	_ =	swait.ge [sflag:s3], $0x1000  }
0x147: {  	[sflag:s3] =	ssyncset.done $0x0  }
0x148: {  	s12 =	simm.s32 $0x18740;
	[sflag:s3] =	ssyncadd.s32 $0xFFFFF000  }
0x149: {  	v6 =	vld [tilespmem:s12+$0x30]  }
0x14a: {  	v5 =	vld [tilespmem:s12+$0xFFFFFFD0]  }
0x14b: {  	v4 =	vld [tilespmem:s12+$0xFFFFFFE0]  }
0x14c: {  	v3 =	vld [tilespmem:s12+$0xFFFFFFF0]  }
0x14d: {  	v2 =	vld [tilespmem:s12+$0x0]  }
0x14e: {  	v1 =	vld [tilespmem:s12+$0x10]  }
0x14f: {  	v0 =	vld [tilespmem:s12+$0x20]  }
0x150: {  	s13 =	simm.s32 $0x1A740;
	v19 =	vld [tilespmem:s12+$0xFFFFFFC0]  }
0x151: {  	v9 =	vld [tilespmem:s13+$0x30]  }
0x152: {  	v22 =	vld [tilespmem:s13+$0xFFFFFFC0]  }
0x153: {  	v24 =	vld [tilespmem:s13+$0xFFFFFFD0]  }
0x154: {  	v21 =	vld [tilespmem:s13+$0xFFFFFFE0]  }
0x155: {  	v20 =	vld [tilespmem:s13+$0xFFFFFFF0]  }
0x156: {  	v18 =	vld [tilespmem:s13+$0x0]  }
0x157: {  	v7 =	vld.idx.msk [tilespmem:v6+s0+$0x0], $0xffff  }
0x158: {  	v23 =	vld.idx.msk [tilespmem:v5+s0+$0x0], $0xffff  }
0x159: {  	v16 =	vld.idx.msk [tilespmem:v4+s0+$0x0], $0xffff  }
0x15a: {  	v17 =	vld.idx.msk [tilespmem:v19+s0+$0x0], $0xffff  }
0x15b: {  	v15 =	vld.idx.msk [tilespmem:v3+s0+$0x0], $0xffff  }
0x15c: {  	v14 =	vadd.s32 $0x100000, v5;
	v13 =	vld.idx.msk [tilespmem:v2+s0+$0x0], $0xffff  }
0x15d: {  	v12 =	vadd.s32 $0x100000, v4;
	v11 =	vadd.s32 $0x100000, v3;
	v25 =	vadd.s32 $0x100000, v19;
	v8 =	vld.idx.msk [tilespmem:v1+s0+$0x0], $0xffff  }
0x15e: {  	v10 =	vld.idx.msk [tilespmem:v0+s0+$0x0], $0xffff;
	vm0 =	vlt.s32 v9, v7;
	v9 =	vadd.s32 $0x100000, v6;
	v7 =	vadd.s32 $0x100000, v2  }
0x15f: {  	v9 =	vsel vm0, v9, v6;
	v6 =	vadd.s32 $0x100000, v1;
	vm0 =	vlt.s32 v22, v17;
	v17 =	vld [tilespmem:s13+$0x10]  }
0x160: {  	s15 =	simm.s32 $0x0;
	s16 =	simm.s32 $0x187C0;
	[tilespmem:s12+$0x30] =	vst v9;
	v9 =	vadd.s32 $0x100000, v0;
	v22 =	vsel vm0, v25, v19;
	vm0 =	vlt.s32 v24, v23;
	v19 =	vld [tilespmem:s13+$0x20]  }
.LBB2_10:
0x161: {  	v23 =	vld [tilespmem:s16+$0x30];
	s15 =	sadd.s32 $0x80, s15;
	[tilespmem:s12+$0xFFFFFFC0] =	vst v22;
	v14 =	vsel vm0, v14, v5;
	vm0 =	vlt.s32 v21, v16  }
0x162: {  	v5 =	vld [tilespmem:s16+$0xFFFFFFD0];
	p1 =	slt.u32 s15, $0xF80;
	[tilespmem:s12+$0xFFFFFFD0] =	vst v14;
	v12 =	vsel vm0, v12, v4;
	vm0 =	vlt.s32 v20, v15  }
0x163: {  	v4 =	vld [tilespmem:s16+$0xFFFFFFE0];
	[tilespmem:s12+$0xFFFFFFE0] =	vst v12;
	v11 =	vsel vm0, v11, v3;
	vm0 =	vlt.s32 v18, v13  }
0x164: {  	v3 =	vld [tilespmem:s16+$0xFFFFFFF0];
	[tilespmem:s12+$0xFFFFFFF0] =	vst v11;
	v7 =	vsel vm0, v7, v2;
	vm0 =	vlt.s32 v17, v8  }
0x165: {  	v2 =	vld [tilespmem:s16+$0x0];
	[tilespmem:s12+$0x0] =	vst v7;
	v6 =	vsel vm0, v6, v1;
	vm0 =	vlt.s32 v19, v10  }
0x166: {  	v1 =	vld [tilespmem:s16+$0x10];
	[tilespmem:s12+$0x10] =	vst v6;
	v6 =	vsel vm0, v9, v0  }
0x167: {  	v14 =	vadd.s32 $0x100000, v5;
	v0 =	vld [tilespmem:s16+$0x20];
	[tilespmem:s12+$0x20] =	vst v6;
	s12 =	smov.u32 s16  }
0x168: {  	v19 =	vld [tilespmem:s16+$0xFFFFFFC0];
	v12 =	vadd.s32 $0x100000, v4  }
0x169: {  	s13 =	sadd.s32 $0x80, s13;
	v11 =	vadd.s32 $0x100000, v3;
	v10 =	vld.idx.msk [tilespmem:v23+s0+$0x0], $0xffff  }
0x16a: {  	v7 =	vadd.s32 $0x100000, v2;
	v17 =	vld [tilespmem:s13+$0x30]  }
0x16b: {  	v24 =	vld.idx.msk [tilespmem:v5+s0+$0x0], $0xffff;
	v6 =	vadd.s32 $0x100000, v1  }
0x16c: {  	v16 =	vld.idx.msk [tilespmem:v4+s0+$0x0], $0xffff;
	v9 =	vadd.s32 $0x100000, v0  }
0x16d: {  	v22 =	vadd.s32 $0x100000, v19;
	v15 =	vld.idx.msk [tilespmem:v3+s0+$0x0], $0xffff  }
0x16e: {  	v13 =	vld.idx.msk [tilespmem:v2+s0+$0x0], $0xffff  }
0x16f: {  	v8 =	vld.idx.msk [tilespmem:v1+s0+$0x0], $0xffff;
	vm0 =	vlt.s32 v17, v10;
	v10 =	vadd.s32 $0x100000, v23  }
0x170: {  	v17 =	vld.idx.msk [tilespmem:v19+s0+$0x0], $0xffff;
	v18 =	vsel vm0, v10, v23  }
0x171: {  	v10 =	vld.idx.msk [tilespmem:v0+s0+$0x0], $0xffff;
	[tilespmem:s16+$0x30] =	vst v18  }
0x172: {  	v23 =	vld [tilespmem:s13+$0xFFFFFFC0]  }
0x173: {  	v25 =	vld [tilespmem:s13+$0xFFFFFFD0]  }
.Ltmp4:
0x174: {  	v21 =	vld [tilespmem:s13+$0xFFFFFFE0];
	(pc) =	sbr.rel @p1 .LBB2_10-.Ltmp4, $4  }
0x175: {  	v20 =	vld [tilespmem:s13+$0xFFFFFFF0]  }
0x176: {  	v18 =	vld [tilespmem:s13+$0x0]  }
0x177: {  	vm0 =	vlt.s32 v23, v17;
	v17 =	vld [tilespmem:s13+$0x10]  }
0x178: {  	s16 =	sadd.s32 $0x80, s16;
	v22 =	vsel vm0, v22, v19;
	vm0 =	vlt.s32 v25, v24;
	v19 =	vld [tilespmem:s13+$0x20]  }
0x179: {  	[tilespmem:s12+$0xFFFFFFC0] =	vst v22;
	v5 =	vsel vm0, v14, v5;
	vm0 =	vlt.s32 v21, v16  }
0x17a: {  	[tilespmem:s12+$0xFFFFFFD0] =	vst v5;
	v4 =	vsel vm0, v12, v4;
	vm0 =	vlt.s32 v20, v15  }
0x17b: {  	[tilespmem:s12+$0xFFFFFFE0] =	vst v4;
	v3 =	vsel vm0, v11, v3;
	vm0 =	vlt.s32 v18, v13  }
0x17c: {  	[tilespmem:s12+$0xFFFFFFF0] =	vst v3;
	v2 =	vsel vm0, v7, v2;
	vm0 =	vlt.s32 v17, v8  }
0x17d: {  	[tilespmem:s12+$0x0] =	vst v2;
	v1 =	vsel vm0, v6, v1;
	vm0 =	vlt.s32 v19, v10  }
0x17e: {  	[tilespmem:s12+$0x10] =	vst v1;
	v0 =	vsel vm0, v9, v0  }
0x17f: {  	[tilespmem:s12+$0x20] =	vst v0  }
0x180: {  	[hbm4b:s17+s0] =	stream.linear.scatter [tilespmem:s24], [sflag:$0x5], $0x1000, $0x38;
	[tilespmem:$0x1F7E0] =	vst v63  }
0x181: {  	_ =	swait.ge [sflag:s4], $0x1000  }
0x182: {  	[sflag:s4] =	ssyncset.done $0x0  }
0x183: {  	s20 =	rddreg [dreg:$0x12];
	[sflag:s4] =	ssyncadd.s32 $0xFFFFF000  }
0x184: {  	[tilespmem:s24], [sflag:$0x1] =	stream.linear.gather [hbm4b:s20+s0], $0x1000, $0x38;
	[tilespmem:$0x1F7E0] =	vst v63  }
0x185: {  	_ = 	snop  }
0x186: {  	[tilespmem:s19], [sflag:$0x3] =	stream.linear.gather [hbm4b:s23+s0], $0x1000, $0x38;
	[tilespmem:$0x1F7E0] =	vst v63  }
0x187: {  	_ =	swait.ge [sflag:s6], $0x1000  }
0x188: {  	[sflag:s6] =	ssyncset.done $0x0  }
0x189: {  	[sflag:s6] =	ssyncadd.s32 $0xFFFFF000  }
0x18a: {  	_ =	swait.ge [sflag:s7], $0x1000  }
0x18b: {  	[sflag:s7] =	ssyncset.done $0x0  }
0x18c: {  	s12 =	simm.s32 $0x19740;
	[sflag:s7] =	ssyncadd.s32 $0xFFFFF000  }
0x18d: {  	v6 =	vld [tilespmem:s12+$0x30]  }
0x18e: {  	v5 =	vld [tilespmem:s12+$0xFFFFFFD0]  }
0x18f: {  	v4 =	vld [tilespmem:s12+$0xFFFFFFE0]  }
0x190: {  	v3 =	vld [tilespmem:s12+$0xFFFFFFF0]  }
0x191: {  	v2 =	vld [tilespmem:s12+$0x0]  }
0x192: {  	v1 =	vld [tilespmem:s12+$0x10]  }
0x193: {  	v0 =	vld [tilespmem:s12+$0x20]  }
0x194: {  	s13 =	simm.s32 $0x1B740;
	v19 =	vld [tilespmem:s12+$0xFFFFFFC0]  }
0x195: {  	v9 =	vld [tilespmem:s13+$0x30]  }
0x196: {  	v22 =	vld [tilespmem:s13+$0xFFFFFFC0]  }
0x197: {  	v24 =	vld [tilespmem:s13+$0xFFFFFFD0]  }
0x198: {  	v21 =	vld [tilespmem:s13+$0xFFFFFFE0]  }
0x199: {  	v20 =	vld [tilespmem:s13+$0xFFFFFFF0]  }
0x19a: {  	v18 =	vld [tilespmem:s13+$0x0]  }
0x19b: {  	v7 =	vld.idx.msk [tilespmem:v6+s0+$0x0], $0xffff  }
0x19c: {  	v23 =	vld.idx.msk [tilespmem:v5+s0+$0x0], $0xffff  }
0x19d: {  	v16 =	vld.idx.msk [tilespmem:v4+s0+$0x0], $0xffff  }
0x19e: {  	v17 =	vld.idx.msk [tilespmem:v19+s0+$0x0], $0xffff  }
0x19f: {  	v15 =	vld.idx.msk [tilespmem:v3+s0+$0x0], $0xffff  }
0x1a0: {  	v14 =	vadd.s32 $0x100000, v5;
	v13 =	vld.idx.msk [tilespmem:v2+s0+$0x0], $0xffff  }
0x1a1: {  	v12 =	vadd.s32 $0x100000, v4;
	v11 =	vadd.s32 $0x100000, v3;
	v25 =	vadd.s32 $0x100000, v19;
	v8 =	vld.idx.msk [tilespmem:v1+s0+$0x0], $0xffff  }
0x1a2: {  	v10 =	vld.idx.msk [tilespmem:v0+s0+$0x0], $0xffff;
	vm0 =	vlt.s32 v9, v7;
	v9 =	vadd.s32 $0x100000, v6;
	v7 =	vadd.s32 $0x100000, v2  }
0x1a3: {  	v9 =	vsel vm0, v9, v6;
	v6 =	vadd.s32 $0x100000, v1;
	vm0 =	vlt.s32 v22, v17;
	v17 =	vld [tilespmem:s13+$0x10]  }
0x1a4: {  	s15 =	simm.s32 $0x0;
	s16 =	simm.s32 $0x197C0;
	[tilespmem:s12+$0x30] =	vst v9;
	v9 =	vadd.s32 $0x100000, v0;
	v22 =	vsel vm0, v25, v19;
	vm0 =	vlt.s32 v24, v23;
	v19 =	vld [tilespmem:s13+$0x20]  }
.LBB2_12:
0x1a5: {  	v23 =	vld [tilespmem:s16+$0x30];
	s15 =	sadd.s32 $0x80, s15;
	[tilespmem:s12+$0xFFFFFFC0] =	vst v22;
	v14 =	vsel vm0, v14, v5;
	vm0 =	vlt.s32 v21, v16  }
0x1a6: {  	v5 =	vld [tilespmem:s16+$0xFFFFFFD0];
	p1 =	slt.u32 s15, $0xF80;
	[tilespmem:s12+$0xFFFFFFD0] =	vst v14;
	v12 =	vsel vm0, v12, v4;
	vm0 =	vlt.s32 v20, v15  }
0x1a7: {  	v4 =	vld [tilespmem:s16+$0xFFFFFFE0];
	[tilespmem:s12+$0xFFFFFFE0] =	vst v12;
	v11 =	vsel vm0, v11, v3;
	vm0 =	vlt.s32 v18, v13  }
0x1a8: {  	v3 =	vld [tilespmem:s16+$0xFFFFFFF0];
	[tilespmem:s12+$0xFFFFFFF0] =	vst v11;
	v7 =	vsel vm0, v7, v2;
	vm0 =	vlt.s32 v17, v8  }
0x1a9: {  	v2 =	vld [tilespmem:s16+$0x0];
	[tilespmem:s12+$0x0] =	vst v7;
	v6 =	vsel vm0, v6, v1;
	vm0 =	vlt.s32 v19, v10  }
0x1aa: {  	v1 =	vld [tilespmem:s16+$0x10];
	[tilespmem:s12+$0x10] =	vst v6;
	v6 =	vsel vm0, v9, v0  }
0x1ab: {  	v14 =	vadd.s32 $0x100000, v5;
	v0 =	vld [tilespmem:s16+$0x20];
	[tilespmem:s12+$0x20] =	vst v6;
	s12 =	smov.u32 s16  }
0x1ac: {  	v19 =	vld [tilespmem:s16+$0xFFFFFFC0];
	v12 =	vadd.s32 $0x100000, v4  }
0x1ad: {  	s13 =	sadd.s32 $0x80, s13;
	v11 =	vadd.s32 $0x100000, v3;
	v10 =	vld.idx.msk [tilespmem:v23+s0+$0x0], $0xffff  }
0x1ae: {  	v7 =	vadd.s32 $0x100000, v2;
	v17 =	vld [tilespmem:s13+$0x30]  }
0x1af: {  	v24 =	vld.idx.msk [tilespmem:v5+s0+$0x0], $0xffff;
	v6 =	vadd.s32 $0x100000, v1  }
0x1b0: {  	v16 =	vld.idx.msk [tilespmem:v4+s0+$0x0], $0xffff;
	v9 =	vadd.s32 $0x100000, v0  }
0x1b1: {  	v22 =	vadd.s32 $0x100000, v19;
	v15 =	vld.idx.msk [tilespmem:v3+s0+$0x0], $0xffff  }
0x1b2: {  	v13 =	vld.idx.msk [tilespmem:v2+s0+$0x0], $0xffff  }
0x1b3: {  	v8 =	vld.idx.msk [tilespmem:v1+s0+$0x0], $0xffff;
	vm0 =	vlt.s32 v17, v10;
	v10 =	vadd.s32 $0x100000, v23  }
0x1b4: {  	v17 =	vld.idx.msk [tilespmem:v19+s0+$0x0], $0xffff;
	v18 =	vsel vm0, v10, v23  }
0x1b5: {  	v10 =	vld.idx.msk [tilespmem:v0+s0+$0x0], $0xffff;
	[tilespmem:s16+$0x30] =	vst v18  }
0x1b6: {  	v23 =	vld [tilespmem:s13+$0xFFFFFFC0]  }
0x1b7: {  	v25 =	vld [tilespmem:s13+$0xFFFFFFD0]  }
.Ltmp5:
0x1b8: {  	v21 =	vld [tilespmem:s13+$0xFFFFFFE0];
	(pc) =	sbr.rel @p1 .LBB2_12-.Ltmp5, $4  }
0x1b9: {  	v20 =	vld [tilespmem:s13+$0xFFFFFFF0]  }
0x1ba: {  	v18 =	vld [tilespmem:s13+$0x0]  }
0x1bb: {  	vm0 =	vlt.s32 v23, v17;
	v17 =	vld [tilespmem:s13+$0x10]  }
0x1bc: {  	s16 =	sadd.s32 $0x80, s16;
	v22 =	vsel vm0, v22, v19;
	vm0 =	vlt.s32 v25, v24;
	v19 =	vld [tilespmem:s13+$0x20]  }
0x1bd: {  	[tilespmem:s12+$0xFFFFFFC0] =	vst v22;
	v5 =	vsel vm0, v14, v5;
	vm0 =	vlt.s32 v21, v16  }
0x1be: {  	[tilespmem:s12+$0xFFFFFFD0] =	vst v5;
	v4 =	vsel vm0, v12, v4;
	vm0 =	vlt.s32 v20, v15  }
0x1bf: {  	[tilespmem:s12+$0xFFFFFFE0] =	vst v4;
	v3 =	vsel vm0, v11, v3;
	vm0 =	vlt.s32 v18, v13  }
0x1c0: {  	[tilespmem:s12+$0xFFFFFFF0] =	vst v3;
	v2 =	vsel vm0, v7, v2;
	vm0 =	vlt.s32 v17, v8  }
0x1c1: {  	[tilespmem:s12+$0x0] =	vst v2;
	v1 =	vsel vm0, v6, v1;
	vm0 =	vlt.s32 v19, v10  }
0x1c2: {  	[tilespmem:s12+$0x10] =	vst v1;
	v0 =	vsel vm0, v9, v0  }
0x1c3: {  	[tilespmem:s12+$0x20] =	vst v0  }
0x1c4: {  	[hbm4b:s18+s0] =	stream.linear.scatter [tilespmem:s28], [sflag:$0x6], $0x1000, $0x38;
	[tilespmem:$0x1F7E0] =	vst v63  }
0x1c5: {  	_ =	swait.ge [sflag:s9], $0x1000  }
0x1c6: {  	[sflag:s9] =	ssyncset.done $0x0  }
0x1c7: {  	[sflag:s9] =	ssyncadd.s32 $0xFFFFF000  }
0x1c8: {  	[tilespmem:s28], [sflag:$0x2] =	stream.linear.gather [hbm4b:s21+s0], $0x1000, $0x38;
	[tilespmem:$0x1F7E0] =	vst v63  }
0x1c9: {  	_ = 	snop  }
0x1ca: {  	[tilespmem:s1], [sflag:$0x4] =	stream.linear.gather [hbm4b:s25+s0], $0x1000, $0x38;
	[tilespmem:$0x1F7E0] =	vst v63  }
0x1cb: {  	_ =	swait.ge [sflag:s2], $0x1000  }
0x1cc: {  	[sflag:s2] =	ssyncset.done $0x0  }
0x1cd: {  	[sflag:s2] =	ssyncadd.s32 $0xFFFFF000  }
0x1ce: {  	_ =	swait.ge [sflag:s3], $0x1000  }
0x1cf: {  	[sflag:s3] =	ssyncset.done $0x0  }
0x1d0: {  	s12 =	simm.s32 $0x18740;
	[sflag:s3] =	ssyncadd.s32 $0xFFFFF000  }
0x1d1: {  	v6 =	vld [tilespmem:s12+$0x30]  }
0x1d2: {  	v5 =	vld [tilespmem:s12+$0xFFFFFFD0]  }
0x1d3: {  	v4 =	vld [tilespmem:s12+$0xFFFFFFE0]  }
0x1d4: {  	v3 =	vld [tilespmem:s12+$0xFFFFFFF0]  }
0x1d5: {  	v2 =	vld [tilespmem:s12+$0x0]  }
0x1d6: {  	v1 =	vld [tilespmem:s12+$0x10]  }
0x1d7: {  	v0 =	vld [tilespmem:s12+$0x20]  }
0x1d8: {  	s13 =	simm.s32 $0x1A740;
	v19 =	vld [tilespmem:s12+$0xFFFFFFC0]  }
0x1d9: {  	v9 =	vld [tilespmem:s13+$0x30]  }
0x1da: {  	v22 =	vld [tilespmem:s13+$0xFFFFFFC0]  }
0x1db: {  	v24 =	vld [tilespmem:s13+$0xFFFFFFD0]  }
0x1dc: {  	v21 =	vld [tilespmem:s13+$0xFFFFFFE0]  }
0x1dd: {  	v20 =	vld [tilespmem:s13+$0xFFFFFFF0]  }
0x1de: {  	v18 =	vld [tilespmem:s13+$0x0]  }
0x1df: {  	v7 =	vld.idx.msk [tilespmem:v6+s0+$0x0], $0xffff  }
0x1e0: {  	v23 =	vld.idx.msk [tilespmem:v5+s0+$0x0], $0xffff  }
0x1e1: {  	v16 =	vld.idx.msk [tilespmem:v4+s0+$0x0], $0xffff  }
0x1e2: {  	v17 =	vld.idx.msk [tilespmem:v19+s0+$0x0], $0xffff  }
0x1e3: {  	v15 =	vld.idx.msk [tilespmem:v3+s0+$0x0], $0xffff  }
0x1e4: {  	v14 =	vadd.s32 $0x100000, v5;
	v13 =	vld.idx.msk [tilespmem:v2+s0+$0x0], $0xffff  }
0x1e5: {  	v12 =	vadd.s32 $0x100000, v4;
	v11 =	vadd.s32 $0x100000, v3;
	v25 =	vadd.s32 $0x100000, v19;
	v8 =	vld.idx.msk [tilespmem:v1+s0+$0x0], $0xffff  }
0x1e6: {  	v10 =	vld.idx.msk [tilespmem:v0+s0+$0x0], $0xffff;
	vm0 =	vlt.s32 v9, v7;
	v9 =	vadd.s32 $0x100000, v6;
	v7 =	vadd.s32 $0x100000, v2  }
0x1e7: {  	v9 =	vsel vm0, v9, v6;
	v6 =	vadd.s32 $0x100000, v1;
	vm0 =	vlt.s32 v22, v17;
	v17 =	vld [tilespmem:s13+$0x10]  }
0x1e8: {  	s15 =	simm.s32 $0x0;
	s16 =	simm.s32 $0x187C0;
	[tilespmem:s12+$0x30] =	vst v9;
	v9 =	vadd.s32 $0x100000, v0;
	v22 =	vsel vm0, v25, v19;
	vm0 =	vlt.s32 v24, v23;
	v19 =	vld [tilespmem:s13+$0x20]  }
.LBB2_14:
0x1e9: {  	v23 =	vld [tilespmem:s16+$0x30];
	s15 =	sadd.s32 $0x80, s15;
	[tilespmem:s12+$0xFFFFFFC0] =	vst v22;
	v14 =	vsel vm0, v14, v5;
	vm0 =	vlt.s32 v21, v16  }
0x1ea: {  	v5 =	vld [tilespmem:s16+$0xFFFFFFD0];
	p1 =	slt.u32 s15, $0xF80;
	[tilespmem:s12+$0xFFFFFFD0] =	vst v14;
	v12 =	vsel vm0, v12, v4;
	vm0 =	vlt.s32 v20, v15  }
0x1eb: {  	v4 =	vld [tilespmem:s16+$0xFFFFFFE0];
	[tilespmem:s12+$0xFFFFFFE0] =	vst v12;
	v11 =	vsel vm0, v11, v3;
	vm0 =	vlt.s32 v18, v13  }
0x1ec: {  	v3 =	vld [tilespmem:s16+$0xFFFFFFF0];
	[tilespmem:s12+$0xFFFFFFF0] =	vst v11;
	v7 =	vsel vm0, v7, v2;
	vm0 =	vlt.s32 v17, v8  }
0x1ed: {  	v2 =	vld [tilespmem:s16+$0x0];
	[tilespmem:s12+$0x0] =	vst v7;
	v6 =	vsel vm0, v6, v1;
	vm0 =	vlt.s32 v19, v10  }
0x1ee: {  	v1 =	vld [tilespmem:s16+$0x10];
	[tilespmem:s12+$0x10] =	vst v6;
	v6 =	vsel vm0, v9, v0  }
0x1ef: {  	v14 =	vadd.s32 $0x100000, v5;
	v0 =	vld [tilespmem:s16+$0x20];
	[tilespmem:s12+$0x20] =	vst v6;
	s12 =	smov.u32 s16  }
0x1f0: {  	v19 =	vld [tilespmem:s16+$0xFFFFFFC0];
	v12 =	vadd.s32 $0x100000, v4  }
0x1f1: {  	s13 =	sadd.s32 $0x80, s13;
	v11 =	vadd.s32 $0x100000, v3;
	v10 =	vld.idx.msk [tilespmem:v23+s0+$0x0], $0xffff  }
0x1f2: {  	v7 =	vadd.s32 $0x100000, v2;
	v17 =	vld [tilespmem:s13+$0x30]  }
0x1f3: {  	v24 =	vld.idx.msk [tilespmem:v5+s0+$0x0], $0xffff;
	v6 =	vadd.s32 $0x100000, v1  }
0x1f4: {  	v16 =	vld.idx.msk [tilespmem:v4+s0+$0x0], $0xffff;
	v9 =	vadd.s32 $0x100000, v0  }
0x1f5: {  	v22 =	vadd.s32 $0x100000, v19;
	v15 =	vld.idx.msk [tilespmem:v3+s0+$0x0], $0xffff  }
0x1f6: {  	v13 =	vld.idx.msk [tilespmem:v2+s0+$0x0], $0xffff  }
0x1f7: {  	v8 =	vld.idx.msk [tilespmem:v1+s0+$0x0], $0xffff;
	vm0 =	vlt.s32 v17, v10;
	v10 =	vadd.s32 $0x100000, v23  }
0x1f8: {  	v17 =	vld.idx.msk [tilespmem:v19+s0+$0x0], $0xffff;
	v18 =	vsel vm0, v10, v23  }
0x1f9: {  	v10 =	vld.idx.msk [tilespmem:v0+s0+$0x0], $0xffff;
	[tilespmem:s16+$0x30] =	vst v18  }
0x1fa: {  	v23 =	vld [tilespmem:s13+$0xFFFFFFC0]  }
0x1fb: {  	v25 =	vld [tilespmem:s13+$0xFFFFFFD0]  }
.Ltmp6:
0x1fc: {  	v21 =	vld [tilespmem:s13+$0xFFFFFFE0];
	(pc) =	sbr.rel @p1 .LBB2_14-.Ltmp6, $4  }
0x1fd: {  	v20 =	vld [tilespmem:s13+$0xFFFFFFF0]  }
0x1fe: {  	v18 =	vld [tilespmem:s13+$0x0]  }
0x1ff: {  	vm0 =	vlt.s32 v23, v17;
	v17 =	vld [tilespmem:s13+$0x10]  }
0x200: {  	s16 =	sadd.s32 $0x80, s16;
	v22 =	vsel vm0, v22, v19;
	vm0 =	vlt.s32 v25, v24;
	v19 =	vld [tilespmem:s13+$0x20]  }
0x201: {  	[tilespmem:s12+$0xFFFFFFC0] =	vst v22;
	v5 =	vsel vm0, v14, v5;
	vm0 =	vlt.s32 v21, v16  }
0x202: {  	[tilespmem:s12+$0xFFFFFFD0] =	vst v5;
	v4 =	vsel vm0, v12, v4;
	vm0 =	vlt.s32 v20, v15  }
0x203: {  	[tilespmem:s12+$0xFFFFFFE0] =	vst v4;
	v3 =	vsel vm0, v11, v3;
	vm0 =	vlt.s32 v18, v13  }
0x204: {  	[tilespmem:s12+$0xFFFFFFF0] =	vst v3;
	v2 =	vsel vm0, v7, v2;
	vm0 =	vlt.s32 v17, v8  }
0x205: {  	[tilespmem:s12+$0x0] =	vst v2;
	v1 =	vsel vm0, v6, v1;
	vm0 =	vlt.s32 v19, v10  }
0x206: {  	[tilespmem:s12+$0x10] =	vst v1;
	v0 =	vsel vm0, v9, v0  }
0x207: {  	[tilespmem:s12+$0x20] =	vst v0  }
0x208: {  	[hbm4b:s26+s0] =	stream.linear.scatter [tilespmem:s24], [sflag:$0x5], $0x1000, $0x38;
	[tilespmem:$0x1F7E0] =	vst v63  }
0x209: {  	_ =	swait.ge [sflag:s6], $0x1000  }
0x20a: {  	[sflag:s6] =	ssyncset.done $0x0  }
0x20b: {  	[sflag:s6] =	ssyncadd.s32 $0xFFFFF000  }
0x20c: {  	_ =	swait.ge [sflag:s7], $0x1000  }
0x20d: {  	[sflag:s7] =	ssyncset.done $0x0  }
0x20e: {  	s12 =	simm.s32 $0x19740;
	[sflag:s7] =	ssyncadd.s32 $0xFFFFF000  }
0x20f: {  	v6 =	vld [tilespmem:s12+$0x30]  }
0x210: {  	v5 =	vld [tilespmem:s12+$0xFFFFFFD0]  }
0x211: {  	v4 =	vld [tilespmem:s12+$0xFFFFFFE0]  }
0x212: {  	v3 =	vld [tilespmem:s12+$0xFFFFFFF0]  }
0x213: {  	v2 =	vld [tilespmem:s12+$0x0]  }
0x214: {  	v1 =	vld [tilespmem:s12+$0x10]  }
0x215: {  	v0 =	vld [tilespmem:s12+$0x20]  }
0x216: {  	s13 =	simm.s32 $0x1B740;
	v19 =	vld [tilespmem:s12+$0xFFFFFFC0]  }
0x217: {  	v9 =	vld [tilespmem:s13+$0x30]  }
0x218: {  	v22 =	vld [tilespmem:s13+$0xFFFFFFC0]  }
0x219: {  	v24 =	vld [tilespmem:s13+$0xFFFFFFD0]  }
0x21a: {  	v21 =	vld [tilespmem:s13+$0xFFFFFFE0]  }
0x21b: {  	v20 =	vld [tilespmem:s13+$0xFFFFFFF0]  }
0x21c: {  	v18 =	vld [tilespmem:s13+$0x0]  }
0x21d: {  	v7 =	vld.idx.msk [tilespmem:v6+s0+$0x0], $0xffff  }
0x21e: {  	v23 =	vld.idx.msk [tilespmem:v5+s0+$0x0], $0xffff  }
0x21f: {  	v16 =	vld.idx.msk [tilespmem:v4+s0+$0x0], $0xffff  }
0x220: {  	v17 =	vld.idx.msk [tilespmem:v19+s0+$0x0], $0xffff  }
0x221: {  	v15 =	vld.idx.msk [tilespmem:v3+s0+$0x0], $0xffff  }
0x222: {  	v14 =	vadd.s32 $0x100000, v5;
	v13 =	vld.idx.msk [tilespmem:v2+s0+$0x0], $0xffff  }
0x223: {  	v12 =	vadd.s32 $0x100000, v4;
	v11 =	vadd.s32 $0x100000, v3;
	v25 =	vadd.s32 $0x100000, v19;
	v8 =	vld.idx.msk [tilespmem:v1+s0+$0x0], $0xffff  }
0x224: {  	v10 =	vld.idx.msk [tilespmem:v0+s0+$0x0], $0xffff;
	vm0 =	vlt.s32 v9, v7;
	v9 =	vadd.s32 $0x100000, v6;
	v7 =	vadd.s32 $0x100000, v2  }
0x225: {  	v9 =	vsel vm0, v9, v6;
	v6 =	vadd.s32 $0x100000, v1;
	vm0 =	vlt.s32 v22, v17;
	v17 =	vld [tilespmem:s13+$0x10]  }
0x226: {  	s15 =	simm.s32 $0x0;
	s16 =	simm.s32 $0x197C0;
	[tilespmem:s12+$0x30] =	vst v9;
	v9 =	vadd.s32 $0x100000, v0;
	v22 =	vsel vm0, v25, v19;
	vm0 =	vlt.s32 v24, v23;
	v19 =	vld [tilespmem:s13+$0x20]  }
.LBB2_16:
0x227: {  	v23 =	vld [tilespmem:s16+$0x30];
	s15 =	sadd.s32 $0x80, s15;
	[tilespmem:s12+$0xFFFFFFC0] =	vst v22;
	v14 =	vsel vm0, v14, v5;
	vm0 =	vlt.s32 v21, v16  }
0x228: {  	v5 =	vld [tilespmem:s16+$0xFFFFFFD0];
	p1 =	slt.u32 s15, $0xF80;
	[tilespmem:s12+$0xFFFFFFD0] =	vst v14;
	v12 =	vsel vm0, v12, v4;
	vm0 =	vlt.s32 v20, v15  }
0x229: {  	v4 =	vld [tilespmem:s16+$0xFFFFFFE0];
	[tilespmem:s12+$0xFFFFFFE0] =	vst v12;
	v11 =	vsel vm0, v11, v3;
	vm0 =	vlt.s32 v18, v13  }
0x22a: {  	v3 =	vld [tilespmem:s16+$0xFFFFFFF0];
	[tilespmem:s12+$0xFFFFFFF0] =	vst v11;
	v7 =	vsel vm0, v7, v2;
	vm0 =	vlt.s32 v17, v8  }
0x22b: {  	v2 =	vld [tilespmem:s16+$0x0];
	[tilespmem:s12+$0x0] =	vst v7;
	v6 =	vsel vm0, v6, v1;
	vm0 =	vlt.s32 v19, v10  }
0x22c: {  	v1 =	vld [tilespmem:s16+$0x10];
	[tilespmem:s12+$0x10] =	vst v6;
	v6 =	vsel vm0, v9, v0  }
0x22d: {  	v14 =	vadd.s32 $0x100000, v5;
	v0 =	vld [tilespmem:s16+$0x20];
	[tilespmem:s12+$0x20] =	vst v6;
	s12 =	smov.u32 s16  }
0x22e: {  	v19 =	vld [tilespmem:s16+$0xFFFFFFC0];
	v12 =	vadd.s32 $0x100000, v4  }
0x22f: {  	s13 =	sadd.s32 $0x80, s13;
	v11 =	vadd.s32 $0x100000, v3;
	v10 =	vld.idx.msk [tilespmem:v23+s0+$0x0], $0xffff  }
0x230: {  	v7 =	vadd.s32 $0x100000, v2;
	v17 =	vld [tilespmem:s13+$0x30]  }
0x231: {  	v24 =	vld.idx.msk [tilespmem:v5+s0+$0x0], $0xffff;
	v6 =	vadd.s32 $0x100000, v1  }
0x232: {  	v16 =	vld.idx.msk [tilespmem:v4+s0+$0x0], $0xffff;
	v9 =	vadd.s32 $0x100000, v0  }
0x233: {  	v22 =	vadd.s32 $0x100000, v19;
	v15 =	vld.idx.msk [tilespmem:v3+s0+$0x0], $0xffff  }
0x234: {  	v13 =	vld.idx.msk [tilespmem:v2+s0+$0x0], $0xffff  }
0x235: {  	v8 =	vld.idx.msk [tilespmem:v1+s0+$0x0], $0xffff;
	vm0 =	vlt.s32 v17, v10;
	v10 =	vadd.s32 $0x100000, v23  }
0x236: {  	v17 =	vld.idx.msk [tilespmem:v19+s0+$0x0], $0xffff;
	v18 =	vsel vm0, v10, v23  }
0x237: {  	v10 =	vld.idx.msk [tilespmem:v0+s0+$0x0], $0xffff;
	[tilespmem:s16+$0x30] =	vst v18  }
0x238: {  	v23 =	vld [tilespmem:s13+$0xFFFFFFC0]  }
0x239: {  	v25 =	vld [tilespmem:s13+$0xFFFFFFD0]  }
.Ltmp7:
0x23a: {  	v21 =	vld [tilespmem:s13+$0xFFFFFFE0];
	(pc) =	sbr.rel @p1 .LBB2_16-.Ltmp7, $4  }
0x23b: {  	v20 =	vld [tilespmem:s13+$0xFFFFFFF0]  }
0x23c: {  	v18 =	vld [tilespmem:s13+$0x0]  }
0x23d: {  	vm0 =	vlt.s32 v23, v17;
	v17 =	vld [tilespmem:s13+$0x10]  }
0x23e: {  	s16 =	sadd.s32 $0x80, s16;
	v22 =	vsel vm0, v22, v19;
	vm0 =	vlt.s32 v25, v24;
	v19 =	vld [tilespmem:s13+$0x20]  }
0x23f: {  	[tilespmem:s12+$0xFFFFFFC0] =	vst v22;
	v5 =	vsel vm0, v14, v5;
	vm0 =	vlt.s32 v21, v16  }
0x240: {  	[tilespmem:s12+$0xFFFFFFD0] =	vst v5;
	v4 =	vsel vm0, v12, v4;
	vm0 =	vlt.s32 v20, v15  }
0x241: {  	[tilespmem:s12+$0xFFFFFFE0] =	vst v4;
	v3 =	vsel vm0, v11, v3;
	vm0 =	vlt.s32 v18, v13  }
0x242: {  	[tilespmem:s12+$0xFFFFFFF0] =	vst v3;
	v2 =	vsel vm0, v7, v2;
	vm0 =	vlt.s32 v17, v8  }
0x243: {  	[tilespmem:s12+$0x0] =	vst v2;
	v1 =	vsel vm0, v6, v1;
	vm0 =	vlt.s32 v19, v10  }
0x244: {  	[tilespmem:s12+$0x10] =	vst v1;
	v0 =	vsel vm0, v9, v0  }
0x245: {  	[tilespmem:s12+$0x20] =	vst v0  }
0x246: {  	[hbm4b:s29+s0] =	stream.linear.scatter [tilespmem:s28], [sflag:$0x6], $0x1000, $0x38;
	[tilespmem:$0x1F7E0] =	vst v63  }
0x247: {  	s20 =	rddreg [dreg:$0x4]  }
0x248: {  	[tilespmem:s0], [sflag:$0x7] =	stream.linear.gather [spmem:s20], $0x18700, $0x38;
	[tilespmem:$0x1F7E0] =	vst v63  }
0x249: {  	_ =	swait.ge [sflag:s22], $0x18700  }
0x24a: {  	[sflag:s22] =	ssyncset.done $0x0  }
0x24b: {  	[sflag:s22] =	ssyncadd.s32 $0xFFFE7900  }
0x24c: {  	_ =	swait.ge [sflag:s9], $0x1000  }
0x24d: {  	[sflag:s9] =	ssyncset.done $0x0  }
0x24e: {  	[sflag:s9] =	ssyncadd.s32 $0xFFFFF000  }
0x24f: {  	_ =	swait.ge [sflag:s4], $0x1000  }
0x250: {  	[sflag:s4] =	ssyncset.done $0x0  }
0x251: {  	[sflag:s4] =	ssyncadd.s32 $0xFFFFF000  }
0x252: {  	[tilespmem:s24], [sflag:$0x1] =	stream.linear.gather [hbm4b:s5+s0], $0x1000, $0x38;
	[tilespmem:$0x1F7E0] =	vst v63  }
0x253: {  	_ = 	snop  }
0x254: {  	[tilespmem:s28], [sflag:$0x2] =	stream.linear.gather [hbm4b:s8+s0], $0x1000, $0x38;
	[tilespmem:$0x1F7E0] =	vst v63  }
0x255: {  	_ =	swait.ge [sflag:s2], $0x1000  }
0x256: {  	[sflag:s2] =	ssyncset.done $0x0  }
0x257: {  	s12 =	simm.s32 $0x18740;
	[sflag:s2] =	ssyncadd.s32 $0xFFFFF000  }
0x258: {  	v3 =	vld [tilespmem:s12+$0x30]  }
0x259: {  	v0 =	vld [tilespmem:s12+$0xFFFFFFD0]  }
0x25a: {  	v1 =	vld [tilespmem:s12+$0xFFFFFFE0]  }
0x25b: {  	v2 =	vld [tilespmem:s12+$0xFFFFFFF0]  }
0x25c: {  	v8 =	vld [tilespmem:s12+$0x20]  }
0x25d: {  	v6 =	vld [tilespmem:s12+$0x10];
	_ =	sdelay $0x1  }
0x25e: {  	vm0 =	vlt.s32 v3, $0x1869F;
	vm1 =	vlt.s32 v0, $0x1869F;
	v13 =	vadd.s32 $0xFFF00000, v0  }
0x25f: {  	v4 =	vld [tilespmem:s12+$0x0];
	vm2 =	vgt.s32 v1, $0xFFFFF;
	v14 =	vadd.s32 $0xFFF00000, v1;
	vm3 =	vgt.s32 v2, $0xFFFFF  }
0x260: {  	s13 =	simm.s32 $0x187C0;
	v10 =	vld [tilespmem:s12+$0xFFFFFFC0];
	v15 =	vadd.s32 $0xFFF00000, v2;
	vm6 =	vgt.s32 v8, $0xFFFFF;
	v5 =	vnsel vm0, $0x1869F, v3  }
0x261: {  	v19 =	vld [tilespmem:s13+$0x0];
	v7 =	vnsel vm1, $0x1869F, v0;
	vm0 =	vlt.s32 v1, $0x1869F;
	vm1 =	vlt.s32 v6, $0x1869F  }
0x262: {  	v24 =	vld [tilespmem:s13+$0x20];
	v9 =	vnsel vm0, $0x1869F, v1;
	vm0 =	vlt.s32 v2, $0x1869F;
	v16 =	vnsel vm1, $0x1869F, v6  }
0x263: {  	vm1 =	vlt.s32 v8, $0x1869F;
	v1 =	vadd.s32 $0xFFF00000, v6;
	v11 =	vnsel vm0, $0x1869F, v2;
	v2 =	vld [tilespmem:s13+$0x30]  }
0x264: {  	vm0 =	vlt.s32 v4, $0x1869F;
	v17 =	vnsel vm1, $0x1869F, v8;
	vm1 =	vgt.s32 v6, $0xFFFFF;
	v6 =	vld [tilespmem:s13+$0xFFFFFFD0]  }
0x265: {  	v12 =	vnsel vm0, $0x1869F, v4;
	vm0 =	vgt.s32 v0, $0xFFFFF;
	v0 =	vadd.s32 $0xFFF00000, v8;
	v8 =	vld [tilespmem:s13+$0xFFFFFFE0]  }
0x266: {  	v5 =	vld.idx.msk [tilespmem:v5+s0+$0x0], $0xffff  }
0x267: {  	vm4 =	vlt.s32 v10, $0x1869F;
	v7 =	vld.idx.msk [tilespmem:v7+s0+$0x0], $0xffff  }
0x268: {  	v18 =	vnsel vm4, $0x1869F, v10;
	v9 =	vld.idx.msk [tilespmem:v9+s0+$0x0], $0xffff  }
0x269: {  	vm5 =	vgt.s32 v10, $0xFFFFF;
	v20 =	vadd.s32 $0xFFF00000, v10;
	vm7 =	vgt.s32 v3, $0xFFFFF;
	v11 =	vld.idx.msk [tilespmem:v11+s0+$0x0], $0xffff  }
0x26a: {  	vm9 =	vgt.s32 v24, $0xFFFFF;
	vm4 =	vgt.s32 v4, $0xFFFFF;
	v3 =	vadd.s32 $0xFFF00000, v3;
	v12 =	vld.idx.msk [tilespmem:v12+s0+$0x0], $0xffff  }
0x26b: {  	v22 =	vld [tilespmem:s13+$0x10];
	v4 =	vadd.s32 $0xFFF00000, v4;
	vm1 =	vmmov vm1;
	v3 =	vsel vm7, v3, v5  }
0x26c: {  	vm7 =	vmmov vm5;
	v5 =	vsel vm0, v13, v7;
	v13 =	vld [tilespmem:s13+$0xFFFFFFF0];
	vm0 =	vmmov vm6  }
0x26d: {  	v26 =	vld.idx.msk [tilespmem:v18+s0+$0x0], $0xffff;
	v7 =	vadd.s32 $0xFFF00000, v8;
	vm5 =	vlt.s32 v19, $0x1869F;
	v9 =	vsel vm2, v14, v9  }
0x26e: {  	v27 =	vnsel vm5, $0x1869F, v19;
	v21 =	vsel vm3, v15, v11;
	vm3 =	vlt.s32 v2, $0x1869F  }
0x26f: {  	v23 =	vsel vm4, v4, v12;
	vm4 =	vlt.s32 v6, $0x1869F;
	v12 =	vnsel vm3, $0x1869F, v2  }
0x270: {  	vm2 =	vgt.s32 v6, $0xFFFFF;
	v14 =	vld [tilespmem:s13+$0xFFFFFFC0];
	v15 =	vnsel vm4, $0x1869F, v6;
	vm4 =	vlt.s32 v8, $0x1869F  }
0x271: {  	v10 =	vld.idx.msk [tilespmem:v17+s0+$0x0], $0xffff;
	vm5 =	vlt.s32 v22, $0x1869F;
	v25 =	vnsel vm4, $0x1869F, v8;
	vm4 =	vlt.s32 v13, $0x1869F  }
0x272: {  	v20 =	vsel vm7, v20, v26;
	v11 =	vld.idx.msk [tilespmem:v16+s0+$0x0], $0xffff;
	vm3 =	vgt.s32 v8, $0xFFFFF;
	v18 =	vnsel vm4, $0x1869F, v13  }
0x273: {  	[tilespmem:s12+$0x30] =	vst v3;
	v4 =	vnsel vm5, $0x1869F, v22;
	vm5 =	vlt.s32 v24, $0x1869F;
	v6 =	vadd.s32 $0xFFF00000, v6;
	v17 =	vld.idx.msk [tilespmem:v27+s0+$0x0], $0xffff  }
0x274: {  	[tilespmem:s12+$0xFFFFFFD0] =	vst v5;
	v5 =	vnsel vm5, $0x1869F, v24;
	vm5 =	vgt.s32 v19, $0xFFFFF;
	v8 =	vadd.s32 $0xFFF00000, v13;
	v16 =	vld.idx.msk [tilespmem:v12+s0+$0x0], $0xffff  }
0x275: {  	[tilespmem:s12+$0xFFFFFFE0] =	vst v9;
	vm4 =	vgt.s32 v13, $0xFFFFF;
	vm6 =	vgt.s32 v14, $0xFFFFF;
	vm8 =	vlt.s32 v14, $0x1869F;
	v15 =	vld.idx.msk [tilespmem:v15+s0+$0x0], $0xffff  }
0x276: {  	[tilespmem:s12+$0xFFFFFFF0] =	vst v21;
	v3 =	vadd.s32 $0xFFF00000, v14;
	v9 =	vnsel vm8, $0x1869F, v14;
	vm8 =	vgt.s32 v22, $0xFFFFF;
	v14 =	vld.idx.msk [tilespmem:v25+s0+$0x0], $0xffff  }
0x277: {  	s15 =	simm.s32 $0x80;
	s16 =	simm.s32 $0x18840;
	[tilespmem:s12+$0x0] =	vst v23;
	v12 =	vadd.s32 $0xFFF00000, v19;
	v19 =	vadd.s32 $0xFFF00000, v24;
	v13 =	vld.idx.msk [tilespmem:v18+s0+$0x0], $0xffff;
	v18 =	vadd.s32 $0xFFF00000, v22  }
.LBB2_18:
0x278: {  	s15 =	sadd.s32 $0x80, s15;
	vm7 =	vgt.s32 v2, $0xFFFFF;
	v21 =	vadd.s32 $0xFFF00000, v2;
	v2 =	vld [tilespmem:s16+$0x30];
	[tilespmem:s12+$0xFFFFFFC0] =	vst v20;
	v11 =	vsel vm1, v1, v11;
	v1 =	vmovc v18  }
0x279: {  	v10 =	vsel vm0, v0, v10;
	v0 =	vmovc v19;
	v18 =	vld [tilespmem:s16+$0xFFFFFFD0];
	p1 =	slt.u32 s15, $0xF80;
	v16 =	vsel vm7, v21, v16;
	[tilespmem:s12+$0x10] =	vst v11;
	vm7 =	vmmov vm6  }
0x27a: {  	vm1 =	vmmov vm8;
	vm0 =	vmmov vm9;
	v6 =	vsel vm2, v6, v15;
	v11 =	vld [tilespmem:s16+$0xFFFFFFE0];
	[tilespmem:s13+$0x30] =	vst v16  }
0x27b: {  	v15 =	vld [tilespmem:s16+$0xFFFFFFF0];
	[tilespmem:s13+$0xFFFFFFD0] =	vst v6;
	v6 =	vsel vm3, v7, v14  }
0x27c: {  	v19 =	vld [tilespmem:s16+$0x0];
	[tilespmem:s13+$0xFFFFFFE0] =	vst v6;
	v6 =	vsel vm4, v8, v13  }
0x27d: {  	v20 =	vld [tilespmem:s16+$0x10];
	vm3 =	vlt.s32 v2, $0x1869F;
	[tilespmem:s13+$0xFFFFFFF0] =	vst v6;
	v6 =	vsel vm5, v12, v17  }
0x27e: {  	vm2 =	vgt.s32 v18, $0xFFFFF;
	vm4 =	vlt.s32 v18, $0x1869F;
	v21 =	vld [tilespmem:s16+$0x20];
	v12 =	vnsel vm3, $0x1869F, v2;
	[tilespmem:s13+$0x0] =	vst v6  }
0x27f: {  	v6 =	vadd.s32 $0xFFF00000, v18;
	v13 =	vld [tilespmem:s16+$0xFFFFFFC0];
	v14 =	vnsel vm4, $0x1869F, v18;
	vm4 =	vlt.s32 v11, $0x1869F;
	[tilespmem:s12+$0x20] =	vst v10;
	s12 =	smov.u32 s13;
	s13 =	smov.u32 s16  }
0x280: {  	vm3 =	vgt.s32 v11, $0xFFFFF;
	v17 =	vnsel vm4, $0x1869F, v11;
	vm4 =	vlt.s32 v15, $0x1869F;
	v22 =	vld.idx.msk [tilespmem:v9+s0+$0x0], $0xffff  }
0x281: {  	v7 =	vadd.s32 $0xFFF00000, v11;
	v18 =	vnsel vm4, $0x1869F, v15;
	vm5 =	vlt.s32 v19, $0x1869F;
	v11 =	vld.idx.msk [tilespmem:v4+s0+$0x0], $0xffff  }
0x282: {  	vm4 =	vgt.s32 v15, $0xFFFFF;
	v23 =	vnsel vm5, $0x1869F, v19;
	vm5 =	vlt.s32 v20, $0x1869F;
	v10 =	vld.idx.msk [tilespmem:v5+s0+$0x0], $0xffff  }
.Ltmp8:
0x283: {  	v8 =	vadd.s32 $0xFFF00000, v15;
	v4 =	vnsel vm5, $0x1869F, v20;
	vm5 =	vlt.s32 v21, $0x1869F;
	v16 =	vld.idx.msk [tilespmem:v12+s0+$0x0], $0xffff;
	(pc) =	sbr.rel @p1 .LBB2_18-.Ltmp8, $4  }
0x284: {  	vm6 =	vgt.s32 v13, $0xFFFFF;
	vm8 =	vlt.s32 v13, $0x1869F;
	v15 =	vld.idx.msk [tilespmem:v14+s0+$0x0], $0xffff;
	v5 =	vnsel vm5, $0x1869F, v21  }
0x285: {  	v24 =	vadd.s32 $0xFFF00000, v13;
	vm5 =	vgt.s32 v19, $0xFFFFF;
	v9 =	vnsel vm8, $0x1869F, v13;
	v14 =	vld.idx.msk [tilespmem:v17+s0+$0x0], $0xffff  }
0x286: {  	v12 =	vadd.s32 $0xFFF00000, v19;
	vm8 =	vgt.s32 v20, $0xFFFFF;
	v13 =	vld.idx.msk [tilespmem:v18+s0+$0x0], $0xffff;
	v18 =	vadd.s32 $0xFFF00000, v20  }
0x287: {  	s16 =	sadd.s32 $0x80, s16;
	vm9 =	vgt.s32 v21, $0xFFFFF;
	v19 =	vadd.s32 $0xFFF00000, v21;
	v20 =	vsel vm7, v3, v22;
	v3 =	vmovc v24;
	v17 =	vld.idx.msk [tilespmem:v23+s0+$0x0], $0xffff  }
0x288: {  	_ =	sdelay $0x1  }
0x289: {  	vm7 =	vgt.s32 v2, $0xFFFFF;
	v2 =	vadd.s32 $0xFFF00000, v2;
	[tilespmem:s12+$0xFFFFFFC0] =	vst v20;
	v1 =	vsel vm1, v1, v11  }
0x28a: {  	v2 =	vsel vm7, v2, v16;
	[tilespmem:s12+$0x10] =	vst v1  }
0x28b: {  	v0 =	vsel vm0, v0, v10;
	[tilespmem:s13+$0x30] =	vst v2;
	v2 =	vld.idx.msk [tilespmem:v9+s0+$0x0], $0xffff  }
0x28c: {  	v4 =	vld.idx.msk [tilespmem:v4+s0+$0x0], $0xffff;
	v1 =	vsel vm2, v6, v15;
	[tilespmem:s12+$0x20] =	vst v0  }
0x28d: {  	v5 =	vld.idx.msk [tilespmem:v5+s0+$0x0], $0xffff;
	[tilespmem:s13+$0xFFFFFFD0] =	vst v1;
	v1 =	vsel vm3, v7, v14  }
0x28e: {  	[tilespmem:s13+$0xFFFFFFE0] =	vst v1;
	v1 =	vsel vm4, v8, v13  }
0x28f: {  	vm0 =	vmmov vm6;
	[tilespmem:s13+$0xFFFFFFF0] =	vst v1;
	v1 =	vsel vm5, v12, v17  }
0x290: {  	vm1 =	vmmov vm8;
	[tilespmem:s13+$0x0] =	vst v1;
	v0 =	vsel vm0, v3, v2  }
0x291: {  	vm0 =	vmmov vm9;
	[tilespmem:s13+$0xFFFFFFC0] =	vst v0;
	v0 =	vsel vm1, v18, v4  }
0x292: {  	[tilespmem:s13+$0x10] =	vst v0;
	v0 =	vsel vm0, v19, v5  }
0x293: {  	[tilespmem:s13+$0x20] =	vst v0  }
0x294: {  	[hbm4b:s5+s0] =	stream.linear.scatter [tilespmem:s24], [sflag:$0x5], $0x1000, $0x38;
	[tilespmem:$0x1F7E0] =	vst v63  }
0x295: {  	_ =	swait.ge [sflag:s4], $0x1000  }
0x296: {  	[sflag:s4] =	ssyncset.done $0x0  }
0x297: {  	[sflag:s4] =	ssyncadd.s32 $0xFFFFF000  }
0x298: {  	[tilespmem:s24], [sflag:$0x1] =	stream.linear.gather [hbm4b:s11+s0], $0x1000, $0x38;
	[tilespmem:$0x1F7E0] =	vst v63  }
0x299: {  	_ =	swait.ge [sflag:s6], $0x1000  }
0x29a: {  	[sflag:s6] =	ssyncset.done $0x0  }
0x29b: {  	s12 =	simm.s32 $0x19740;
	[sflag:s6] =	ssyncadd.s32 $0xFFFFF000  }
0x29c: {  	v3 =	vld [tilespmem:s12+$0x30]  }
0x29d: {  	v0 =	vld [tilespmem:s12+$0xFFFFFFD0]  }
0x29e: {  	v1 =	vld [tilespmem:s12+$0xFFFFFFE0]  }
0x29f: {  	v2 =	vld [tilespmem:s12+$0xFFFFFFF0]  }
0x2a0: {  	v8 =	vld [tilespmem:s12+$0x20]  }
0x2a1: {  	v6 =	vld [tilespmem:s12+$0x10];
	_ =	sdelay $0x1  }
0x2a2: {  	vm0 =	vlt.s32 v3, $0x1869F;
	vm1 =	vlt.s32 v0, $0x1869F;
	v13 =	vadd.s32 $0xFFF00000, v0  }
0x2a3: {  	v4 =	vld [tilespmem:s12+$0x0];
	vm2 =	vgt.s32 v1, $0xFFFFF;
	v14 =	vadd.s32 $0xFFF00000, v1;
	vm3 =	vgt.s32 v2, $0xFFFFF  }
0x2a4: {  	s13 =	simm.s32 $0x197C0;
	v10 =	vld [tilespmem:s12+$0xFFFFFFC0];
	v15 =	vadd.s32 $0xFFF00000, v2;
	vm6 =	vgt.s32 v8, $0xFFFFF;
	v5 =	vnsel vm0, $0x1869F, v3  }
0x2a5: {  	v19 =	vld [tilespmem:s13+$0x0];
	v7 =	vnsel vm1, $0x1869F, v0;
	vm0 =	vlt.s32 v1, $0x1869F;
	vm1 =	vlt.s32 v6, $0x1869F  }
0x2a6: {  	v24 =	vld [tilespmem:s13+$0x20];
	v9 =	vnsel vm0, $0x1869F, v1;
	vm0 =	vlt.s32 v2, $0x1869F;
	v16 =	vnsel vm1, $0x1869F, v6  }
0x2a7: {  	vm1 =	vlt.s32 v8, $0x1869F;
	v1 =	vadd.s32 $0xFFF00000, v6;
	v11 =	vnsel vm0, $0x1869F, v2;
	v2 =	vld [tilespmem:s13+$0x30]  }
0x2a8: {  	vm0 =	vlt.s32 v4, $0x1869F;
	v17 =	vnsel vm1, $0x1869F, v8;
	vm1 =	vgt.s32 v6, $0xFFFFF;
	v6 =	vld [tilespmem:s13+$0xFFFFFFD0]  }
0x2a9: {  	v12 =	vnsel vm0, $0x1869F, v4;
	vm0 =	vgt.s32 v0, $0xFFFFF;
	v0 =	vadd.s32 $0xFFF00000, v8;
	v8 =	vld [tilespmem:s13+$0xFFFFFFE0]  }
0x2aa: {  	v5 =	vld.idx.msk [tilespmem:v5+s0+$0x0], $0xffff  }
0x2ab: {  	vm4 =	vlt.s32 v10, $0x1869F;
	v7 =	vld.idx.msk [tilespmem:v7+s0+$0x0], $0xffff  }
0x2ac: {  	v18 =	vnsel vm4, $0x1869F, v10;
	v9 =	vld.idx.msk [tilespmem:v9+s0+$0x0], $0xffff  }
0x2ad: {  	vm5 =	vgt.s32 v10, $0xFFFFF;
	v20 =	vadd.s32 $0xFFF00000, v10;
	vm7 =	vgt.s32 v3, $0xFFFFF;
	v11 =	vld.idx.msk [tilespmem:v11+s0+$0x0], $0xffff  }
0x2ae: {  	vm9 =	vgt.s32 v24, $0xFFFFF;
	vm4 =	vgt.s32 v4, $0xFFFFF;
	v3 =	vadd.s32 $0xFFF00000, v3;
	v12 =	vld.idx.msk [tilespmem:v12+s0+$0x0], $0xffff  }
0x2af: {  	v22 =	vld [tilespmem:s13+$0x10];
	v4 =	vadd.s32 $0xFFF00000, v4;
	vm1 =	vmmov vm1;
	v3 =	vsel vm7, v3, v5  }
0x2b0: {  	vm7 =	vmmov vm5;
	v5 =	vsel vm0, v13, v7;
	v13 =	vld [tilespmem:s13+$0xFFFFFFF0];
	vm0 =	vmmov vm6  }
0x2b1: {  	v26 =	vld.idx.msk [tilespmem:v18+s0+$0x0], $0xffff;
	v7 =	vadd.s32 $0xFFF00000, v8;
	vm5 =	vlt.s32 v19, $0x1869F;
	v9 =	vsel vm2, v14, v9  }
0x2b2: {  	v27 =	vnsel vm5, $0x1869F, v19;
	v21 =	vsel vm3, v15, v11;
	vm3 =	vlt.s32 v2, $0x1869F  }
0x2b3: {  	v23 =	vsel vm4, v4, v12;
	vm4 =	vlt.s32 v6, $0x1869F;
	v12 =	vnsel vm3, $0x1869F, v2  }
0x2b4: {  	vm2 =	vgt.s32 v6, $0xFFFFF;
	v14 =	vld [tilespmem:s13+$0xFFFFFFC0];
	v15 =	vnsel vm4, $0x1869F, v6;
	vm4 =	vlt.s32 v8, $0x1869F  }
0x2b5: {  	v10 =	vld.idx.msk [tilespmem:v17+s0+$0x0], $0xffff;
	vm5 =	vlt.s32 v22, $0x1869F;
	v25 =	vnsel vm4, $0x1869F, v8;
	vm4 =	vlt.s32 v13, $0x1869F  }
0x2b6: {  	v20 =	vsel vm7, v20, v26;
	v11 =	vld.idx.msk [tilespmem:v16+s0+$0x0], $0xffff;
	vm3 =	vgt.s32 v8, $0xFFFFF;
	v18 =	vnsel vm4, $0x1869F, v13  }
0x2b7: {  	[tilespmem:s12+$0x30] =	vst v3;
	v4 =	vnsel vm5, $0x1869F, v22;
	vm5 =	vlt.s32 v24, $0x1869F;
	v6 =	vadd.s32 $0xFFF00000, v6;
	v17 =	vld.idx.msk [tilespmem:v27+s0+$0x0], $0xffff  }
0x2b8: {  	[tilespmem:s12+$0xFFFFFFD0] =	vst v5;
	v5 =	vnsel vm5, $0x1869F, v24;
	vm5 =	vgt.s32 v19, $0xFFFFF;
	v8 =	vadd.s32 $0xFFF00000, v13;
	v16 =	vld.idx.msk [tilespmem:v12+s0+$0x0], $0xffff  }
0x2b9: {  	[tilespmem:s12+$0xFFFFFFE0] =	vst v9;
	vm4 =	vgt.s32 v13, $0xFFFFF;
	vm6 =	vgt.s32 v14, $0xFFFFF;
	vm8 =	vlt.s32 v14, $0x1869F;
	v15 =	vld.idx.msk [tilespmem:v15+s0+$0x0], $0xffff  }
0x2ba: {  	[tilespmem:s12+$0xFFFFFFF0] =	vst v21;
	v3 =	vadd.s32 $0xFFF00000, v14;
	v9 =	vnsel vm8, $0x1869F, v14;
	vm8 =	vgt.s32 v22, $0xFFFFF;
	v14 =	vld.idx.msk [tilespmem:v25+s0+$0x0], $0xffff  }
0x2bb: {  	s15 =	simm.s32 $0x80;
	s16 =	simm.s32 $0x19840;
	[tilespmem:s12+$0x0] =	vst v23;
	v12 =	vadd.s32 $0xFFF00000, v19;
	v19 =	vadd.s32 $0xFFF00000, v24;
	v13 =	vld.idx.msk [tilespmem:v18+s0+$0x0], $0xffff;
	v18 =	vadd.s32 $0xFFF00000, v22  }
.LBB2_20:
0x2bc: {  	s15 =	sadd.s32 $0x80, s15;
	vm7 =	vgt.s32 v2, $0xFFFFF;
	v21 =	vadd.s32 $0xFFF00000, v2;
	v2 =	vld [tilespmem:s16+$0x30];
	[tilespmem:s12+$0xFFFFFFC0] =	vst v20;
	v11 =	vsel vm1, v1, v11;
	v1 =	vmovc v18  }
0x2bd: {  	v10 =	vsel vm0, v0, v10;
	v0 =	vmovc v19;
	v18 =	vld [tilespmem:s16+$0xFFFFFFD0];
	p1 =	slt.u32 s15, $0xF80;
	v16 =	vsel vm7, v21, v16;
	[tilespmem:s12+$0x10] =	vst v11;
	vm7 =	vmmov vm6  }
0x2be: {  	vm1 =	vmmov vm8;
	vm0 =	vmmov vm9;
	v6 =	vsel vm2, v6, v15;
	v11 =	vld [tilespmem:s16+$0xFFFFFFE0];
	[tilespmem:s13+$0x30] =	vst v16  }
0x2bf: {  	v15 =	vld [tilespmem:s16+$0xFFFFFFF0];
	[tilespmem:s13+$0xFFFFFFD0] =	vst v6;
	v6 =	vsel vm3, v7, v14  }
0x2c0: {  	v19 =	vld [tilespmem:s16+$0x0];
	[tilespmem:s13+$0xFFFFFFE0] =	vst v6;
	v6 =	vsel vm4, v8, v13  }
0x2c1: {  	v20 =	vld [tilespmem:s16+$0x10];
	vm3 =	vlt.s32 v2, $0x1869F;
	[tilespmem:s13+$0xFFFFFFF0] =	vst v6;
	v6 =	vsel vm5, v12, v17  }
0x2c2: {  	vm2 =	vgt.s32 v18, $0xFFFFF;
	vm4 =	vlt.s32 v18, $0x1869F;
	v21 =	vld [tilespmem:s16+$0x20];
	v12 =	vnsel vm3, $0x1869F, v2;
	[tilespmem:s13+$0x0] =	vst v6  }
0x2c3: {  	v6 =	vadd.s32 $0xFFF00000, v18;
	v13 =	vld [tilespmem:s16+$0xFFFFFFC0];
	v14 =	vnsel vm4, $0x1869F, v18;
	vm4 =	vlt.s32 v11, $0x1869F;
	[tilespmem:s12+$0x20] =	vst v10;
	s12 =	smov.u32 s13;
	s13 =	smov.u32 s16  }
0x2c4: {  	vm3 =	vgt.s32 v11, $0xFFFFF;
	v17 =	vnsel vm4, $0x1869F, v11;
	vm4 =	vlt.s32 v15, $0x1869F;
	v22 =	vld.idx.msk [tilespmem:v9+s0+$0x0], $0xffff  }
0x2c5: {  	v7 =	vadd.s32 $0xFFF00000, v11;
	v18 =	vnsel vm4, $0x1869F, v15;
	vm5 =	vlt.s32 v19, $0x1869F;
	v11 =	vld.idx.msk [tilespmem:v4+s0+$0x0], $0xffff  }
0x2c6: {  	vm4 =	vgt.s32 v15, $0xFFFFF;
	v23 =	vnsel vm5, $0x1869F, v19;
	vm5 =	vlt.s32 v20, $0x1869F;
	v10 =	vld.idx.msk [tilespmem:v5+s0+$0x0], $0xffff  }
.Ltmp9:
0x2c7: {  	v8 =	vadd.s32 $0xFFF00000, v15;
	v4 =	vnsel vm5, $0x1869F, v20;
	vm5 =	vlt.s32 v21, $0x1869F;
	v16 =	vld.idx.msk [tilespmem:v12+s0+$0x0], $0xffff;
	(pc) =	sbr.rel @p1 .LBB2_20-.Ltmp9, $4  }
0x2c8: {  	vm6 =	vgt.s32 v13, $0xFFFFF;
	vm8 =	vlt.s32 v13, $0x1869F;
	v15 =	vld.idx.msk [tilespmem:v14+s0+$0x0], $0xffff;
	v5 =	vnsel vm5, $0x1869F, v21  }
0x2c9: {  	v24 =	vadd.s32 $0xFFF00000, v13;
	vm5 =	vgt.s32 v19, $0xFFFFF;
	v9 =	vnsel vm8, $0x1869F, v13;
	v14 =	vld.idx.msk [tilespmem:v17+s0+$0x0], $0xffff  }
0x2ca: {  	v12 =	vadd.s32 $0xFFF00000, v19;
	vm8 =	vgt.s32 v20, $0xFFFFF;
	v13 =	vld.idx.msk [tilespmem:v18+s0+$0x0], $0xffff;
	v18 =	vadd.s32 $0xFFF00000, v20  }
0x2cb: {  	s16 =	sadd.s32 $0x80, s16;
	vm9 =	vgt.s32 v21, $0xFFFFF;
	v19 =	vadd.s32 $0xFFF00000, v21;
	v20 =	vsel vm7, v3, v22;
	v3 =	vmovc v24;
	v17 =	vld.idx.msk [tilespmem:v23+s0+$0x0], $0xffff  }
0x2cc: {  	_ =	sdelay $0x1  }
0x2cd: {  	vm7 =	vgt.s32 v2, $0xFFFFF;
	v2 =	vadd.s32 $0xFFF00000, v2;
	[tilespmem:s12+$0xFFFFFFC0] =	vst v20;
	v1 =	vsel vm1, v1, v11  }
0x2ce: {  	v2 =	vsel vm7, v2, v16;
	[tilespmem:s12+$0x10] =	vst v1  }
0x2cf: {  	v0 =	vsel vm0, v0, v10;
	[tilespmem:s13+$0x30] =	vst v2;
	v2 =	vld.idx.msk [tilespmem:v9+s0+$0x0], $0xffff  }
0x2d0: {  	v4 =	vld.idx.msk [tilespmem:v4+s0+$0x0], $0xffff;
	v1 =	vsel vm2, v6, v15;
	[tilespmem:s12+$0x20] =	vst v0  }
0x2d1: {  	v5 =	vld.idx.msk [tilespmem:v5+s0+$0x0], $0xffff;
	[tilespmem:s13+$0xFFFFFFD0] =	vst v1;
	v1 =	vsel vm3, v7, v14  }
0x2d2: {  	[tilespmem:s13+$0xFFFFFFE0] =	vst v1;
	v1 =	vsel vm4, v8, v13  }
0x2d3: {  	vm0 =	vmmov vm6;
	[tilespmem:s13+$0xFFFFFFF0] =	vst v1;
	v1 =	vsel vm5, v12, v17  }
0x2d4: {  	vm1 =	vmmov vm8;
	[tilespmem:s13+$0x0] =	vst v1;
	v0 =	vsel vm0, v3, v2  }
0x2d5: {  	vm0 =	vmmov vm9;
	[tilespmem:s13+$0xFFFFFFC0] =	vst v0;
	v0 =	vsel vm1, v18, v4  }
0x2d6: {  	[tilespmem:s13+$0x10] =	vst v0;
	v0 =	vsel vm0, v19, v5  }
0x2d7: {  	[tilespmem:s13+$0x20] =	vst v0  }
0x2d8: {  	[hbm4b:s8+s0] =	stream.linear.scatter [tilespmem:s28], [sflag:$0x6], $0x1000, $0x38;
	[tilespmem:$0x1F7E0] =	vst v63  }
0x2d9: {  	_ =	swait.ge [sflag:s9], $0x1000  }
0x2da: {  	[sflag:s9] =	ssyncset.done $0x0  }
0x2db: {  	[sflag:s9] =	ssyncadd.s32 $0xFFFFF000  }
0x2dc: {  	[tilespmem:s28], [sflag:$0x2] =	stream.linear.gather [hbm4b:s14+s0], $0x1000, $0x38;
	[tilespmem:$0x1F7E0] =	vst v63  }
0x2dd: {  	_ =	swait.ge [sflag:s2], $0x1000  }
0x2de: {  	[sflag:s2] =	ssyncset.done $0x0  }
0x2df: {  	s12 =	simm.s32 $0x18740;
	[sflag:s2] =	ssyncadd.s32 $0xFFFFF000  }
0x2e0: {  	v3 =	vld [tilespmem:s12+$0x30]  }
0x2e1: {  	v0 =	vld [tilespmem:s12+$0xFFFFFFD0]  }
0x2e2: {  	v1 =	vld [tilespmem:s12+$0xFFFFFFE0]  }
0x2e3: {  	v2 =	vld [tilespmem:s12+$0xFFFFFFF0]  }
0x2e4: {  	v8 =	vld [tilespmem:s12+$0x20]  }
0x2e5: {  	v6 =	vld [tilespmem:s12+$0x10];
	_ =	sdelay $0x1  }
0x2e6: {  	vm0 =	vlt.s32 v3, $0x1869F;
	vm1 =	vlt.s32 v0, $0x1869F;
	v13 =	vadd.s32 $0xFFF00000, v0  }
0x2e7: {  	v4 =	vld [tilespmem:s12+$0x0];
	vm2 =	vgt.s32 v1, $0xFFFFF;
	v14 =	vadd.s32 $0xFFF00000, v1;
	vm3 =	vgt.s32 v2, $0xFFFFF  }
0x2e8: {  	s13 =	simm.s32 $0x187C0;
	v10 =	vld [tilespmem:s12+$0xFFFFFFC0];
	v15 =	vadd.s32 $0xFFF00000, v2;
	vm6 =	vgt.s32 v8, $0xFFFFF;
	v5 =	vnsel vm0, $0x1869F, v3  }
0x2e9: {  	v19 =	vld [tilespmem:s13+$0x0];
	v7 =	vnsel vm1, $0x1869F, v0;
	vm0 =	vlt.s32 v1, $0x1869F;
	vm1 =	vlt.s32 v6, $0x1869F  }
0x2ea: {  	v24 =	vld [tilespmem:s13+$0x20];
	v9 =	vnsel vm0, $0x1869F, v1;
	vm0 =	vlt.s32 v2, $0x1869F;
	v16 =	vnsel vm1, $0x1869F, v6  }
0x2eb: {  	vm1 =	vlt.s32 v8, $0x1869F;
	v1 =	vadd.s32 $0xFFF00000, v6;
	v11 =	vnsel vm0, $0x1869F, v2;
	v2 =	vld [tilespmem:s13+$0x30]  }
0x2ec: {  	vm0 =	vlt.s32 v4, $0x1869F;
	v17 =	vnsel vm1, $0x1869F, v8;
	vm1 =	vgt.s32 v6, $0xFFFFF;
	v6 =	vld [tilespmem:s13+$0xFFFFFFD0]  }
0x2ed: {  	v12 =	vnsel vm0, $0x1869F, v4;
	vm0 =	vgt.s32 v0, $0xFFFFF;
	v0 =	vadd.s32 $0xFFF00000, v8;
	v8 =	vld [tilespmem:s13+$0xFFFFFFE0]  }
0x2ee: {  	v5 =	vld.idx.msk [tilespmem:v5+s0+$0x0], $0xffff  }
0x2ef: {  	vm4 =	vlt.s32 v10, $0x1869F;
	v7 =	vld.idx.msk [tilespmem:v7+s0+$0x0], $0xffff  }
0x2f0: {  	v18 =	vnsel vm4, $0x1869F, v10;
	v9 =	vld.idx.msk [tilespmem:v9+s0+$0x0], $0xffff  }
0x2f1: {  	vm5 =	vgt.s32 v10, $0xFFFFF;
	v20 =	vadd.s32 $0xFFF00000, v10;
	vm7 =	vgt.s32 v3, $0xFFFFF;
	v11 =	vld.idx.msk [tilespmem:v11+s0+$0x0], $0xffff  }
0x2f2: {  	vm9 =	vgt.s32 v24, $0xFFFFF;
	vm4 =	vgt.s32 v4, $0xFFFFF;
	v3 =	vadd.s32 $0xFFF00000, v3;
	v12 =	vld.idx.msk [tilespmem:v12+s0+$0x0], $0xffff  }
0x2f3: {  	v22 =	vld [tilespmem:s13+$0x10];
	v4 =	vadd.s32 $0xFFF00000, v4;
	vm1 =	vmmov vm1;
	v3 =	vsel vm7, v3, v5  }
0x2f4: {  	vm7 =	vmmov vm5;
	v5 =	vsel vm0, v13, v7;
	v13 =	vld [tilespmem:s13+$0xFFFFFFF0];
	vm0 =	vmmov vm6  }
0x2f5: {  	v26 =	vld.idx.msk [tilespmem:v18+s0+$0x0], $0xffff;
	v7 =	vadd.s32 $0xFFF00000, v8;
	vm5 =	vlt.s32 v19, $0x1869F;
	v9 =	vsel vm2, v14, v9  }
0x2f6: {  	v27 =	vnsel vm5, $0x1869F, v19;
	v21 =	vsel vm3, v15, v11;
	vm3 =	vlt.s32 v2, $0x1869F  }
0x2f7: {  	v23 =	vsel vm4, v4, v12;
	vm4 =	vlt.s32 v6, $0x1869F;
	v12 =	vnsel vm3, $0x1869F, v2  }
0x2f8: {  	vm2 =	vgt.s32 v6, $0xFFFFF;
	v14 =	vld [tilespmem:s13+$0xFFFFFFC0];
	v15 =	vnsel vm4, $0x1869F, v6;
	vm4 =	vlt.s32 v8, $0x1869F  }
0x2f9: {  	v10 =	vld.idx.msk [tilespmem:v17+s0+$0x0], $0xffff;
	vm5 =	vlt.s32 v22, $0x1869F;
	v25 =	vnsel vm4, $0x1869F, v8;
	vm4 =	vlt.s32 v13, $0x1869F  }
0x2fa: {  	v20 =	vsel vm7, v20, v26;
	v11 =	vld.idx.msk [tilespmem:v16+s0+$0x0], $0xffff;
	vm3 =	vgt.s32 v8, $0xFFFFF;
	v18 =	vnsel vm4, $0x1869F, v13  }
0x2fb: {  	[tilespmem:s12+$0x30] =	vst v3;
	v4 =	vnsel vm5, $0x1869F, v22;
	vm5 =	vlt.s32 v24, $0x1869F;
	v6 =	vadd.s32 $0xFFF00000, v6;
	v17 =	vld.idx.msk [tilespmem:v27+s0+$0x0], $0xffff  }
0x2fc: {  	[tilespmem:s12+$0xFFFFFFD0] =	vst v5;
	v5 =	vnsel vm5, $0x1869F, v24;
	vm5 =	vgt.s32 v19, $0xFFFFF;
	v8 =	vadd.s32 $0xFFF00000, v13;
	v16 =	vld.idx.msk [tilespmem:v12+s0+$0x0], $0xffff  }
0x2fd: {  	[tilespmem:s12+$0xFFFFFFE0] =	vst v9;
	vm4 =	vgt.s32 v13, $0xFFFFF;
	vm6 =	vgt.s32 v14, $0xFFFFF;
	vm8 =	vlt.s32 v14, $0x1869F;
	v15 =	vld.idx.msk [tilespmem:v15+s0+$0x0], $0xffff  }
0x2fe: {  	[tilespmem:s12+$0xFFFFFFF0] =	vst v21;
	v3 =	vadd.s32 $0xFFF00000, v14;
	v9 =	vnsel vm8, $0x1869F, v14;
	vm8 =	vgt.s32 v22, $0xFFFFF;
	v14 =	vld.idx.msk [tilespmem:v25+s0+$0x0], $0xffff  }
0x2ff: {  	s15 =	simm.s32 $0x80;
	s16 =	simm.s32 $0x18840;
	[tilespmem:s12+$0x0] =	vst v23;
	v12 =	vadd.s32 $0xFFF00000, v19;
	v19 =	vadd.s32 $0xFFF00000, v24;
	v13 =	vld.idx.msk [tilespmem:v18+s0+$0x0], $0xffff;
	v18 =	vadd.s32 $0xFFF00000, v22  }
.LBB2_22:
0x300: {  	s15 =	sadd.s32 $0x80, s15;
	vm7 =	vgt.s32 v2, $0xFFFFF;
	v21 =	vadd.s32 $0xFFF00000, v2;
	v2 =	vld [tilespmem:s16+$0x30];
	[tilespmem:s12+$0xFFFFFFC0] =	vst v20;
	v11 =	vsel vm1, v1, v11;
	v1 =	vmovc v18  }
0x301: {  	v10 =	vsel vm0, v0, v10;
	v0 =	vmovc v19;
	v18 =	vld [tilespmem:s16+$0xFFFFFFD0];
	p1 =	slt.u32 s15, $0xF80;
	v16 =	vsel vm7, v21, v16;
	[tilespmem:s12+$0x10] =	vst v11;
	vm7 =	vmmov vm6  }
0x302: {  	vm1 =	vmmov vm8;
	vm0 =	vmmov vm9;
	v6 =	vsel vm2, v6, v15;
	v11 =	vld [tilespmem:s16+$0xFFFFFFE0];
	[tilespmem:s13+$0x30] =	vst v16  }
0x303: {  	v15 =	vld [tilespmem:s16+$0xFFFFFFF0];
	[tilespmem:s13+$0xFFFFFFD0] =	vst v6;
	v6 =	vsel vm3, v7, v14  }
0x304: {  	v19 =	vld [tilespmem:s16+$0x0];
	[tilespmem:s13+$0xFFFFFFE0] =	vst v6;
	v6 =	vsel vm4, v8, v13  }
0x305: {  	v20 =	vld [tilespmem:s16+$0x10];
	vm3 =	vlt.s32 v2, $0x1869F;
	[tilespmem:s13+$0xFFFFFFF0] =	vst v6;
	v6 =	vsel vm5, v12, v17  }
0x306: {  	vm2 =	vgt.s32 v18, $0xFFFFF;
	vm4 =	vlt.s32 v18, $0x1869F;
	v21 =	vld [tilespmem:s16+$0x20];
	v12 =	vnsel vm3, $0x1869F, v2;
	[tilespmem:s13+$0x0] =	vst v6  }
0x307: {  	v6 =	vadd.s32 $0xFFF00000, v18;
	v13 =	vld [tilespmem:s16+$0xFFFFFFC0];
	v14 =	vnsel vm4, $0x1869F, v18;
	vm4 =	vlt.s32 v11, $0x1869F;
	[tilespmem:s12+$0x20] =	vst v10;
	s12 =	smov.u32 s13;
	s13 =	smov.u32 s16  }
0x308: {  	vm3 =	vgt.s32 v11, $0xFFFFF;
	v17 =	vnsel vm4, $0x1869F, v11;
	vm4 =	vlt.s32 v15, $0x1869F;
	v22 =	vld.idx.msk [tilespmem:v9+s0+$0x0], $0xffff  }
0x309: {  	v7 =	vadd.s32 $0xFFF00000, v11;
	v18 =	vnsel vm4, $0x1869F, v15;
	vm5 =	vlt.s32 v19, $0x1869F;
	v11 =	vld.idx.msk [tilespmem:v4+s0+$0x0], $0xffff  }
0x30a: {  	vm4 =	vgt.s32 v15, $0xFFFFF;
	v23 =	vnsel vm5, $0x1869F, v19;
	vm5 =	vlt.s32 v20, $0x1869F;
	v10 =	vld.idx.msk [tilespmem:v5+s0+$0x0], $0xffff  }
.Ltmp10:
0x30b: {  	v8 =	vadd.s32 $0xFFF00000, v15;
	v4 =	vnsel vm5, $0x1869F, v20;
	vm5 =	vlt.s32 v21, $0x1869F;
	v16 =	vld.idx.msk [tilespmem:v12+s0+$0x0], $0xffff;
	(pc) =	sbr.rel @p1 .LBB2_22-.Ltmp10, $4  }
0x30c: {  	vm6 =	vgt.s32 v13, $0xFFFFF;
	vm8 =	vlt.s32 v13, $0x1869F;
	v15 =	vld.idx.msk [tilespmem:v14+s0+$0x0], $0xffff;
	v5 =	vnsel vm5, $0x1869F, v21  }
0x30d: {  	v24 =	vadd.s32 $0xFFF00000, v13;
	vm5 =	vgt.s32 v19, $0xFFFFF;
	v9 =	vnsel vm8, $0x1869F, v13;
	v14 =	vld.idx.msk [tilespmem:v17+s0+$0x0], $0xffff  }
0x30e: {  	v12 =	vadd.s32 $0xFFF00000, v19;
	vm8 =	vgt.s32 v20, $0xFFFFF;
	v13 =	vld.idx.msk [tilespmem:v18+s0+$0x0], $0xffff;
	v18 =	vadd.s32 $0xFFF00000, v20  }
0x30f: {  	s16 =	sadd.s32 $0x80, s16;
	vm9 =	vgt.s32 v21, $0xFFFFF;
	v19 =	vadd.s32 $0xFFF00000, v21;
	v20 =	vsel vm7, v3, v22;
	v3 =	vmovc v24;
	v17 =	vld.idx.msk [tilespmem:v23+s0+$0x0], $0xffff  }
0x310: {  	_ =	sdelay $0x1  }
0x311: {  	vm7 =	vgt.s32 v2, $0xFFFFF;
	v2 =	vadd.s32 $0xFFF00000, v2;
	[tilespmem:s12+$0xFFFFFFC0] =	vst v20;
	v1 =	vsel vm1, v1, v11  }
0x312: {  	v2 =	vsel vm7, v2, v16;
	[tilespmem:s12+$0x10] =	vst v1  }
0x313: {  	v0 =	vsel vm0, v0, v10;
	[tilespmem:s13+$0x30] =	vst v2;
	v2 =	vld.idx.msk [tilespmem:v9+s0+$0x0], $0xffff  }
0x314: {  	v4 =	vld.idx.msk [tilespmem:v4+s0+$0x0], $0xffff;
	v1 =	vsel vm2, v6, v15;
	[tilespmem:s12+$0x20] =	vst v0  }
0x315: {  	v5 =	vld.idx.msk [tilespmem:v5+s0+$0x0], $0xffff;
	[tilespmem:s13+$0xFFFFFFD0] =	vst v1;
	v1 =	vsel vm3, v7, v14  }
0x316: {  	[tilespmem:s13+$0xFFFFFFE0] =	vst v1;
	v1 =	vsel vm4, v8, v13  }
0x317: {  	vm0 =	vmmov vm6;
	[tilespmem:s13+$0xFFFFFFF0] =	vst v1;
	v1 =	vsel vm5, v12, v17  }
0x318: {  	vm1 =	vmmov vm8;
	[tilespmem:s13+$0x0] =	vst v1;
	v0 =	vsel vm0, v3, v2  }
0x319: {  	vm0 =	vmmov vm9;
	[tilespmem:s13+$0xFFFFFFC0] =	vst v0;
	v0 =	vsel vm1, v18, v4  }
0x31a: {  	[tilespmem:s13+$0x10] =	vst v0;
	v0 =	vsel vm0, v19, v5  }
0x31b: {  	[tilespmem:s13+$0x20] =	vst v0  }
0x31c: {  	[hbm4b:s11+s0] =	stream.linear.scatter [tilespmem:s24], [sflag:$0x5], $0x1000, $0x38;
	[tilespmem:$0x1F7E0] =	vst v63  }
0x31d: {  	_ =	swait.ge [sflag:s4], $0x1000  }
0x31e: {  	[sflag:s4] =	ssyncset.done $0x0  }
0x31f: {  	[sflag:s4] =	ssyncadd.s32 $0xFFFFF000  }
0x320: {  	[tilespmem:s24], [sflag:$0x1] =	stream.linear.gather [hbm4b:s17+s0], $0x1000, $0x38;
	[tilespmem:$0x1F7E0] =	vst v63  }
0x321: {  	_ =	swait.ge [sflag:s6], $0x1000  }
0x322: {  	[sflag:s6] =	ssyncset.done $0x0  }
0x323: {  	s12 =	simm.s32 $0x19740;
	[sflag:s6] =	ssyncadd.s32 $0xFFFFF000  }
0x324: {  	v3 =	vld [tilespmem:s12+$0x30]  }
0x325: {  	v0 =	vld [tilespmem:s12+$0xFFFFFFD0]  }
0x326: {  	v1 =	vld [tilespmem:s12+$0xFFFFFFE0]  }
0x327: {  	v2 =	vld [tilespmem:s12+$0xFFFFFFF0]  }
0x328: {  	v8 =	vld [tilespmem:s12+$0x20]  }
0x329: {  	v6 =	vld [tilespmem:s12+$0x10];
	_ =	sdelay $0x1  }
0x32a: {  	vm0 =	vlt.s32 v3, $0x1869F;
	vm1 =	vlt.s32 v0, $0x1869F;
	v13 =	vadd.s32 $0xFFF00000, v0  }
0x32b: {  	v4 =	vld [tilespmem:s12+$0x0];
	vm2 =	vgt.s32 v1, $0xFFFFF;
	v14 =	vadd.s32 $0xFFF00000, v1;
	vm3 =	vgt.s32 v2, $0xFFFFF  }
0x32c: {  	s13 =	simm.s32 $0x197C0;
	v10 =	vld [tilespmem:s12+$0xFFFFFFC0];
	v15 =	vadd.s32 $0xFFF00000, v2;
	vm6 =	vgt.s32 v8, $0xFFFFF;
	v5 =	vnsel vm0, $0x1869F, v3  }
0x32d: {  	v19 =	vld [tilespmem:s13+$0x0];
	v7 =	vnsel vm1, $0x1869F, v0;
	vm0 =	vlt.s32 v1, $0x1869F;
	vm1 =	vlt.s32 v6, $0x1869F  }
0x32e: {  	v24 =	vld [tilespmem:s13+$0x20];
	v9 =	vnsel vm0, $0x1869F, v1;
	vm0 =	vlt.s32 v2, $0x1869F;
	v16 =	vnsel vm1, $0x1869F, v6  }
0x32f: {  	vm1 =	vlt.s32 v8, $0x1869F;
	v1 =	vadd.s32 $0xFFF00000, v6;
	v11 =	vnsel vm0, $0x1869F, v2;
	v2 =	vld [tilespmem:s13+$0x30]  }
0x330: {  	vm0 =	vlt.s32 v4, $0x1869F;
	v17 =	vnsel vm1, $0x1869F, v8;
	vm1 =	vgt.s32 v6, $0xFFFFF;
	v6 =	vld [tilespmem:s13+$0xFFFFFFD0]  }
0x331: {  	v12 =	vnsel vm0, $0x1869F, v4;
	vm0 =	vgt.s32 v0, $0xFFFFF;
	v0 =	vadd.s32 $0xFFF00000, v8;
	v8 =	vld [tilespmem:s13+$0xFFFFFFE0]  }
0x332: {  	v5 =	vld.idx.msk [tilespmem:v5+s0+$0x0], $0xffff  }
0x333: {  	vm4 =	vlt.s32 v10, $0x1869F;
	v7 =	vld.idx.msk [tilespmem:v7+s0+$0x0], $0xffff  }
0x334: {  	v18 =	vnsel vm4, $0x1869F, v10;
	v9 =	vld.idx.msk [tilespmem:v9+s0+$0x0], $0xffff  }
0x335: {  	vm5 =	vgt.s32 v10, $0xFFFFF;
	v20 =	vadd.s32 $0xFFF00000, v10;
	vm7 =	vgt.s32 v3, $0xFFFFF;
	v11 =	vld.idx.msk [tilespmem:v11+s0+$0x0], $0xffff  }
0x336: {  	vm9 =	vgt.s32 v24, $0xFFFFF;
	vm4 =	vgt.s32 v4, $0xFFFFF;
	v3 =	vadd.s32 $0xFFF00000, v3;
	v12 =	vld.idx.msk [tilespmem:v12+s0+$0x0], $0xffff  }
0x337: {  	v22 =	vld [tilespmem:s13+$0x10];
	v4 =	vadd.s32 $0xFFF00000, v4;
	vm1 =	vmmov vm1;
	v3 =	vsel vm7, v3, v5  }
0x338: {  	vm7 =	vmmov vm5;
	v5 =	vsel vm0, v13, v7;
	v13 =	vld [tilespmem:s13+$0xFFFFFFF0];
	vm0 =	vmmov vm6  }
0x339: {  	v26 =	vld.idx.msk [tilespmem:v18+s0+$0x0], $0xffff;
	v7 =	vadd.s32 $0xFFF00000, v8;
	vm5 =	vlt.s32 v19, $0x1869F;
	v9 =	vsel vm2, v14, v9  }
0x33a: {  	v27 =	vnsel vm5, $0x1869F, v19;
	v21 =	vsel vm3, v15, v11;
	vm3 =	vlt.s32 v2, $0x1869F  }
0x33b: {  	v23 =	vsel vm4, v4, v12;
	vm4 =	vlt.s32 v6, $0x1869F;
	v12 =	vnsel vm3, $0x1869F, v2  }
0x33c: {  	vm2 =	vgt.s32 v6, $0xFFFFF;
	v14 =	vld [tilespmem:s13+$0xFFFFFFC0];
	v15 =	vnsel vm4, $0x1869F, v6;
	vm4 =	vlt.s32 v8, $0x1869F  }
0x33d: {  	v10 =	vld.idx.msk [tilespmem:v17+s0+$0x0], $0xffff;
	vm5 =	vlt.s32 v22, $0x1869F;
	v25 =	vnsel vm4, $0x1869F, v8;
	vm4 =	vlt.s32 v13, $0x1869F  }
0x33e: {  	v20 =	vsel vm7, v20, v26;
	v11 =	vld.idx.msk [tilespmem:v16+s0+$0x0], $0xffff;
	vm3 =	vgt.s32 v8, $0xFFFFF;
	v18 =	vnsel vm4, $0x1869F, v13  }
0x33f: {  	[tilespmem:s12+$0x30] =	vst v3;
	v4 =	vnsel vm5, $0x1869F, v22;
	vm5 =	vlt.s32 v24, $0x1869F;
	v6 =	vadd.s32 $0xFFF00000, v6;
	v17 =	vld.idx.msk [tilespmem:v27+s0+$0x0], $0xffff  }
0x340: {  	[tilespmem:s12+$0xFFFFFFD0] =	vst v5;
	v5 =	vnsel vm5, $0x1869F, v24;
	vm5 =	vgt.s32 v19, $0xFFFFF;
	v8 =	vadd.s32 $0xFFF00000, v13;
	v16 =	vld.idx.msk [tilespmem:v12+s0+$0x0], $0xffff  }
0x341: {  	[tilespmem:s12+$0xFFFFFFE0] =	vst v9;
	vm4 =	vgt.s32 v13, $0xFFFFF;
	vm6 =	vgt.s32 v14, $0xFFFFF;
	vm8 =	vlt.s32 v14, $0x1869F;
	v15 =	vld.idx.msk [tilespmem:v15+s0+$0x0], $0xffff  }
0x342: {  	[tilespmem:s12+$0xFFFFFFF0] =	vst v21;
	v3 =	vadd.s32 $0xFFF00000, v14;
	v9 =	vnsel vm8, $0x1869F, v14;
	vm8 =	vgt.s32 v22, $0xFFFFF;
	v14 =	vld.idx.msk [tilespmem:v25+s0+$0x0], $0xffff  }
0x343: {  	s15 =	simm.s32 $0x80;
	s16 =	simm.s32 $0x19840;
	[tilespmem:s12+$0x0] =	vst v23;
	v12 =	vadd.s32 $0xFFF00000, v19;
	v19 =	vadd.s32 $0xFFF00000, v24;
	v13 =	vld.idx.msk [tilespmem:v18+s0+$0x0], $0xffff;
	v18 =	vadd.s32 $0xFFF00000, v22  }
.LBB2_24:
0x344: {  	s15 =	sadd.s32 $0x80, s15;
	vm7 =	vgt.s32 v2, $0xFFFFF;
	v21 =	vadd.s32 $0xFFF00000, v2;
	v2 =	vld [tilespmem:s16+$0x30];
	[tilespmem:s12+$0xFFFFFFC0] =	vst v20;
	v11 =	vsel vm1, v1, v11;
	v1 =	vmovc v18  }
0x345: {  	v10 =	vsel vm0, v0, v10;
	v0 =	vmovc v19;
	v18 =	vld [tilespmem:s16+$0xFFFFFFD0];
	p1 =	slt.u32 s15, $0xF80;
	v16 =	vsel vm7, v21, v16;
	[tilespmem:s12+$0x10] =	vst v11;
	vm7 =	vmmov vm6  }
0x346: {  	vm1 =	vmmov vm8;
	vm0 =	vmmov vm9;
	v6 =	vsel vm2, v6, v15;
	v11 =	vld [tilespmem:s16+$0xFFFFFFE0];
	[tilespmem:s13+$0x30] =	vst v16  }
0x347: {  	v15 =	vld [tilespmem:s16+$0xFFFFFFF0];
	[tilespmem:s13+$0xFFFFFFD0] =	vst v6;
	v6 =	vsel vm3, v7, v14  }
0x348: {  	v19 =	vld [tilespmem:s16+$0x0];
	[tilespmem:s13+$0xFFFFFFE0] =	vst v6;
	v6 =	vsel vm4, v8, v13  }
0x349: {  	v20 =	vld [tilespmem:s16+$0x10];
	vm3 =	vlt.s32 v2, $0x1869F;
	[tilespmem:s13+$0xFFFFFFF0] =	vst v6;
	v6 =	vsel vm5, v12, v17  }
0x34a: {  	vm2 =	vgt.s32 v18, $0xFFFFF;
	vm4 =	vlt.s32 v18, $0x1869F;
	v21 =	vld [tilespmem:s16+$0x20];
	v12 =	vnsel vm3, $0x1869F, v2;
	[tilespmem:s13+$0x0] =	vst v6  }
0x34b: {  	v6 =	vadd.s32 $0xFFF00000, v18;
	v13 =	vld [tilespmem:s16+$0xFFFFFFC0];
	v14 =	vnsel vm4, $0x1869F, v18;
	vm4 =	vlt.s32 v11, $0x1869F;
	[tilespmem:s12+$0x20] =	vst v10;
	s12 =	smov.u32 s13;
	s13 =	smov.u32 s16  }
0x34c: {  	vm3 =	vgt.s32 v11, $0xFFFFF;
	v17 =	vnsel vm4, $0x1869F, v11;
	vm4 =	vlt.s32 v15, $0x1869F;
	v22 =	vld.idx.msk [tilespmem:v9+s0+$0x0], $0xffff  }
0x34d: {  	v7 =	vadd.s32 $0xFFF00000, v11;
	v18 =	vnsel vm4, $0x1869F, v15;
	vm5 =	vlt.s32 v19, $0x1869F;
	v11 =	vld.idx.msk [tilespmem:v4+s0+$0x0], $0xffff  }
0x34e: {  	vm4 =	vgt.s32 v15, $0xFFFFF;
	v23 =	vnsel vm5, $0x1869F, v19;
	vm5 =	vlt.s32 v20, $0x1869F;
	v10 =	vld.idx.msk [tilespmem:v5+s0+$0x0], $0xffff  }
.Ltmp11:
0x34f: {  	v8 =	vadd.s32 $0xFFF00000, v15;
	v4 =	vnsel vm5, $0x1869F, v20;
	vm5 =	vlt.s32 v21, $0x1869F;
	v16 =	vld.idx.msk [tilespmem:v12+s0+$0x0], $0xffff;
	(pc) =	sbr.rel @p1 .LBB2_24-.Ltmp11, $4  }
0x350: {  	vm6 =	vgt.s32 v13, $0xFFFFF;
	vm8 =	vlt.s32 v13, $0x1869F;
	v15 =	vld.idx.msk [tilespmem:v14+s0+$0x0], $0xffff;
	v5 =	vnsel vm5, $0x1869F, v21  }
0x351: {  	v24 =	vadd.s32 $0xFFF00000, v13;
	vm5 =	vgt.s32 v19, $0xFFFFF;
	v9 =	vnsel vm8, $0x1869F, v13;
	v14 =	vld.idx.msk [tilespmem:v17+s0+$0x0], $0xffff  }
0x352: {  	v12 =	vadd.s32 $0xFFF00000, v19;
	vm8 =	vgt.s32 v20, $0xFFFFF;
	v13 =	vld.idx.msk [tilespmem:v18+s0+$0x0], $0xffff;
	v18 =	vadd.s32 $0xFFF00000, v20  }
0x353: {  	s16 =	sadd.s32 $0x80, s16;
	vm9 =	vgt.s32 v21, $0xFFFFF;
	v19 =	vadd.s32 $0xFFF00000, v21;
	v20 =	vsel vm7, v3, v22;
	v3 =	vmovc v24;
	v17 =	vld.idx.msk [tilespmem:v23+s0+$0x0], $0xffff  }
0x354: {  	_ =	sdelay $0x1  }
0x355: {  	vm7 =	vgt.s32 v2, $0xFFFFF;
	v2 =	vadd.s32 $0xFFF00000, v2;
	[tilespmem:s12+$0xFFFFFFC0] =	vst v20;
	v1 =	vsel vm1, v1, v11  }
0x356: {  	v2 =	vsel vm7, v2, v16;
	[tilespmem:s12+$0x10] =	vst v1  }
0x357: {  	v0 =	vsel vm0, v0, v10;
	[tilespmem:s13+$0x30] =	vst v2;
	v2 =	vld.idx.msk [tilespmem:v9+s0+$0x0], $0xffff  }
0x358: {  	v4 =	vld.idx.msk [tilespmem:v4+s0+$0x0], $0xffff;
	v1 =	vsel vm2, v6, v15;
	[tilespmem:s12+$0x20] =	vst v0  }
0x359: {  	v5 =	vld.idx.msk [tilespmem:v5+s0+$0x0], $0xffff;
	[tilespmem:s13+$0xFFFFFFD0] =	vst v1;
	v1 =	vsel vm3, v7, v14  }
0x35a: {  	[tilespmem:s13+$0xFFFFFFE0] =	vst v1;
	v1 =	vsel vm4, v8, v13  }
0x35b: {  	vm0 =	vmmov vm6;
	[tilespmem:s13+$0xFFFFFFF0] =	vst v1;
	v1 =	vsel vm5, v12, v17  }
0x35c: {  	vm1 =	vmmov vm8;
	[tilespmem:s13+$0x0] =	vst v1;
	v0 =	vsel vm0, v3, v2  }
0x35d: {  	vm0 =	vmmov vm9;
	[tilespmem:s13+$0xFFFFFFC0] =	vst v0;
	v0 =	vsel vm1, v18, v4  }
0x35e: {  	[tilespmem:s13+$0x10] =	vst v0;
	v0 =	vsel vm0, v19, v5  }
0x35f: {  	[tilespmem:s13+$0x20] =	vst v0  }
0x360: {  	[hbm4b:s14+s0] =	stream.linear.scatter [tilespmem:s28], [sflag:$0x6], $0x1000, $0x38;
	[tilespmem:$0x1F7E0] =	vst v63  }
0x361: {  	_ =	swait.ge [sflag:s9], $0x1000  }
0x362: {  	[sflag:s9] =	ssyncset.done $0x0  }
0x363: {  	[sflag:s9] =	ssyncadd.s32 $0xFFFFF000  }
0x364: {  	[tilespmem:s28], [sflag:$0x2] =	stream.linear.gather [hbm4b:s18+s0], $0x1000, $0x38;
	[tilespmem:$0x1F7E0] =	vst v63  }
0x365: {  	_ =	swait.ge [sflag:s2], $0x1000  }
0x366: {  	[sflag:s2] =	ssyncset.done $0x0  }
0x367: {  	s12 =	simm.s32 $0x18740;
	[sflag:s2] =	ssyncadd.s32 $0xFFFFF000  }
0x368: {  	v3 =	vld [tilespmem:s12+$0x30]  }
0x369: {  	v0 =	vld [tilespmem:s12+$0xFFFFFFD0]  }
0x36a: {  	v1 =	vld [tilespmem:s12+$0xFFFFFFE0]  }
0x36b: {  	v2 =	vld [tilespmem:s12+$0xFFFFFFF0]  }
0x36c: {  	v8 =	vld [tilespmem:s12+$0x20]  }
0x36d: {  	v6 =	vld [tilespmem:s12+$0x10];
	_ =	sdelay $0x1  }
0x36e: {  	vm0 =	vlt.s32 v3, $0x1869F;
	vm1 =	vlt.s32 v0, $0x1869F;
	v13 =	vadd.s32 $0xFFF00000, v0  }
0x36f: {  	v4 =	vld [tilespmem:s12+$0x0];
	vm2 =	vgt.s32 v1, $0xFFFFF;
	v14 =	vadd.s32 $0xFFF00000, v1;
	vm3 =	vgt.s32 v2, $0xFFFFF  }
0x370: {  	s13 =	simm.s32 $0x187C0;
	v10 =	vld [tilespmem:s12+$0xFFFFFFC0];
	v15 =	vadd.s32 $0xFFF00000, v2;
	vm6 =	vgt.s32 v8, $0xFFFFF;
	v5 =	vnsel vm0, $0x1869F, v3  }
0x371: {  	v19 =	vld [tilespmem:s13+$0x0];
	v7 =	vnsel vm1, $0x1869F, v0;
	vm0 =	vlt.s32 v1, $0x1869F;
	vm1 =	vlt.s32 v6, $0x1869F  }
0x372: {  	v24 =	vld [tilespmem:s13+$0x20];
	v9 =	vnsel vm0, $0x1869F, v1;
	vm0 =	vlt.s32 v2, $0x1869F;
	v16 =	vnsel vm1, $0x1869F, v6  }
0x373: {  	vm1 =	vlt.s32 v8, $0x1869F;
	v1 =	vadd.s32 $0xFFF00000, v6;
	v11 =	vnsel vm0, $0x1869F, v2;
	v2 =	vld [tilespmem:s13+$0x30]  }
0x374: {  	vm0 =	vlt.s32 v4, $0x1869F;
	v17 =	vnsel vm1, $0x1869F, v8;
	vm1 =	vgt.s32 v6, $0xFFFFF;
	v6 =	vld [tilespmem:s13+$0xFFFFFFD0]  }
0x375: {  	v12 =	vnsel vm0, $0x1869F, v4;
	vm0 =	vgt.s32 v0, $0xFFFFF;
	v0 =	vadd.s32 $0xFFF00000, v8;
	v8 =	vld [tilespmem:s13+$0xFFFFFFE0]  }
0x376: {  	v5 =	vld.idx.msk [tilespmem:v5+s0+$0x0], $0xffff  }
0x377: {  	vm4 =	vlt.s32 v10, $0x1869F;
	v7 =	vld.idx.msk [tilespmem:v7+s0+$0x0], $0xffff  }
0x378: {  	v18 =	vnsel vm4, $0x1869F, v10;
	v9 =	vld.idx.msk [tilespmem:v9+s0+$0x0], $0xffff  }
0x379: {  	vm5 =	vgt.s32 v10, $0xFFFFF;
	v20 =	vadd.s32 $0xFFF00000, v10;
	vm7 =	vgt.s32 v3, $0xFFFFF;
	v11 =	vld.idx.msk [tilespmem:v11+s0+$0x0], $0xffff  }
0x37a: {  	vm9 =	vgt.s32 v24, $0xFFFFF;
	vm4 =	vgt.s32 v4, $0xFFFFF;
	v3 =	vadd.s32 $0xFFF00000, v3;
	v12 =	vld.idx.msk [tilespmem:v12+s0+$0x0], $0xffff  }
0x37b: {  	v22 =	vld [tilespmem:s13+$0x10];
	v4 =	vadd.s32 $0xFFF00000, v4;
	vm1 =	vmmov vm1;
	v3 =	vsel vm7, v3, v5  }
0x37c: {  	vm7 =	vmmov vm5;
	v5 =	vsel vm0, v13, v7;
	v13 =	vld [tilespmem:s13+$0xFFFFFFF0];
	vm0 =	vmmov vm6  }
0x37d: {  	v26 =	vld.idx.msk [tilespmem:v18+s0+$0x0], $0xffff;
	v7 =	vadd.s32 $0xFFF00000, v8;
	vm5 =	vlt.s32 v19, $0x1869F;
	v9 =	vsel vm2, v14, v9  }
0x37e: {  	v27 =	vnsel vm5, $0x1869F, v19;
	v21 =	vsel vm3, v15, v11;
	vm3 =	vlt.s32 v2, $0x1869F  }
0x37f: {  	v23 =	vsel vm4, v4, v12;
	vm4 =	vlt.s32 v6, $0x1869F;
	v12 =	vnsel vm3, $0x1869F, v2  }
0x380: {  	vm2 =	vgt.s32 v6, $0xFFFFF;
	v14 =	vld [tilespmem:s13+$0xFFFFFFC0];
	v15 =	vnsel vm4, $0x1869F, v6;
	vm4 =	vlt.s32 v8, $0x1869F  }
0x381: {  	v10 =	vld.idx.msk [tilespmem:v17+s0+$0x0], $0xffff;
	vm5 =	vlt.s32 v22, $0x1869F;
	v25 =	vnsel vm4, $0x1869F, v8;
	vm4 =	vlt.s32 v13, $0x1869F  }
0x382: {  	v20 =	vsel vm7, v20, v26;
	v11 =	vld.idx.msk [tilespmem:v16+s0+$0x0], $0xffff;
	vm3 =	vgt.s32 v8, $0xFFFFF;
	v18 =	vnsel vm4, $0x1869F, v13  }
0x383: {  	[tilespmem:s12+$0x30] =	vst v3;
	v4 =	vnsel vm5, $0x1869F, v22;
	vm5 =	vlt.s32 v24, $0x1869F;
	v6 =	vadd.s32 $0xFFF00000, v6;
	v17 =	vld.idx.msk [tilespmem:v27+s0+$0x0], $0xffff  }
0x384: {  	[tilespmem:s12+$0xFFFFFFD0] =	vst v5;
	v5 =	vnsel vm5, $0x1869F, v24;
	vm5 =	vgt.s32 v19, $0xFFFFF;
	v8 =	vadd.s32 $0xFFF00000, v13;
	v16 =	vld.idx.msk [tilespmem:v12+s0+$0x0], $0xffff  }
0x385: {  	[tilespmem:s12+$0xFFFFFFE0] =	vst v9;
	vm4 =	vgt.s32 v13, $0xFFFFF;
	vm6 =	vgt.s32 v14, $0xFFFFF;
	vm8 =	vlt.s32 v14, $0x1869F;
	v15 =	vld.idx.msk [tilespmem:v15+s0+$0x0], $0xffff  }
0x386: {  	[tilespmem:s12+$0xFFFFFFF0] =	vst v21;
	v3 =	vadd.s32 $0xFFF00000, v14;
	v9 =	vnsel vm8, $0x1869F, v14;
	vm8 =	vgt.s32 v22, $0xFFFFF;
	v14 =	vld.idx.msk [tilespmem:v25+s0+$0x0], $0xffff  }
0x387: {  	s15 =	simm.s32 $0x80;
	s16 =	simm.s32 $0x18840;
	[tilespmem:s12+$0x0] =	vst v23;
	v12 =	vadd.s32 $0xFFF00000, v19;
	v19 =	vadd.s32 $0xFFF00000, v24;
	v13 =	vld.idx.msk [tilespmem:v18+s0+$0x0], $0xffff;
	v18 =	vadd.s32 $0xFFF00000, v22  }
.LBB2_26:
0x388: {  	s15 =	sadd.s32 $0x80, s15;
	vm7 =	vgt.s32 v2, $0xFFFFF;
	v21 =	vadd.s32 $0xFFF00000, v2;
	v2 =	vld [tilespmem:s16+$0x30];
	[tilespmem:s12+$0xFFFFFFC0] =	vst v20;
	v11 =	vsel vm1, v1, v11;
	v1 =	vmovc v18  }
0x389: {  	v10 =	vsel vm0, v0, v10;
	v0 =	vmovc v19;
	v18 =	vld [tilespmem:s16+$0xFFFFFFD0];
	p1 =	slt.u32 s15, $0xF80;
	v16 =	vsel vm7, v21, v16;
	[tilespmem:s12+$0x10] =	vst v11;
	vm7 =	vmmov vm6  }
0x38a: {  	vm1 =	vmmov vm8;
	vm0 =	vmmov vm9;
	v6 =	vsel vm2, v6, v15;
	v11 =	vld [tilespmem:s16+$0xFFFFFFE0];
	[tilespmem:s13+$0x30] =	vst v16  }
0x38b: {  	v15 =	vld [tilespmem:s16+$0xFFFFFFF0];
	[tilespmem:s13+$0xFFFFFFD0] =	vst v6;
	v6 =	vsel vm3, v7, v14  }
0x38c: {  	v19 =	vld [tilespmem:s16+$0x0];
	[tilespmem:s13+$0xFFFFFFE0] =	vst v6;
	v6 =	vsel vm4, v8, v13  }
0x38d: {  	v20 =	vld [tilespmem:s16+$0x10];
	vm3 =	vlt.s32 v2, $0x1869F;
	[tilespmem:s13+$0xFFFFFFF0] =	vst v6;
	v6 =	vsel vm5, v12, v17  }
0x38e: {  	vm2 =	vgt.s32 v18, $0xFFFFF;
	vm4 =	vlt.s32 v18, $0x1869F;
	v21 =	vld [tilespmem:s16+$0x20];
	v12 =	vnsel vm3, $0x1869F, v2;
	[tilespmem:s13+$0x0] =	vst v6  }
0x38f: {  	v6 =	vadd.s32 $0xFFF00000, v18;
	v13 =	vld [tilespmem:s16+$0xFFFFFFC0];
	v14 =	vnsel vm4, $0x1869F, v18;
	vm4 =	vlt.s32 v11, $0x1869F;
	[tilespmem:s12+$0x20] =	vst v10;
	s12 =	smov.u32 s13;
	s13 =	smov.u32 s16  }
0x390: {  	vm3 =	vgt.s32 v11, $0xFFFFF;
	v17 =	vnsel vm4, $0x1869F, v11;
	vm4 =	vlt.s32 v15, $0x1869F;
	v22 =	vld.idx.msk [tilespmem:v9+s0+$0x0], $0xffff  }
0x391: {  	v7 =	vadd.s32 $0xFFF00000, v11;
	v18 =	vnsel vm4, $0x1869F, v15;
	vm5 =	vlt.s32 v19, $0x1869F;
	v11 =	vld.idx.msk [tilespmem:v4+s0+$0x0], $0xffff  }
0x392: {  	vm4 =	vgt.s32 v15, $0xFFFFF;
	v23 =	vnsel vm5, $0x1869F, v19;
	vm5 =	vlt.s32 v20, $0x1869F;
	v10 =	vld.idx.msk [tilespmem:v5+s0+$0x0], $0xffff  }
.Ltmp12:
0x393: {  	v8 =	vadd.s32 $0xFFF00000, v15;
	v4 =	vnsel vm5, $0x1869F, v20;
	vm5 =	vlt.s32 v21, $0x1869F;
	v16 =	vld.idx.msk [tilespmem:v12+s0+$0x0], $0xffff;
	(pc) =	sbr.rel @p1 .LBB2_26-.Ltmp12, $4  }
0x394: {  	vm6 =	vgt.s32 v13, $0xFFFFF;
	vm8 =	vlt.s32 v13, $0x1869F;
	v15 =	vld.idx.msk [tilespmem:v14+s0+$0x0], $0xffff;
	v5 =	vnsel vm5, $0x1869F, v21  }
0x395: {  	v24 =	vadd.s32 $0xFFF00000, v13;
	vm5 =	vgt.s32 v19, $0xFFFFF;
	v9 =	vnsel vm8, $0x1869F, v13;
	v14 =	vld.idx.msk [tilespmem:v17+s0+$0x0], $0xffff  }
0x396: {  	v12 =	vadd.s32 $0xFFF00000, v19;
	vm8 =	vgt.s32 v20, $0xFFFFF;
	v13 =	vld.idx.msk [tilespmem:v18+s0+$0x0], $0xffff;
	v18 =	vadd.s32 $0xFFF00000, v20  }
0x397: {  	s16 =	sadd.s32 $0x80, s16;
	vm9 =	vgt.s32 v21, $0xFFFFF;
	v19 =	vadd.s32 $0xFFF00000, v21;
	v20 =	vsel vm7, v3, v22;
	v3 =	vmovc v24;
	v17 =	vld.idx.msk [tilespmem:v23+s0+$0x0], $0xffff  }
0x398: {  	_ =	sdelay $0x1  }
0x399: {  	vm7 =	vgt.s32 v2, $0xFFFFF;
	v2 =	vadd.s32 $0xFFF00000, v2;
	[tilespmem:s12+$0xFFFFFFC0] =	vst v20;
	v1 =	vsel vm1, v1, v11  }
0x39a: {  	v2 =	vsel vm7, v2, v16;
	[tilespmem:s12+$0x10] =	vst v1  }
0x39b: {  	v0 =	vsel vm0, v0, v10;
	[tilespmem:s13+$0x30] =	vst v2;
	v2 =	vld.idx.msk [tilespmem:v9+s0+$0x0], $0xffff  }
0x39c: {  	v4 =	vld.idx.msk [tilespmem:v4+s0+$0x0], $0xffff;
	v1 =	vsel vm2, v6, v15;
	[tilespmem:s12+$0x20] =	vst v0  }
0x39d: {  	v5 =	vld.idx.msk [tilespmem:v5+s0+$0x0], $0xffff;
	[tilespmem:s13+$0xFFFFFFD0] =	vst v1;
	v1 =	vsel vm3, v7, v14  }
0x39e: {  	[tilespmem:s13+$0xFFFFFFE0] =	vst v1;
	v1 =	vsel vm4, v8, v13  }
0x39f: {  	vm0 =	vmmov vm6;
	[tilespmem:s13+$0xFFFFFFF0] =	vst v1;
	v1 =	vsel vm5, v12, v17  }
0x3a0: {  	vm1 =	vmmov vm8;
	[tilespmem:s13+$0x0] =	vst v1;
	v0 =	vsel vm0, v3, v2  }
0x3a1: {  	vm0 =	vmmov vm9;
	[tilespmem:s13+$0xFFFFFFC0] =	vst v0;
	v0 =	vsel vm1, v18, v4  }
0x3a2: {  	[tilespmem:s13+$0x10] =	vst v0;
	v0 =	vsel vm0, v19, v5  }
0x3a3: {  	[tilespmem:s13+$0x20] =	vst v0  }
0x3a4: {  	[hbm4b:s17+s0] =	stream.linear.scatter [tilespmem:s24], [sflag:$0x5], $0x1000, $0x38;
	[tilespmem:$0x1F7E0] =	vst v63  }
0x3a5: {  	_ =	swait.ge [sflag:s4], $0x1000  }
0x3a6: {  	[sflag:s4] =	ssyncset.done $0x0  }
0x3a7: {  	[sflag:s4] =	ssyncadd.s32 $0xFFFFF000  }
0x3a8: {  	[tilespmem:s24], [sflag:$0x1] =	stream.linear.gather [hbm4b:s26+s0], $0x1000, $0x38;
	[tilespmem:$0x1F7E0] =	vst v63  }
0x3a9: {  	_ =	swait.ge [sflag:s6], $0x1000  }
0x3aa: {  	[sflag:s6] =	ssyncset.done $0x0  }
0x3ab: {  	s12 =	simm.s32 $0x19740;
	[sflag:s6] =	ssyncadd.s32 $0xFFFFF000  }
0x3ac: {  	v3 =	vld [tilespmem:s12+$0x30]  }
0x3ad: {  	v0 =	vld [tilespmem:s12+$0xFFFFFFD0]  }
0x3ae: {  	v1 =	vld [tilespmem:s12+$0xFFFFFFE0]  }
0x3af: {  	v2 =	vld [tilespmem:s12+$0xFFFFFFF0]  }
0x3b0: {  	v8 =	vld [tilespmem:s12+$0x20]  }
0x3b1: {  	v6 =	vld [tilespmem:s12+$0x10];
	_ =	sdelay $0x1  }
0x3b2: {  	vm0 =	vlt.s32 v3, $0x1869F;
	vm1 =	vlt.s32 v0, $0x1869F;
	v13 =	vadd.s32 $0xFFF00000, v0  }
0x3b3: {  	v4 =	vld [tilespmem:s12+$0x0];
	vm2 =	vgt.s32 v1, $0xFFFFF;
	v14 =	vadd.s32 $0xFFF00000, v1;
	vm3 =	vgt.s32 v2, $0xFFFFF  }
0x3b4: {  	s13 =	simm.s32 $0x197C0;
	v10 =	vld [tilespmem:s12+$0xFFFFFFC0];
	v15 =	vadd.s32 $0xFFF00000, v2;
	vm6 =	vgt.s32 v8, $0xFFFFF;
	v5 =	vnsel vm0, $0x1869F, v3  }
0x3b5: {  	v19 =	vld [tilespmem:s13+$0x0];
	v7 =	vnsel vm1, $0x1869F, v0;
	vm0 =	vlt.s32 v1, $0x1869F;
	vm1 =	vlt.s32 v6, $0x1869F  }
0x3b6: {  	v24 =	vld [tilespmem:s13+$0x20];
	v9 =	vnsel vm0, $0x1869F, v1;
	vm0 =	vlt.s32 v2, $0x1869F;
	v16 =	vnsel vm1, $0x1869F, v6  }
0x3b7: {  	vm1 =	vlt.s32 v8, $0x1869F;
	v1 =	vadd.s32 $0xFFF00000, v6;
	v11 =	vnsel vm0, $0x1869F, v2;
	v2 =	vld [tilespmem:s13+$0x30]  }
0x3b8: {  	vm0 =	vlt.s32 v4, $0x1869F;
	v17 =	vnsel vm1, $0x1869F, v8;
	vm1 =	vgt.s32 v6, $0xFFFFF;
	v6 =	vld [tilespmem:s13+$0xFFFFFFD0]  }
0x3b9: {  	v12 =	vnsel vm0, $0x1869F, v4;
	vm0 =	vgt.s32 v0, $0xFFFFF;
	v0 =	vadd.s32 $0xFFF00000, v8;
	v8 =	vld [tilespmem:s13+$0xFFFFFFE0]  }
0x3ba: {  	v5 =	vld.idx.msk [tilespmem:v5+s0+$0x0], $0xffff  }
0x3bb: {  	vm4 =	vlt.s32 v10, $0x1869F;
	v7 =	vld.idx.msk [tilespmem:v7+s0+$0x0], $0xffff  }
0x3bc: {  	v18 =	vnsel vm4, $0x1869F, v10;
	v9 =	vld.idx.msk [tilespmem:v9+s0+$0x0], $0xffff  }
0x3bd: {  	vm5 =	vgt.s32 v10, $0xFFFFF;
	v20 =	vadd.s32 $0xFFF00000, v10;
	vm7 =	vgt.s32 v3, $0xFFFFF;
	v11 =	vld.idx.msk [tilespmem:v11+s0+$0x0], $0xffff  }
0x3be: {  	vm9 =	vgt.s32 v24, $0xFFFFF;
	vm4 =	vgt.s32 v4, $0xFFFFF;
	v3 =	vadd.s32 $0xFFF00000, v3;
	v12 =	vld.idx.msk [tilespmem:v12+s0+$0x0], $0xffff  }
0x3bf: {  	v22 =	vld [tilespmem:s13+$0x10];
	v4 =	vadd.s32 $0xFFF00000, v4;
	vm1 =	vmmov vm1;
	v3 =	vsel vm7, v3, v5  }
0x3c0: {  	vm7 =	vmmov vm5;
	v5 =	vsel vm0, v13, v7;
	v13 =	vld [tilespmem:s13+$0xFFFFFFF0];
	vm0 =	vmmov vm6  }
0x3c1: {  	v26 =	vld.idx.msk [tilespmem:v18+s0+$0x0], $0xffff;
	v7 =	vadd.s32 $0xFFF00000, v8;
	vm5 =	vlt.s32 v19, $0x1869F;
	v9 =	vsel vm2, v14, v9  }
0x3c2: {  	v27 =	vnsel vm5, $0x1869F, v19;
	v21 =	vsel vm3, v15, v11;
	vm3 =	vlt.s32 v2, $0x1869F  }
0x3c3: {  	v23 =	vsel vm4, v4, v12;
	vm4 =	vlt.s32 v6, $0x1869F;
	v12 =	vnsel vm3, $0x1869F, v2  }
0x3c4: {  	vm2 =	vgt.s32 v6, $0xFFFFF;
	v14 =	vld [tilespmem:s13+$0xFFFFFFC0];
	v15 =	vnsel vm4, $0x1869F, v6;
	vm4 =	vlt.s32 v8, $0x1869F  }
0x3c5: {  	v10 =	vld.idx.msk [tilespmem:v17+s0+$0x0], $0xffff;
	vm5 =	vlt.s32 v22, $0x1869F;
	v25 =	vnsel vm4, $0x1869F, v8;
	vm4 =	vlt.s32 v13, $0x1869F  }
0x3c6: {  	v20 =	vsel vm7, v20, v26;
	v11 =	vld.idx.msk [tilespmem:v16+s0+$0x0], $0xffff;
	vm3 =	vgt.s32 v8, $0xFFFFF;
	v18 =	vnsel vm4, $0x1869F, v13  }
0x3c7: {  	[tilespmem:s12+$0x30] =	vst v3;
	v4 =	vnsel vm5, $0x1869F, v22;
	vm5 =	vlt.s32 v24, $0x1869F;
	v6 =	vadd.s32 $0xFFF00000, v6;
	v17 =	vld.idx.msk [tilespmem:v27+s0+$0x0], $0xffff  }
0x3c8: {  	[tilespmem:s12+$0xFFFFFFD0] =	vst v5;
	v5 =	vnsel vm5, $0x1869F, v24;
	vm5 =	vgt.s32 v19, $0xFFFFF;
	v8 =	vadd.s32 $0xFFF00000, v13;
	v16 =	vld.idx.msk [tilespmem:v12+s0+$0x0], $0xffff  }
0x3c9: {  	[tilespmem:s12+$0xFFFFFFE0] =	vst v9;
	vm4 =	vgt.s32 v13, $0xFFFFF;
	vm6 =	vgt.s32 v14, $0xFFFFF;
	vm8 =	vlt.s32 v14, $0x1869F;
	v15 =	vld.idx.msk [tilespmem:v15+s0+$0x0], $0xffff  }
0x3ca: {  	[tilespmem:s12+$0xFFFFFFF0] =	vst v21;
	v3 =	vadd.s32 $0xFFF00000, v14;
	v9 =	vnsel vm8, $0x1869F, v14;
	vm8 =	vgt.s32 v22, $0xFFFFF;
	v14 =	vld.idx.msk [tilespmem:v25+s0+$0x0], $0xffff  }
0x3cb: {  	s15 =	simm.s32 $0x80;
	s16 =	simm.s32 $0x19840;
	[tilespmem:s12+$0x0] =	vst v23;
	v12 =	vadd.s32 $0xFFF00000, v19;
	v19 =	vadd.s32 $0xFFF00000, v24;
	v13 =	vld.idx.msk [tilespmem:v18+s0+$0x0], $0xffff;
	v18 =	vadd.s32 $0xFFF00000, v22  }
.LBB2_28:
0x3cc: {  	s15 =	sadd.s32 $0x80, s15;
	vm7 =	vgt.s32 v2, $0xFFFFF;
	v21 =	vadd.s32 $0xFFF00000, v2;
	v2 =	vld [tilespmem:s16+$0x30];
	[tilespmem:s12+$0xFFFFFFC0] =	vst v20;
	v11 =	vsel vm1, v1, v11;
	v1 =	vmovc v18  }
0x3cd: {  	v10 =	vsel vm0, v0, v10;
	v0 =	vmovc v19;
	v18 =	vld [tilespmem:s16+$0xFFFFFFD0];
	p1 =	slt.u32 s15, $0xF80;
	v16 =	vsel vm7, v21, v16;
	[tilespmem:s12+$0x10] =	vst v11;
	vm7 =	vmmov vm6  }
0x3ce: {  	vm1 =	vmmov vm8;
	vm0 =	vmmov vm9;
	v6 =	vsel vm2, v6, v15;
	v11 =	vld [tilespmem:s16+$0xFFFFFFE0];
	[tilespmem:s13+$0x30] =	vst v16  }
0x3cf: {  	v15 =	vld [tilespmem:s16+$0xFFFFFFF0];
	[tilespmem:s13+$0xFFFFFFD0] =	vst v6;
	v6 =	vsel vm3, v7, v14  }
0x3d0: {  	v19 =	vld [tilespmem:s16+$0x0];
	[tilespmem:s13+$0xFFFFFFE0] =	vst v6;
	v6 =	vsel vm4, v8, v13  }
0x3d1: {  	v20 =	vld [tilespmem:s16+$0x10];
	vm3 =	vlt.s32 v2, $0x1869F;
	[tilespmem:s13+$0xFFFFFFF0] =	vst v6;
	v6 =	vsel vm5, v12, v17  }
0x3d2: {  	vm2 =	vgt.s32 v18, $0xFFFFF;
	vm4 =	vlt.s32 v18, $0x1869F;
	v21 =	vld [tilespmem:s16+$0x20];
	v12 =	vnsel vm3, $0x1869F, v2;
	[tilespmem:s13+$0x0] =	vst v6  }
0x3d3: {  	v6 =	vadd.s32 $0xFFF00000, v18;
	v13 =	vld [tilespmem:s16+$0xFFFFFFC0];
	v14 =	vnsel vm4, $0x1869F, v18;
	vm4 =	vlt.s32 v11, $0x1869F;
	[tilespmem:s12+$0x20] =	vst v10;
	s12 =	smov.u32 s13;
	s13 =	smov.u32 s16  }
0x3d4: {  	vm3 =	vgt.s32 v11, $0xFFFFF;
	v17 =	vnsel vm4, $0x1869F, v11;
	vm4 =	vlt.s32 v15, $0x1869F;
	v22 =	vld.idx.msk [tilespmem:v9+s0+$0x0], $0xffff  }
0x3d5: {  	v7 =	vadd.s32 $0xFFF00000, v11;
	v18 =	vnsel vm4, $0x1869F, v15;
	vm5 =	vlt.s32 v19, $0x1869F;
	v11 =	vld.idx.msk [tilespmem:v4+s0+$0x0], $0xffff  }
0x3d6: {  	vm4 =	vgt.s32 v15, $0xFFFFF;
	v23 =	vnsel vm5, $0x1869F, v19;
	vm5 =	vlt.s32 v20, $0x1869F;
	v10 =	vld.idx.msk [tilespmem:v5+s0+$0x0], $0xffff  }
.Ltmp13:
0x3d7: {  	v8 =	vadd.s32 $0xFFF00000, v15;
	v4 =	vnsel vm5, $0x1869F, v20;
	vm5 =	vlt.s32 v21, $0x1869F;
	v16 =	vld.idx.msk [tilespmem:v12+s0+$0x0], $0xffff;
	(pc) =	sbr.rel @p1 .LBB2_28-.Ltmp13, $4  }
0x3d8: {  	vm6 =	vgt.s32 v13, $0xFFFFF;
	vm8 =	vlt.s32 v13, $0x1869F;
	v15 =	vld.idx.msk [tilespmem:v14+s0+$0x0], $0xffff;
	v5 =	vnsel vm5, $0x1869F, v21  }
0x3d9: {  	v24 =	vadd.s32 $0xFFF00000, v13;
	vm5 =	vgt.s32 v19, $0xFFFFF;
	v9 =	vnsel vm8, $0x1869F, v13;
	v14 =	vld.idx.msk [tilespmem:v17+s0+$0x0], $0xffff  }
0x3da: {  	v12 =	vadd.s32 $0xFFF00000, v19;
	vm8 =	vgt.s32 v20, $0xFFFFF;
	v13 =	vld.idx.msk [tilespmem:v18+s0+$0x0], $0xffff;
	v18 =	vadd.s32 $0xFFF00000, v20  }
0x3db: {  	s16 =	sadd.s32 $0x80, s16;
	vm9 =	vgt.s32 v21, $0xFFFFF;
	v19 =	vadd.s32 $0xFFF00000, v21;
	v20 =	vsel vm7, v3, v22;
	v3 =	vmovc v24;
	v17 =	vld.idx.msk [tilespmem:v23+s0+$0x0], $0xffff  }
0x3dc: {  	_ =	sdelay $0x1  }
0x3dd: {  	vm7 =	vgt.s32 v2, $0xFFFFF;
	v2 =	vadd.s32 $0xFFF00000, v2;
	[tilespmem:s12+$0xFFFFFFC0] =	vst v20;
	v1 =	vsel vm1, v1, v11  }
0x3de: {  	v2 =	vsel vm7, v2, v16;
	[tilespmem:s12+$0x10] =	vst v1  }
0x3df: {  	v0 =	vsel vm0, v0, v10;
	[tilespmem:s13+$0x30] =	vst v2;
	v2 =	vld.idx.msk [tilespmem:v9+s0+$0x0], $0xffff  }
0x3e0: {  	v4 =	vld.idx.msk [tilespmem:v4+s0+$0x0], $0xffff;
	v1 =	vsel vm2, v6, v15;
	[tilespmem:s12+$0x20] =	vst v0  }
0x3e1: {  	v5 =	vld.idx.msk [tilespmem:v5+s0+$0x0], $0xffff;
	[tilespmem:s13+$0xFFFFFFD0] =	vst v1;
	v1 =	vsel vm3, v7, v14  }
0x3e2: {  	[tilespmem:s13+$0xFFFFFFE0] =	vst v1;
	v1 =	vsel vm4, v8, v13  }
0x3e3: {  	vm0 =	vmmov vm6;
	[tilespmem:s13+$0xFFFFFFF0] =	vst v1;
	v1 =	vsel vm5, v12, v17  }
0x3e4: {  	vm1 =	vmmov vm8;
	[tilespmem:s13+$0x0] =	vst v1;
	v0 =	vsel vm0, v3, v2  }
0x3e5: {  	vm0 =	vmmov vm9;
	[tilespmem:s13+$0xFFFFFFC0] =	vst v0;
	v0 =	vsel vm1, v18, v4  }
0x3e6: {  	[tilespmem:s13+$0x10] =	vst v0;
	v0 =	vsel vm0, v19, v5  }
0x3e7: {  	[tilespmem:s13+$0x20] =	vst v0  }
0x3e8: {  	[hbm4b:s18+s0] =	stream.linear.scatter [tilespmem:s28], [sflag:$0x6], $0x1000, $0x38;
	[tilespmem:$0x1F7E0] =	vst v63  }
0x3e9: {  	_ =	swait.ge [sflag:s9], $0x1000  }
0x3ea: {  	[sflag:s9] =	ssyncset.done $0x0  }
0x3eb: {  	[sflag:s9] =	ssyncadd.s32 $0xFFFFF000  }
0x3ec: {  	[tilespmem:s28], [sflag:$0x2] =	stream.linear.gather [hbm4b:s29+s0], $0x1000, $0x38;
	[tilespmem:$0x1F7E0] =	vst v63  }
0x3ed: {  	_ =	swait.ge [sflag:s2], $0x1000  }
0x3ee: {  	[sflag:s2] =	ssyncset.done $0x0  }
0x3ef: {  	s12 =	simm.s32 $0x18740;
	[sflag:s2] =	ssyncadd.s32 $0xFFFFF000  }
0x3f0: {  	v3 =	vld [tilespmem:s12+$0x30]  }
0x3f1: {  	v0 =	vld [tilespmem:s12+$0xFFFFFFD0]  }
0x3f2: {  	v1 =	vld [tilespmem:s12+$0xFFFFFFE0]  }
0x3f3: {  	v2 =	vld [tilespmem:s12+$0xFFFFFFF0]  }
0x3f4: {  	v8 =	vld [tilespmem:s12+$0x20]  }
0x3f5: {  	v6 =	vld [tilespmem:s12+$0x10];
	_ =	sdelay $0x1  }
0x3f6: {  	vm0 =	vlt.s32 v3, $0x1869F;
	vm1 =	vlt.s32 v0, $0x1869F;
	v13 =	vadd.s32 $0xFFF00000, v0  }
0x3f7: {  	v4 =	vld [tilespmem:s12+$0x0];
	vm2 =	vgt.s32 v1, $0xFFFFF;
	v14 =	vadd.s32 $0xFFF00000, v1;
	vm3 =	vgt.s32 v2, $0xFFFFF  }
0x3f8: {  	s13 =	simm.s32 $0x187C0;
	v10 =	vld [tilespmem:s12+$0xFFFFFFC0];
	v15 =	vadd.s32 $0xFFF00000, v2;
	vm6 =	vgt.s32 v8, $0xFFFFF;
	v5 =	vnsel vm0, $0x1869F, v3  }
0x3f9: {  	v19 =	vld [tilespmem:s13+$0x0];
	v7 =	vnsel vm1, $0x1869F, v0;
	vm0 =	vlt.s32 v1, $0x1869F;
	vm1 =	vlt.s32 v6, $0x1869F  }
0x3fa: {  	v24 =	vld [tilespmem:s13+$0x20];
	v9 =	vnsel vm0, $0x1869F, v1;
	vm0 =	vlt.s32 v2, $0x1869F;
	v16 =	vnsel vm1, $0x1869F, v6  }
0x3fb: {  	vm1 =	vlt.s32 v8, $0x1869F;
	v1 =	vadd.s32 $0xFFF00000, v6;
	v11 =	vnsel vm0, $0x1869F, v2;
	v2 =	vld [tilespmem:s13+$0x30]  }
0x3fc: {  	vm0 =	vlt.s32 v4, $0x1869F;
	v17 =	vnsel vm1, $0x1869F, v8;
	vm1 =	vgt.s32 v6, $0xFFFFF;
	v6 =	vld [tilespmem:s13+$0xFFFFFFD0]  }
0x3fd: {  	v12 =	vnsel vm0, $0x1869F, v4;
	vm0 =	vgt.s32 v0, $0xFFFFF;
	v0 =	vadd.s32 $0xFFF00000, v8;
	v8 =	vld [tilespmem:s13+$0xFFFFFFE0]  }
0x3fe: {  	v5 =	vld.idx.msk [tilespmem:v5+s0+$0x0], $0xffff  }
0x3ff: {  	vm4 =	vlt.s32 v10, $0x1869F;
	v7 =	vld.idx.msk [tilespmem:v7+s0+$0x0], $0xffff  }
0x400: {  	v18 =	vnsel vm4, $0x1869F, v10;
	v9 =	vld.idx.msk [tilespmem:v9+s0+$0x0], $0xffff  }
0x401: {  	vm5 =	vgt.s32 v10, $0xFFFFF;
	v20 =	vadd.s32 $0xFFF00000, v10;
	vm7 =	vgt.s32 v3, $0xFFFFF;
	v11 =	vld.idx.msk [tilespmem:v11+s0+$0x0], $0xffff  }
0x402: {  	vm9 =	vgt.s32 v24, $0xFFFFF;
	vm4 =	vgt.s32 v4, $0xFFFFF;
	v3 =	vadd.s32 $0xFFF00000, v3;
	v12 =	vld.idx.msk [tilespmem:v12+s0+$0x0], $0xffff  }
0x403: {  	v22 =	vld [tilespmem:s13+$0x10];
	v4 =	vadd.s32 $0xFFF00000, v4;
	vm1 =	vmmov vm1;
	v3 =	vsel vm7, v3, v5  }
0x404: {  	vm7 =	vmmov vm5;
	v5 =	vsel vm0, v13, v7;
	v13 =	vld [tilespmem:s13+$0xFFFFFFF0];
	vm0 =	vmmov vm6  }
0x405: {  	v26 =	vld.idx.msk [tilespmem:v18+s0+$0x0], $0xffff;
	v7 =	vadd.s32 $0xFFF00000, v8;
	vm5 =	vlt.s32 v19, $0x1869F;
	v9 =	vsel vm2, v14, v9  }
0x406: {  	v27 =	vnsel vm5, $0x1869F, v19;
	v21 =	vsel vm3, v15, v11;
	vm3 =	vlt.s32 v2, $0x1869F  }
0x407: {  	v23 =	vsel vm4, v4, v12;
	vm4 =	vlt.s32 v6, $0x1869F;
	v12 =	vnsel vm3, $0x1869F, v2  }
0x408: {  	vm2 =	vgt.s32 v6, $0xFFFFF;
	v14 =	vld [tilespmem:s13+$0xFFFFFFC0];
	v15 =	vnsel vm4, $0x1869F, v6;
	vm4 =	vlt.s32 v8, $0x1869F  }
0x409: {  	v10 =	vld.idx.msk [tilespmem:v17+s0+$0x0], $0xffff;
	vm5 =	vlt.s32 v22, $0x1869F;
	v25 =	vnsel vm4, $0x1869F, v8;
	vm4 =	vlt.s32 v13, $0x1869F  }
0x40a: {  	v20 =	vsel vm7, v20, v26;
	v11 =	vld.idx.msk [tilespmem:v16+s0+$0x0], $0xffff;
	vm3 =	vgt.s32 v8, $0xFFFFF;
	v18 =	vnsel vm4, $0x1869F, v13  }
0x40b: {  	[tilespmem:s12+$0x30] =	vst v3;
	v4 =	vnsel vm5, $0x1869F, v22;
	vm5 =	vlt.s32 v24, $0x1869F;
	v6 =	vadd.s32 $0xFFF00000, v6;
	v17 =	vld.idx.msk [tilespmem:v27+s0+$0x0], $0xffff  }
0x40c: {  	[tilespmem:s12+$0xFFFFFFD0] =	vst v5;
	v5 =	vnsel vm5, $0x1869F, v24;
	vm5 =	vgt.s32 v19, $0xFFFFF;
	v8 =	vadd.s32 $0xFFF00000, v13;
	v16 =	vld.idx.msk [tilespmem:v12+s0+$0x0], $0xffff  }
0x40d: {  	[tilespmem:s12+$0xFFFFFFE0] =	vst v9;
	vm4 =	vgt.s32 v13, $0xFFFFF;
	vm6 =	vgt.s32 v14, $0xFFFFF;
	vm8 =	vlt.s32 v14, $0x1869F;
	v15 =	vld.idx.msk [tilespmem:v15+s0+$0x0], $0xffff  }
0x40e: {  	[tilespmem:s12+$0xFFFFFFF0] =	vst v21;
	v3 =	vadd.s32 $0xFFF00000, v14;
	v9 =	vnsel vm8, $0x1869F, v14;
	vm8 =	vgt.s32 v22, $0xFFFFF;
	v14 =	vld.idx.msk [tilespmem:v25+s0+$0x0], $0xffff  }
0x40f: {  	s15 =	simm.s32 $0x80;
	s16 =	simm.s32 $0x18840;
	[tilespmem:s12+$0x0] =	vst v23;
	v12 =	vadd.s32 $0xFFF00000, v19;
	v19 =	vadd.s32 $0xFFF00000, v24;
	v13 =	vld.idx.msk [tilespmem:v18+s0+$0x0], $0xffff;
	v18 =	vadd.s32 $0xFFF00000, v22  }
.LBB2_30:
0x410: {  	s15 =	sadd.s32 $0x80, s15;
	vm7 =	vgt.s32 v2, $0xFFFFF;
	v21 =	vadd.s32 $0xFFF00000, v2;
	v2 =	vld [tilespmem:s16+$0x30];
	[tilespmem:s12+$0xFFFFFFC0] =	vst v20;
	v11 =	vsel vm1, v1, v11;
	v1 =	vmovc v18  }
0x411: {  	v10 =	vsel vm0, v0, v10;
	v0 =	vmovc v19;
	v18 =	vld [tilespmem:s16+$0xFFFFFFD0];
	p1 =	slt.u32 s15, $0xF80;
	v16 =	vsel vm7, v21, v16;
	[tilespmem:s12+$0x10] =	vst v11;
	vm7 =	vmmov vm6  }
0x412: {  	vm1 =	vmmov vm8;
	vm0 =	vmmov vm9;
	v6 =	vsel vm2, v6, v15;
	v11 =	vld [tilespmem:s16+$0xFFFFFFE0];
	[tilespmem:s13+$0x30] =	vst v16  }
0x413: {  	v15 =	vld [tilespmem:s16+$0xFFFFFFF0];
	[tilespmem:s13+$0xFFFFFFD0] =	vst v6;
	v6 =	vsel vm3, v7, v14  }
0x414: {  	v19 =	vld [tilespmem:s16+$0x0];
	[tilespmem:s13+$0xFFFFFFE0] =	vst v6;
	v6 =	vsel vm4, v8, v13  }
0x415: {  	v20 =	vld [tilespmem:s16+$0x10];
	vm3 =	vlt.s32 v2, $0x1869F;
	[tilespmem:s13+$0xFFFFFFF0] =	vst v6;
	v6 =	vsel vm5, v12, v17  }
0x416: {  	vm2 =	vgt.s32 v18, $0xFFFFF;
	vm4 =	vlt.s32 v18, $0x1869F;
	v21 =	vld [tilespmem:s16+$0x20];
	v12 =	vnsel vm3, $0x1869F, v2;
	[tilespmem:s13+$0x0] =	vst v6  }
0x417: {  	v6 =	vadd.s32 $0xFFF00000, v18;
	v13 =	vld [tilespmem:s16+$0xFFFFFFC0];
	v14 =	vnsel vm4, $0x1869F, v18;
	vm4 =	vlt.s32 v11, $0x1869F;
	[tilespmem:s12+$0x20] =	vst v10;
	s12 =	smov.u32 s13;
	s13 =	smov.u32 s16  }
0x418: {  	vm3 =	vgt.s32 v11, $0xFFFFF;
	v17 =	vnsel vm4, $0x1869F, v11;
	vm4 =	vlt.s32 v15, $0x1869F;
	v22 =	vld.idx.msk [tilespmem:v9+s0+$0x0], $0xffff  }
0x419: {  	v7 =	vadd.s32 $0xFFF00000, v11;
	v18 =	vnsel vm4, $0x1869F, v15;
	vm5 =	vlt.s32 v19, $0x1869F;
	v11 =	vld.idx.msk [tilespmem:v4+s0+$0x0], $0xffff  }
0x41a: {  	vm4 =	vgt.s32 v15, $0xFFFFF;
	v23 =	vnsel vm5, $0x1869F, v19;
	vm5 =	vlt.s32 v20, $0x1869F;
	v10 =	vld.idx.msk [tilespmem:v5+s0+$0x0], $0xffff  }
.Ltmp14:
0x41b: {  	v8 =	vadd.s32 $0xFFF00000, v15;
	v4 =	vnsel vm5, $0x1869F, v20;
	vm5 =	vlt.s32 v21, $0x1869F;
	v16 =	vld.idx.msk [tilespmem:v12+s0+$0x0], $0xffff;
	(pc) =	sbr.rel @p1 .LBB2_30-.Ltmp14, $4  }
0x41c: {  	vm6 =	vgt.s32 v13, $0xFFFFF;
	vm8 =	vlt.s32 v13, $0x1869F;
	v15 =	vld.idx.msk [tilespmem:v14+s0+$0x0], $0xffff;
	v5 =	vnsel vm5, $0x1869F, v21  }
0x41d: {  	v24 =	vadd.s32 $0xFFF00000, v13;
	vm5 =	vgt.s32 v19, $0xFFFFF;
	v9 =	vnsel vm8, $0x1869F, v13;
	v14 =	vld.idx.msk [tilespmem:v17+s0+$0x0], $0xffff  }
0x41e: {  	v12 =	vadd.s32 $0xFFF00000, v19;
	vm8 =	vgt.s32 v20, $0xFFFFF;
	v13 =	vld.idx.msk [tilespmem:v18+s0+$0x0], $0xffff;
	v18 =	vadd.s32 $0xFFF00000, v20  }
0x41f: {  	s16 =	sadd.s32 $0x80, s16;
	vm9 =	vgt.s32 v21, $0xFFFFF;
	v19 =	vadd.s32 $0xFFF00000, v21;
	v20 =	vsel vm7, v3, v22;
	v3 =	vmovc v24;
	v17 =	vld.idx.msk [tilespmem:v23+s0+$0x0], $0xffff  }
0x420: {  	_ =	sdelay $0x1  }
0x421: {  	vm7 =	vgt.s32 v2, $0xFFFFF;
	v2 =	vadd.s32 $0xFFF00000, v2;
	[tilespmem:s12+$0xFFFFFFC0] =	vst v20;
	v1 =	vsel vm1, v1, v11  }
0x422: {  	v2 =	vsel vm7, v2, v16;
	[tilespmem:s12+$0x10] =	vst v1  }
0x423: {  	v0 =	vsel vm0, v0, v10;
	[tilespmem:s13+$0x30] =	vst v2;
	v2 =	vld.idx.msk [tilespmem:v9+s0+$0x0], $0xffff  }
0x424: {  	v4 =	vld.idx.msk [tilespmem:v4+s0+$0x0], $0xffff;
	v1 =	vsel vm2, v6, v15;
	[tilespmem:s12+$0x20] =	vst v0  }
0x425: {  	v5 =	vld.idx.msk [tilespmem:v5+s0+$0x0], $0xffff;
	[tilespmem:s13+$0xFFFFFFD0] =	vst v1;
	v1 =	vsel vm3, v7, v14  }
0x426: {  	[tilespmem:s13+$0xFFFFFFE0] =	vst v1;
	v1 =	vsel vm4, v8, v13  }
0x427: {  	vm0 =	vmmov vm6;
	[tilespmem:s13+$0xFFFFFFF0] =	vst v1;
	v1 =	vsel vm5, v12, v17  }
0x428: {  	vm1 =	vmmov vm8;
	[tilespmem:s13+$0x0] =	vst v1;
	v0 =	vsel vm0, v3, v2  }
0x429: {  	vm0 =	vmmov vm9;
	[tilespmem:s13+$0xFFFFFFC0] =	vst v0;
	v0 =	vsel vm1, v18, v4  }
0x42a: {  	[tilespmem:s13+$0x10] =	vst v0;
	v0 =	vsel vm0, v19, v5  }
0x42b: {  	[tilespmem:s13+$0x20] =	vst v0  }
0x42c: {  	[hbm4b:s26+s0] =	stream.linear.scatter [tilespmem:s24], [sflag:$0x5], $0x1000, $0x38;
	[tilespmem:$0x1F7E0] =	vst v63  }
0x42d: {  	_ =	swait.ge [sflag:s6], $0x1000  }
0x42e: {  	[sflag:s6] =	ssyncset.done $0x0  }
0x42f: {  	s12 =	simm.s32 $0x19740;
	[sflag:s6] =	ssyncadd.s32 $0xFFFFF000  }
0x430: {  	v3 =	vld [tilespmem:s12+$0x30]  }
0x431: {  	v0 =	vld [tilespmem:s12+$0xFFFFFFD0]  }
0x432: {  	v1 =	vld [tilespmem:s12+$0xFFFFFFE0]  }
0x433: {  	v2 =	vld [tilespmem:s12+$0xFFFFFFF0]  }
0x434: {  	v8 =	vld [tilespmem:s12+$0x20]  }
0x435: {  	v6 =	vld [tilespmem:s12+$0x10];
	_ =	sdelay $0x1  }
0x436: {  	vm0 =	vlt.s32 v3, $0x1869F;
	vm1 =	vlt.s32 v0, $0x1869F;
	v13 =	vadd.s32 $0xFFF00000, v0  }
0x437: {  	v4 =	vld [tilespmem:s12+$0x0];
	vm2 =	vgt.s32 v1, $0xFFFFF;
	v14 =	vadd.s32 $0xFFF00000, v1;
	vm3 =	vgt.s32 v2, $0xFFFFF  }
0x438: {  	s13 =	simm.s32 $0x197C0;
	v10 =	vld [tilespmem:s12+$0xFFFFFFC0];
	v15 =	vadd.s32 $0xFFF00000, v2;
	vm6 =	vgt.s32 v8, $0xFFFFF;
	v5 =	vnsel vm0, $0x1869F, v3  }
0x439: {  	v19 =	vld [tilespmem:s13+$0x0];
	v7 =	vnsel vm1, $0x1869F, v0;
	vm0 =	vlt.s32 v1, $0x1869F;
	vm1 =	vlt.s32 v6, $0x1869F  }
0x43a: {  	v24 =	vld [tilespmem:s13+$0x20];
	v9 =	vnsel vm0, $0x1869F, v1;
	vm0 =	vlt.s32 v2, $0x1869F;
	v16 =	vnsel vm1, $0x1869F, v6  }
0x43b: {  	vm1 =	vlt.s32 v8, $0x1869F;
	v1 =	vadd.s32 $0xFFF00000, v6;
	v11 =	vnsel vm0, $0x1869F, v2;
	v2 =	vld [tilespmem:s13+$0x30]  }
0x43c: {  	vm0 =	vlt.s32 v4, $0x1869F;
	v17 =	vnsel vm1, $0x1869F, v8;
	vm1 =	vgt.s32 v6, $0xFFFFF;
	v6 =	vld [tilespmem:s13+$0xFFFFFFD0]  }
0x43d: {  	v12 =	vnsel vm0, $0x1869F, v4;
	vm0 =	vgt.s32 v0, $0xFFFFF;
	v0 =	vadd.s32 $0xFFF00000, v8;
	v8 =	vld [tilespmem:s13+$0xFFFFFFE0]  }
0x43e: {  	v5 =	vld.idx.msk [tilespmem:v5+s0+$0x0], $0xffff  }
0x43f: {  	vm4 =	vlt.s32 v10, $0x1869F;
	v7 =	vld.idx.msk [tilespmem:v7+s0+$0x0], $0xffff  }
0x440: {  	v18 =	vnsel vm4, $0x1869F, v10;
	v9 =	vld.idx.msk [tilespmem:v9+s0+$0x0], $0xffff  }
0x441: {  	vm5 =	vgt.s32 v10, $0xFFFFF;
	v20 =	vadd.s32 $0xFFF00000, v10;
	vm7 =	vgt.s32 v3, $0xFFFFF;
	v11 =	vld.idx.msk [tilespmem:v11+s0+$0x0], $0xffff  }
0x442: {  	vm9 =	vgt.s32 v24, $0xFFFFF;
	vm4 =	vgt.s32 v4, $0xFFFFF;
	v3 =	vadd.s32 $0xFFF00000, v3;
	v12 =	vld.idx.msk [tilespmem:v12+s0+$0x0], $0xffff  }
0x443: {  	v22 =	vld [tilespmem:s13+$0x10];
	v4 =	vadd.s32 $0xFFF00000, v4;
	vm1 =	vmmov vm1;
	v3 =	vsel vm7, v3, v5  }
0x444: {  	vm7 =	vmmov vm5;
	v5 =	vsel vm0, v13, v7;
	v13 =	vld [tilespmem:s13+$0xFFFFFFF0];
	vm0 =	vmmov vm6  }
0x445: {  	v26 =	vld.idx.msk [tilespmem:v18+s0+$0x0], $0xffff;
	v7 =	vadd.s32 $0xFFF00000, v8;
	vm5 =	vlt.s32 v19, $0x1869F;
	v9 =	vsel vm2, v14, v9  }
0x446: {  	v27 =	vnsel vm5, $0x1869F, v19;
	v21 =	vsel vm3, v15, v11;
	vm3 =	vlt.s32 v2, $0x1869F  }
0x447: {  	v23 =	vsel vm4, v4, v12;
	vm4 =	vlt.s32 v6, $0x1869F;
	v12 =	vnsel vm3, $0x1869F, v2  }
0x448: {  	vm2 =	vgt.s32 v6, $0xFFFFF;
	v14 =	vld [tilespmem:s13+$0xFFFFFFC0];
	v15 =	vnsel vm4, $0x1869F, v6;
	vm4 =	vlt.s32 v8, $0x1869F  }
0x449: {  	v10 =	vld.idx.msk [tilespmem:v17+s0+$0x0], $0xffff;
	vm5 =	vlt.s32 v22, $0x1869F;
	v25 =	vnsel vm4, $0x1869F, v8;
	vm4 =	vlt.s32 v13, $0x1869F  }
0x44a: {  	v20 =	vsel vm7, v20, v26;
	v11 =	vld.idx.msk [tilespmem:v16+s0+$0x0], $0xffff;
	vm3 =	vgt.s32 v8, $0xFFFFF;
	v18 =	vnsel vm4, $0x1869F, v13  }
0x44b: {  	[tilespmem:s12+$0x30] =	vst v3;
	v4 =	vnsel vm5, $0x1869F, v22;
	vm5 =	vlt.s32 v24, $0x1869F;
	v6 =	vadd.s32 $0xFFF00000, v6;
	v17 =	vld.idx.msk [tilespmem:v27+s0+$0x0], $0xffff  }
0x44c: {  	[tilespmem:s12+$0xFFFFFFD0] =	vst v5;
	v5 =	vnsel vm5, $0x1869F, v24;
	vm5 =	vgt.s32 v19, $0xFFFFF;
	v8 =	vadd.s32 $0xFFF00000, v13;
	v16 =	vld.idx.msk [tilespmem:v12+s0+$0x0], $0xffff  }
0x44d: {  	[tilespmem:s12+$0xFFFFFFE0] =	vst v9;
	vm4 =	vgt.s32 v13, $0xFFFFF;
	vm6 =	vgt.s32 v14, $0xFFFFF;
	vm8 =	vlt.s32 v14, $0x1869F;
	v15 =	vld.idx.msk [tilespmem:v15+s0+$0x0], $0xffff  }
0x44e: {  	[tilespmem:s12+$0xFFFFFFF0] =	vst v21;
	v3 =	vadd.s32 $0xFFF00000, v14;
	v9 =	vnsel vm8, $0x1869F, v14;
	vm8 =	vgt.s32 v22, $0xFFFFF;
	v14 =	vld.idx.msk [tilespmem:v25+s0+$0x0], $0xffff  }
0x44f: {  	s15 =	simm.s32 $0x80;
	s16 =	simm.s32 $0x19840;
	[tilespmem:s12+$0x0] =	vst v23;
	v12 =	vadd.s32 $0xFFF00000, v19;
	v19 =	vadd.s32 $0xFFF00000, v24;
	v13 =	vld.idx.msk [tilespmem:v18+s0+$0x0], $0xffff;
	v18 =	vadd.s32 $0xFFF00000, v22  }
.LBB2_32:
0x450: {  	s15 =	sadd.s32 $0x80, s15;
	vm7 =	vgt.s32 v2, $0xFFFFF;
	v21 =	vadd.s32 $0xFFF00000, v2;
	v2 =	vld [tilespmem:s16+$0x30];
	[tilespmem:s12+$0xFFFFFFC0] =	vst v20;
	v11 =	vsel vm1, v1, v11;
	v1 =	vmovc v18  }
0x451: {  	v10 =	vsel vm0, v0, v10;
	v0 =	vmovc v19;
	v18 =	vld [tilespmem:s16+$0xFFFFFFD0];
	p1 =	slt.u32 s15, $0xF80;
	v16 =	vsel vm7, v21, v16;
	[tilespmem:s12+$0x10] =	vst v11;
	vm7 =	vmmov vm6  }
0x452: {  	vm1 =	vmmov vm8;
	vm0 =	vmmov vm9;
	v6 =	vsel vm2, v6, v15;
	v11 =	vld [tilespmem:s16+$0xFFFFFFE0];
	[tilespmem:s13+$0x30] =	vst v16  }
0x453: {  	v15 =	vld [tilespmem:s16+$0xFFFFFFF0];
	[tilespmem:s13+$0xFFFFFFD0] =	vst v6;
	v6 =	vsel vm3, v7, v14  }
0x454: {  	v19 =	vld [tilespmem:s16+$0x0];
	[tilespmem:s13+$0xFFFFFFE0] =	vst v6;
	v6 =	vsel vm4, v8, v13  }
0x455: {  	v20 =	vld [tilespmem:s16+$0x10];
	vm3 =	vlt.s32 v2, $0x1869F;
	[tilespmem:s13+$0xFFFFFFF0] =	vst v6;
	v6 =	vsel vm5, v12, v17  }
0x456: {  	vm2 =	vgt.s32 v18, $0xFFFFF;
	vm4 =	vlt.s32 v18, $0x1869F;
	v21 =	vld [tilespmem:s16+$0x20];
	v12 =	vnsel vm3, $0x1869F, v2;
	[tilespmem:s13+$0x0] =	vst v6  }
0x457: {  	v6 =	vadd.s32 $0xFFF00000, v18;
	v13 =	vld [tilespmem:s16+$0xFFFFFFC0];
	v14 =	vnsel vm4, $0x1869F, v18;
	vm4 =	vlt.s32 v11, $0x1869F;
	[tilespmem:s12+$0x20] =	vst v10;
	s12 =	smov.u32 s13;
	s13 =	smov.u32 s16  }
0x458: {  	vm3 =	vgt.s32 v11, $0xFFFFF;
	v17 =	vnsel vm4, $0x1869F, v11;
	vm4 =	vlt.s32 v15, $0x1869F;
	v22 =	vld.idx.msk [tilespmem:v9+s0+$0x0], $0xffff  }
0x459: {  	v7 =	vadd.s32 $0xFFF00000, v11;
	v18 =	vnsel vm4, $0x1869F, v15;
	vm5 =	vlt.s32 v19, $0x1869F;
	v11 =	vld.idx.msk [tilespmem:v4+s0+$0x0], $0xffff  }
0x45a: {  	vm4 =	vgt.s32 v15, $0xFFFFF;
	v23 =	vnsel vm5, $0x1869F, v19;
	vm5 =	vlt.s32 v20, $0x1869F;
	v10 =	vld.idx.msk [tilespmem:v5+s0+$0x0], $0xffff  }
.Ltmp15:
0x45b: {  	v8 =	vadd.s32 $0xFFF00000, v15;
	v4 =	vnsel vm5, $0x1869F, v20;
	vm5 =	vlt.s32 v21, $0x1869F;
	v16 =	vld.idx.msk [tilespmem:v12+s0+$0x0], $0xffff;
	(pc) =	sbr.rel @p1 .LBB2_32-.Ltmp15, $4  }
0x45c: {  	vm6 =	vgt.s32 v13, $0xFFFFF;
	vm8 =	vlt.s32 v13, $0x1869F;
	v15 =	vld.idx.msk [tilespmem:v14+s0+$0x0], $0xffff;
	v5 =	vnsel vm5, $0x1869F, v21  }
0x45d: {  	v24 =	vadd.s32 $0xFFF00000, v13;
	vm5 =	vgt.s32 v19, $0xFFFFF;
	v9 =	vnsel vm8, $0x1869F, v13;
	v14 =	vld.idx.msk [tilespmem:v17+s0+$0x0], $0xffff  }
0x45e: {  	v12 =	vadd.s32 $0xFFF00000, v19;
	vm8 =	vgt.s32 v20, $0xFFFFF;
	v13 =	vld.idx.msk [tilespmem:v18+s0+$0x0], $0xffff;
	v18 =	vadd.s32 $0xFFF00000, v20  }
0x45f: {  	s16 =	sadd.s32 $0x80, s16;
	vm9 =	vgt.s32 v21, $0xFFFFF;
	v19 =	vadd.s32 $0xFFF00000, v21;
	v20 =	vsel vm7, v3, v22;
	v3 =	vmovc v24;
	v17 =	vld.idx.msk [tilespmem:v23+s0+$0x0], $0xffff  }
0x460: {  	_ =	sdelay $0x1  }
0x461: {  	[tilespmem:s12+$0xFFFFFFC0] =	vst v20;
	v1 =	vsel vm1, v1, v11  }
0x462: {  	vm7 =	vgt.s32 v2, $0xFFFFF;
	v55 =	vadd.s32 $0xFFF00000, v2;
	v0 =	vsel vm0, v0, v10;
	[tilespmem:s12+$0x10] =	vst v1  }
0x463: {  	v57 =	vld.idx.msk [tilespmem:v9+s0+$0x0], $0xffff;
	v2 =	vsel vm7, v55, v16;
	[tilespmem:s12+$0x20] =	vst v0  }
0x464: {  	v4 =	vld.idx.msk [tilespmem:v4+s0+$0x0], $0xffff;
	v56 =	vsel vm2, v6, v15;
	[tilespmem:s13+$0x30] =	vst v2  }
0x465: {  	v5 =	vld.idx.msk [tilespmem:v5+s0+$0x0], $0xffff;
	[tilespmem:s13+$0xFFFFFFD0] =	vst v56;
	v58 =	vsel vm3, v7, v14  }
0x466: {  	[tilespmem:s13+$0xFFFFFFE0] =	vst v58;
	v59 =	vsel vm4, v8, v13  }
0x467: {  	vm13 =	vmmov vm6;
	[tilespmem:s13+$0xFFFFFFF0] =	vst v59;
	v60 =	vsel vm5, v12, v17  }
0x468: {  	vm14 =	vmmov vm8;
	[tilespmem:s13+$0x0] =	vst v60;
	v61 =	vsel vm13, v3, v57  }
0x469: {  	vm15 =	vmmov vm9;
	v62 =	vsel vm14, v18, v4;
	[tilespmem:s13+$0xFFFFFFC0] =	vst v61  }
0x46a: {  	v63 =	vsel vm15, v19, v5;
	[tilespmem:s13+$0x10] =	vst v62  }
0x46b: {  	s10 =	sadd.s32 $0x1, s10;
	[tilespmem:s13+$0x20] =	vst v63  }
0x46c: {  	[hbm4b:s29+s0] =	stream.linear.scatter [tilespmem:s28], [sflag:$0x6], $0x1000, $0x38;
	[tilespmem:$0x1F7E0] =	vst v63  }
0x46d: {  	p1 =	sne.s32 s10, s31;
	_ =	swait.ge [sflag:s9], $0x1000  }
.Ltmp16:
0x46e: {  	[sflag:s9] =	ssyncset.done $0x0;
	(pc) =	sbr.rel @p1 .LBB2_1-.Ltmp16, $4  }
0x46f: {  	[sflag:s9] =	ssyncadd.s32 $0xFFFFF000  }
0x470: {  	_ =	swait.ge [sflag:s4], $0x1000  }
0x471: {  	[sflag:s4] =	ssyncset.done $0x0  }
0x472: {  	[sflag:s4] =	ssyncadd.s32 $0xFFFFF000  }
0x473: {  	_ =	sfence.sel $0x180000  }
0x474: {  	[bflag:$0x0] =	sbarrier.arrive $0xFFFF  }
0x475: {  	_ =	strace $0x90000047  }
0x476: {  	[bflag:$0x2] =	sbarrier.arrive $0xFFFF  }
0x477: {  	s0 =	rddreg [dreg:$0x5]  }
0x478: {  	s0 =	sadd.s32 @!p0 $0x100000, s0  }
0x479: {  	[sflag:s0] =	ssyncadd.tile.s32 @!p0 $0x1;
	_ =	shalt  }
.Lfunc_end2:
_tile_overlayer_lowered:
.L_overlay_start_2:
0x47a: {  	(tag) =	ssettag $0x2  }
0x47b: {  	s0 =	rddreg [dreg:$0x0];
	s2 =	stileid.u32  }
0x47c: {  	s1 =	rddreg [dreg:$0x1];
	p0 =	sne.s32 s2, $0x0  }
0x47d: {  	s3 =	rddreg [dreg:$0x2];
	[bflag:$0x3] =	sbarrier.arrive $0xFFFF;
	s2 =	simm.s32 @!p0 $0x1C07  }
0x47e: {  	[timem:s3], [sflag:s2] =	dma.local @!p0 [hbm:s0], s1  }
0x47f: {  	s0 =	simm.s32 @!p0 $0x7  }
0x480: {  	_ =	swait.ge @!p0 [sflag:s0], s1  }
0x481: {  	s1 =	ssub.s32 @!p0 $0x0, s1;
	[sflag:s0] =	ssyncset.done @!p0 $0x0  }
0x482: {  	[sflag:s0] =	ssyncadd.s32 @!p0 s1  }
0x483: {  	[bflag:$0x3] =	sbarrier.arrive $0xFFFF  }
0x484: {  	_ =	shalt  }

</sc_bundles>
